<compile_context>
chip_gen: v7x
topology: tpu7x:2x2x1
jax: 0.10.2.dev20260603
libtpu: 0.0.44.dev20260713+nightly
codegen_flags: <defaults>
</compile_context>

<pallas_src>
import functools

import jax
import jax.numpy as jnp
from jax import lax
from jax.experimental import pallas as pl
from jax.experimental.pallas import tpu as pltpu
from jax.experimental.pallas import tpu_sc as plsc

H = 8
C = 32
HC = H * C
F_IN = 256
E_DIM = 16
H16 = 16
NC = 2
NS = 16
K = 128
HALF = HC // NC
STRIPE = 640
NP = NS * STRIPE


def _head_sum_matrix(n_in, n_heads, group):
    rows = lax.broadcasted_iota(jnp.int32, (n_in, n_heads), 0)
    cols = lax.broadcasted_iota(jnp.int32, (n_in, n_heads), 1)
    return jnp.where(rows // group == cols, 1.0, 0.0).astype(jnp.float32)


def _proj_body(x_ref, w_ref, asrc_ref, adst_ref, xw_ref, s_ref, d_ref):
    xw = lax.dot_general(x_ref[...], w_ref[...], (((1,), (1,)), ((), ())),
                         preferred_element_type=jnp.float32)
    xw_ref[...] = xw
    S = _head_sum_matrix(HC, H16, C)
    s_ref[...] = lax.dot_general(xw * asrc_ref[...], S,
                                 (((1,), (0,)), ((), ())),
                                 preferred_element_type=jnp.float32)
    d_ref[...] = lax.dot_general(xw * adst_ref[...], S,
                                 (((1,), (0,)), ((), ())),
                                 preferred_element_type=jnp.float32)


def _run_proj(x, W, asrc, adst, n, bn):
    grid = n // bn
    return pl.pallas_call(
        _proj_body,
        grid=(grid,),
        in_specs=[
            pl.BlockSpec((bn, F_IN), lambda i: (i, 0)),
            pl.BlockSpec((HC, F_IN), lambda i: (0, 0)),
            pl.BlockSpec((1, HC), lambda i: (0, 0)),
            pl.BlockSpec((1, HC), lambda i: (0, 0)),
        ],
        out_specs=[
            pl.BlockSpec((bn, HC), lambda i: (i, 0)),
            pl.BlockSpec((bn, H16), lambda i: (i, 0)),
            pl.BlockSpec((bn, H16), lambda i: (i, 0)),
        ],
        out_shape=[
            jax.ShapeDtypeStruct((n, HC), jnp.float32),
            jax.ShapeDtypeStruct((n, H16), jnp.float32),
            jax.ShapeDtypeStruct((n, H16), jnp.float32),
        ],
    )(x, W, asrc, adst)


def _edge_logit_body(ea_ref, we_ref, aedge_ref, e_ref):
    S = _head_sum_matrix(HC, H16, C)
    aw = we_ref[...] * aedge_ref[...]
    V = lax.dot_general(S, aw, (((0,), (0,)), ((), ())),
                        preferred_element_type=jnp.float32)
    e_ref[...] = lax.dot_general(ea_ref[...], V, (((1,), (1,)), ((), ())),
                                 preferred_element_type=jnp.float32)


def _run_edge_logits(ea_p, W_edge, aedge, epad, be):
    grid = epad // be
    return pl.pallas_call(
        _edge_logit_body,
        grid=(grid,),
        in_specs=[
            pl.BlockSpec((be, E_DIM), lambda i: (i, 0)),
            pl.BlockSpec((HC, E_DIM), lambda i: (0, 0)),
            pl.BlockSpec((HC, 1), lambda i: (0, 0)),
        ],
        out_specs=pl.BlockSpec((be, H16), lambda i: (i, 0)),
        out_shape=jax.ShapeDtypeStruct((epad, H16), jnp.float32),
    )(ea_p, W_edge, aedge)


def _sc_pass1_body(src_ref, dst_ref, e_ref, s_ref, d_ref, ones_ref, zeros_ref,
                   p_ref, den_ref, es_ref, cnt_ref,
                   den_sh, es_sh, cnt_sh,
                   sidx0, sidx1, didx0, didx1, srow0, srow1, drow0, drow1,
                   erow0, erow1, prow0, prow1, onesv,
                   gsem0, gsem1, ssem0, ssem1,
                   nb):
    cid = lax.axis_index("c")
    sid = lax.axis_index("s")
    start = pl.multiple_of(sid * STRIPE, 8)

    pltpu.sync_copy(zeros_ref.at[pl.ds(start, STRIPE)],
                    den_sh.at[pl.ds(start, STRIPE)])
    pltpu.sync_copy(zeros_ref.at[pl.ds(start, STRIPE)],
                    es_sh.at[pl.ds(start, STRIPE)])
    pltpu.sync_copy(zeros_ref.at[pl.ds(start, STRIPE)],
                    cnt_sh.at[pl.ds(start, STRIPE)])
    pltpu.sync_copy(ones_ref, onesv)
    plsc.subcore_barrier()

    base = (cid * NS + sid) * (nb * K)
    sidx = (sidx0, sidx1)
    didx = (didx0, didx1)
    srow = (srow0, srow1)
    drow = (drow0, drow1)
    erow = (erow0, erow1)
    prow = (prow0, prow1)
    gsem = (gsem0, gsem1)
    ssem = (ssem0, ssem1)

    def start_batch(slot, b):
        off = pl.multiple_of(base + b * K, 8)
        pltpu.sync_copy(src_ref.at[pl.ds(off, K)], sidx[slot])
        pltpu.sync_copy(dst_ref.at[pl.ds(off, K)], didx[slot])
        pltpu.sync_copy(e_ref.at[pl.ds(off, K)], erow[slot])
        pltpu.async_copy(s_ref.at[sidx[slot]], srow[slot], gsem[slot])
        pltpu.async_copy(d_ref.at[didx[slot]], drow[slot], gsem[slot])

    def finish_batch(slot, b):
        off = pl.multiple_of(base + b * K, 8)
        pltpu.make_async_copy(s_ref.at[sidx[slot]], srow[slot],
                              gsem[slot]).wait()
        pltpu.make_async_copy(d_ref.at[didx[slot]], drow[slot],
                              gsem[slot]).wait()

        def edge_p(j, c2):
            t = srow[slot][j, :] + drow[slot][j, :] + erow[slot][j, :]
            t = jnp.where(t > 0.0, t, 0.2 * t)
            prow[slot][j, :] = jnp.exp(t)
            return c2

        lax.fori_loop(0, K, edge_p, 0)
        pltpu.sync_copy(prow[slot], p_ref.at[pl.ds(off, K)])
        pltpu.sync_copy(prow[slot], den_sh.at[didx[slot]], add=True)
        pltpu.sync_copy(erow[slot], es_sh.at[didx[slot]], add=True)
        pltpu.sync_copy(onesv, cnt_sh.at[didx[slot]], add=True)

    start_batch(0, 0)

    def outer(g, carry):
        start_batch(1, 2 * g + 1)
        finish_batch(0, 2 * g)

        @pl.when(g < (nb // 2) - 1)
        def _():
            start_batch(0, 2 * g + 2)

        finish_batch(1, 2 * g + 1)
        return carry

    lax.fori_loop(0, nb // 2, outer, 0)
    plsc.subcore_barrier()

    pltpu.sync_copy(den_sh.at[pl.ds(start, STRIPE)],
                    den_ref.at[cid, pl.ds(start, STRIPE)])
    pltpu.sync_copy(es_sh.at[pl.ds(start, STRIPE)],
                    es_ref.at[cid, pl.ds(start, STRIPE)])
    pltpu.sync_copy(cnt_sh.at[pl.ds(start, STRIPE)],
                    cnt_ref.at[cid, pl.ds(start, STRIPE)])


def _run_sc_pass1(src_p, dst_p, e, s, d_pad, epad):
    nb = epad // (NC * NS * K)
    ones16 = jnp.ones((K, H16), jnp.float32)
    zeros16 = jnp.zeros((NP, H16), jnp.float32)
    mesh = plsc.VectorSubcoreMesh(core_axis_name="c", subcore_axis_name="s")
    body = functools.partial(_sc_pass1_body, nb=nb)
    fn = pl.kernel(
        body,
        out_type=[
            jax.ShapeDtypeStruct((epad, H16), jnp.float32),
            jax.ShapeDtypeStruct((NC, NP, H16), jnp.float32),
            jax.ShapeDtypeStruct((NC, NP, H16), jnp.float32),
            jax.ShapeDtypeStruct((NC, NP, H16), jnp.float32),
        ],
        mesh=mesh,
        compiler_params=pltpu.CompilerParams(use_tc_tiling_on_sc=False),
        scratch_types=[
            pltpu.VMEM_SHARED((NP, H16), jnp.float32),
            pltpu.VMEM_SHARED((NP, H16), jnp.float32),
            pltpu.VMEM_SHARED((NP, H16), jnp.float32),
            pltpu.VMEM((K,), jnp.int32),
            pltpu.VMEM((K,), jnp.int32),
            pltpu.VMEM((K,), jnp.int32),
            pltpu.VMEM((K,), jnp.int32),
            pltpu.VMEM((K, H16), jnp.float32),
            pltpu.VMEM((K, H16), jnp.float32),
            pltpu.VMEM((K, H16), jnp.float32),
            pltpu.VMEM((K, H16), jnp.float32),
            pltpu.VMEM((K, H16), jnp.float32),
            pltpu.VMEM((K, H16), jnp.float32),
            pltpu.VMEM((K, H16), jnp.float32),
            pltpu.VMEM((K, H16), jnp.float32),
            pltpu.VMEM((K, H16), jnp.float32),
            pltpu.SemaphoreType.DMA,
            pltpu.SemaphoreType.DMA,
            pltpu.SemaphoreType.DMA,
            pltpu.SemaphoreType.DMA,
        ],
    )
    return fn(src_p, dst_p, e, s, d_pad, ones16, zeros16)


def _sc_pass2_body(src_ref, dst_ref, p_ref, xw2_ref, zeros_ref,
                   acc_ref,
                   acc_sh, sidx, didx0, didx1, gidx0, gidx1, prow0, prow1,
                   xrow0, xrow1, gsem0, gsem1, ssem0, ssem1,
                   nb):
    cid = lax.axis_index("c")
    sid = lax.axis_index("s")
    start = pl.multiple_of(sid * STRIPE, 8)

    pltpu.sync_copy(zeros_ref.at[pl.ds(start, STRIPE)],
                    acc_sh.at[pl.ds(start, STRIPE)])
    plsc.subcore_barrier()

    base = sid * (nb * K)
    didx = (didx0, didx1)
    gidx = (gidx0, gidx1)
    prow = (prow0, prow1)
    xrow = (xrow0, xrow1)
    gsem = (gsem0, gsem1)
    ssem = (ssem0, ssem1)

    def start_batch(slot, b):
        off = pl.multiple_of(base + b * K, 8)
        pltpu.sync_copy(src_ref.at[pl.ds(off, K)], sidx)
        pltpu.sync_copy(dst_ref.at[pl.ds(off, K)], didx[slot])
        pltpu.sync_copy(p_ref.at[pl.ds(off, K)], prow[slot])

        def idx_body(i, c2):
            g = sidx[pl.ds(i * 16, 16)] * 2 + cid
            gidx[slot][pl.ds(i * 16, 16)] = g
            return c2

        lax.fori_loop(0, K // 16, idx_body, 0)
        pltpu.async_copy(xw2_ref.at[gidx[slot]], xrow[slot], gsem[slot])

    def finish_batch(slot):
        pltpu.make_async_copy(xw2_ref.at[gidx[slot]], xrow[slot],
                              gsem[slot]).wait()
        xr = xrow[slot]
        pr = prow[slot]

        def edge_body(j, c2):
            pv = pr[j, :]
            for t in range(HALF // 16):
                w = jnp.where(cid == 0, pv[t // 2], pv[H // NC + t // 2])
                xs = xr[j, pl.ds(t * 16, 16)]
                xr[j, pl.ds(t * 16, 16)] = xs * w
            return c2

        lax.fori_loop(0, K, edge_body, 0)
        pltpu.sync_copy(xr, acc_sh.at[didx[slot]], add=True)

    start_batch(0, 0)

    def outer(g, carry):
        start_batch(1, 2 * g + 1)
        finish_batch(0)

        @pl.when(g < (nb // 2) - 1)
        def _():
            start_batch(0, 2 * g + 2)

        finish_batch(1)
        return carry

    lax.fori_loop(0, nb // 2, outer, 0)
    plsc.subcore_barrier()
    pltpu.sync_copy(acc_sh.at[pl.ds(start, STRIPE)],
                    acc_ref.at[cid, pl.ds(start, STRIPE)])


def _run_sc_pass2(src_p, dst_p, p_flat, xw2, epad):
    nb = epad // (NS * K)
    zerosw = jnp.zeros((NP, HALF), jnp.float32)
    mesh = plsc.VectorSubcoreMesh(core_axis_name="c", subcore_axis_name="s")
    body = functools.partial(_sc_pass2_body, nb=nb)
    fn = pl.kernel(
        body,
        out_type=jax.ShapeDtypeStruct((NC, NP, HALF), jnp.float32),
        mesh=mesh,
        compiler_params=pltpu.CompilerParams(use_tc_tiling_on_sc=False),
        scratch_types=[
            pltpu.VMEM_SHARED((NP, HALF), jnp.float32),
            pltpu.VMEM((K,), jnp.int32),
            pltpu.VMEM((K,), jnp.int32),
            pltpu.VMEM((K,), jnp.int32),
            pltpu.VMEM((K,), jnp.int32),
            pltpu.VMEM((K,), jnp.int32),
            pltpu.VMEM((K, H16), jnp.float32),
            pltpu.VMEM((K, H16), jnp.float32),
            pltpu.VMEM((K, HALF), jnp.float32),
            pltpu.VMEM((K, HALF), jnp.float32),
            pltpu.SemaphoreType.DMA,
            pltpu.SemaphoreType.DMA,
            pltpu.SemaphoreType.DMA,
            pltpu.SemaphoreType.DMA,
        ],
    )
    return fn(src_p, dst_p, p_flat, xw2, zerosw)


def _combine_body(acc0_ref, acc1_ref, den0_ref, den1_ref, es0_ref, es1_ref,
                  cnt0_ref, cnt1_ref, s_ref, d_ref, xw_ref, bias_ref, out_ref):
    den = den0_ref[...] + den1_ref[...]
    es = es0_ref[...] + es1_ref[...]
    deg = cnt0_ref[...] + cnt1_ref[...]
    eloop = es / jnp.maximum(deg, 1.0)
    t = s_ref[...] + d_ref[...] + eloop
    t = jnp.where(t > 0.0, t, 0.2 * t)
    aself = jnp.exp(t)
    scale = 1.0 / ((den + aself + 1e-16) * (deg + 1.0))
    Ex = _head_sum_matrix(HC, H16, C)
    aself_w = lax.dot_general(aself, Ex, (((1,), (1,)), ((), ())),
                              preferred_element_type=jnp.float32)
    scale_w = lax.dot_general(scale, Ex, (((1,), (1,)), ((), ())),
                              preferred_element_type=jnp.float32)
    acc = jnp.concatenate([acc0_ref[...], acc1_ref[...]], axis=1)
    o = (acc + aself_w * xw_ref[...]) * scale_w + bias_ref[...]
    out_ref[...] = jnp.where(o > 0.0, o, jnp.exp(o) - 1.0)


def _run_combine(acc0, acc1, den2, es2, cnt2, s, d, xw, bias_row, n, bn):
    grid = n // bn
    nspec = lambda w: pl.BlockSpec((bn, w), lambda i: (i, 0))
    return pl.pallas_call(
        _combine_body,
        grid=(grid,),
        in_specs=[
            nspec(HALF), nspec(HALF),
            nspec(H16), nspec(H16), nspec(H16), nspec(H16),
            nspec(H16), nspec(H16),
            nspec(H16), nspec(H16),
            nspec(HC),
            pl.BlockSpec((1, HC), lambda i: (0, 0)),
        ],
        out_specs=pl.BlockSpec((bn, HC), lambda i: (i, 0)),
        out_shape=jax.ShapeDtypeStruct((n, HC), jnp.float32),
    )(acc0, acc1, den2[0], den2[1], es2[0], es2[1], cnt2[0], cnt2[1],
      s, d, xw, bias_row)


def kernel(x, edge_index, edge_attr, W, W_edge, att_src, att_dst, att_edge,
           bias):
    n = x.shape[0]
    e_cnt = edge_index.shape[1]
    chunk = NC * NS * K
    epad = ((e_cnt + chunk - 1) // chunk) * chunk
    pad = epad - e_cnt

    src_p = jnp.concatenate(
        [edge_index[0].astype(jnp.int32), jnp.zeros((pad,), jnp.int32)])
    dst_p = jnp.concatenate(
        [edge_index[1].astype(jnp.int32), jnp.full((pad,), n, jnp.int32)])
    ea_p = jnp.concatenate(
        [edge_attr, jnp.zeros((pad, E_DIM), jnp.float32)], axis=0)

    asrc = att_src.reshape(1, HC)
    adst = att_dst.reshape(1, HC)
    aedge = att_edge.reshape(HC, 1)
    bias_row = bias.reshape(1, HC)

    xw, s, d = _run_proj(x, W, asrc, adst, n, bn=2000)
    e = _run_edge_logits(ea_p, W_edge, aedge, epad, be=4096)

    d_pad = jnp.concatenate([d, jnp.zeros((1, H16), jnp.float32)], axis=0)
    p, den2, es2, cnt2 = _run_sc_pass1(src_p, dst_p, e, s, d_pad, epad)

    xw2 = xw.reshape(n * NC, HALF)
    acc2 = _run_sc_pass2(src_p, dst_p, p, xw2, epad)

    return _run_combine(acc2[0, :n], acc2[1, :n], den2[:, :n], es2[:, :n],
                        cnt2[:, :n], s, d, xw, bias_row, n, bn=2000)

# --- scband reference (transcript-rebuilt; emitter-appended) ---
"""Pipeline reference for scband-stock-gat-39599598469908 (READ-ONLY COPY).

The authoritative reference and input builder live on the scoring server;
editing this copy changes nothing except your own understanding.
"""

import jax, jax.numpy as jnp
import numpy as np

H = 8
C = 32
F_IN = 256
E_DIM = 16


def setup_inputs(seed: int = 0) -> dict:
    key = jax.random.key(seed)
    ks = jax.random.split(key, 9)
    N = 10000
    E = 160000
    x = jax.random.normal(ks[0], (N, F_IN), dtype=jnp.float32)
    edge_index = jax.random.randint(ks[1], (2, E), 0, N, dtype=jnp.int64)
    edge_attr = jax.random.normal(ks[2], (E, E_DIM), dtype=jnp.float32)
    W = jax.random.normal(ks[3], (H * C, F_IN), dtype=jnp.float32) * 0.05
    W_edge = jax.random.normal(ks[4], (H * C, E_DIM), dtype=jnp.float32) * 0.05
    att_src = jax.random.normal(ks[5], (1, H, C), dtype=jnp.float32) * 0.05
    att_dst = jax.random.normal(ks[6], (1, H, C), dtype=jnp.float32) * 0.05
    att_edge = jax.random.normal(ks[7], (1, H, C), dtype=jnp.float32) * 0.05
    bias = jnp.zeros((H * C,), dtype=jnp.float32)
    return {"x": x, "edge_index": edge_index, "edge_attr": edge_attr,
            "W": W, "W_edge": W_edge, "att_src": att_src, "att_dst": att_dst,
            "att_edge": att_edge, "bias": bias}


def reference(x, edge_index, edge_attr, W, W_edge, att_src, att_dst, att_edge, bias):
    N = x.shape[0]
    src = edge_index[0]
    dst = edge_index[1]
    E = src.shape[0]
    # --- add_remaining_self_loops with fill_value='mean' (PyG GATConv default) ---
    attr_sum = jax.ops.segment_sum(edge_attr, dst, num_segments=N)
    cnt = jax.ops.segment_sum(jnp.ones((E,), dtype=jnp.float32), dst, num_segments=N)
    loop_attr = attr_sum / jnp.maximum(cnt, 1.0)[:, None]
    loop = jnp.arange(N, dtype=src.dtype)
    src_f = jnp.concatenate([src, loop])
    dst_f = jnp.concatenate([dst, loop])
    ea = jnp.concatenate([edge_attr, loop_attr], axis=0)
    # --- linear projections ---
    xw = (x @ W.T).reshape(N, H, C)
    ew = (ea @ W_edge.T).reshape(-1, H, C)
    # --- attention logits ---
    a_src = (xw * att_src).sum(-1)  # [N, H]
    a_dst = (xw * att_dst).sum(-1)  # [N, H]
    a_edge = (ew * att_edge).sum(-1)  # [E+N, H]
    alpha = a_src[src_f] + a_dst[dst_f] + a_edge
    alpha = jax.nn.leaky_relu(alpha, negative_slope=0.2)
    # --- softmax over incoming edges per dst node ---
    amax = jax.ops.segment_max(alpha, dst_f, num_segments=N)
    alpha = jnp.exp(alpha - amax[dst_f])
    denom = jax.ops.segment_sum(alpha, dst_f, num_segments=N)
    alpha = alpha / (denom[dst_f] + 1e-16)
    # --- message + aggr='mean' ---
    msg = xw[src_f] * alpha[:, :, None]  # [E+N, H, C]
    out_sum = jax.ops.segment_sum(msg, dst_f, num_segments=N)
    cnt_f = jax.ops.segment_sum(jnp.ones((src_f.shape[0],), dtype=jnp.float32), dst_f, num_segments=N)
    out = out_sum / jnp.maximum(cnt_f, 1.0)[:, None, None]
    out = out.reshape(N, H * C) + bias
    return jax.nn.elu(out)

if __name__ == "__main__":
    import jax
    _d = setup_inputs()
    print(jax.jit(kernel)(*tuple(_d.values())))

</pallas_src>

<mosaic_0001>
#map = affine_map<(d0, d1) -> (0)>
#map1 = affine_map<(d0, d1) -> (0, 0)>
#map2 = affine_map<(d0, d1) -> (0, 0, 0)>
module attributes {stable_mosaic.version = 14 : i64} {
  func.func @_sc_pass1_body(%arg0: i32, %arg1: i32, %arg2: memref<163840xi32, #tpu.memory_space<hbm>>, %arg3: memref<163840xi32, #tpu.memory_space<hbm>>, %arg4: memref<163840x16xf32, #tpu.memory_space<hbm>>, %arg5: memref<10000x16xf32, #tpu.memory_space<hbm>>, %arg6: memref<10001x16xf32, #tpu.memory_space<hbm>>, %arg7: memref<128x16xf32, #tpu.memory_space<hbm>>, %arg8: memref<10240x16xf32, #tpu.memory_space<hbm>>, %arg9: memref<163840x16xf32, #tpu.memory_space<hbm>>, %arg10: memref<2x10240x16xf32, #tpu.memory_space<hbm>>, %arg11: memref<2x10240x16xf32, #tpu.memory_space<hbm>>, %arg12: memref<2x10240x16xf32, #tpu.memory_space<hbm>>, %arg13: memref<10240x16xf32, #tpu.memory_space<vmem_shared>>, %arg14: memref<10240x16xf32, #tpu.memory_space<vmem_shared>>, %arg15: memref<10240x16xf32, #tpu.memory_space<vmem_shared>>, %arg16: memref<128xi32, #tpu.memory_space<vmem>>, %arg17: memref<128xi32, #tpu.memory_space<vmem>>, %arg18: memref<128xi32, #tpu.memory_space<vmem>>, %arg19: memref<128xi32, #tpu.memory_space<vmem>>, %arg20: memref<128x16xf32, #tpu.memory_space<vmem>>, %arg21: memref<128x16xf32, #tpu.memory_space<vmem>>, %arg22: memref<128x16xf32, #tpu.memory_space<vmem>>, %arg23: memref<128x16xf32, #tpu.memory_space<vmem>>, %arg24: memref<128x16xf32, #tpu.memory_space<vmem>>, %arg25: memref<128x16xf32, #tpu.memory_space<vmem>>, %arg26: memref<128x16xf32, #tpu.memory_space<vmem>>, %arg27: memref<128x16xf32, #tpu.memory_space<vmem>>, %arg28: memref<128x16xf32, #tpu.memory_space<vmem>>, %arg29: memref<!tpu.dma_semaphore, #tpu.memory_space<semaphore_mem>>, %arg30: memref<!tpu.dma_semaphore, #tpu.memory_space<semaphore_mem>>, %arg31: memref<!tpu.dma_semaphore, #tpu.memory_space<semaphore_mem>>, %arg32: memref<!tpu.dma_semaphore, #tpu.memory_space<semaphore_mem>>) attributes {dimension_semantics = [#tpu.dimension_semantics<core_parallel>, #tpu.dimension_semantics<subcore_parallel>], iteration_bounds = array<i64: 2, 16>, scalar_prefetch = 0 : i64, scratch_operands = 20 : i64, tpu.core_type = #tpu.core_type<sc_vector_subcore>, window_params = [{transform_indices = #map}, {transform_indices = #map}, {transform_indices = #map1}, {transform_indices = #map1}, {transform_indices = #map1}, {transform_indices = #map1}, {transform_indices = #map1}, {transform_indices = #map1}, {transform_indices = #map2}, {transform_indices = #map2}, {transform_indices = #map2}]} {
    %mul3A = arith.constant 640 : i32
    %mul3A_0 = arith.muli %arg1, %mul3A : i32
    %multiple_of3A = tpu.assume_multiple %mul3A_0, 8 : i32
    "tpu.region"() ({
      %run_scoped3A = tpu.sem_alloc : memref<!tpu.dma_semaphore, #tpu.memory_space<semaphore_mem>>
      %dma_start3A_19 = arith.constant 0 : i32
      %dma_start3A_20 = tpu.memref_slice %arg13[%multiple_of3A, %dma_start3A_19] : memref<10240x16xf32, #tpu.memory_space<vmem_shared>> -> memref<640x16xf32, #tpu.memory_space<vmem_shared>>
      %dma_start3A_21 = arith.constant 0 : i32
      %dma_start3A_22 = tpu.memref_slice %arg8[%multiple_of3A, %dma_start3A_21] : memref<10240x16xf32, #tpu.memory_space<hbm>> -> memref<640x16xf32, #tpu.memory_space<hbm>>
      tpu.enqueue_dma source(%dma_start3A_22 : memref<640x16xf32, #tpu.memory_space<hbm>>) target(%dma_start3A_20 : memref<640x16xf32, #tpu.memory_space<vmem_shared>>) target_semaphore(%run_scoped3A : memref<!tpu.dma_semaphore, #tpu.memory_space<semaphore_mem>>)
      %dma_wait3A = arith.constant 0 : i32
      %dma_wait3A_23 = tpu.memref_slice %arg13[%multiple_of3A, %dma_wait3A] : memref<10240x16xf32, #tpu.memory_space<vmem_shared>> -> memref<640x16xf32, #tpu.memory_space<vmem_shared>>
      %dma_wait3A_24 = arith.constant 0 : i32
      %dma_wait3A_25 = tpu.memref_slice %arg8[%multiple_of3A, %dma_wait3A_24] : memref<10240x16xf32, #tpu.memory_space<hbm>> -> memref<640x16xf32, #tpu.memory_space<hbm>>
      tpu.wait_dma2 semaphore(%run_scoped3A : memref<!tpu.dma_semaphore, #tpu.memory_space<semaphore_mem>>) src(%dma_wait3A_25 : memref<640x16xf32, #tpu.memory_space<hbm>>) dst(%dma_wait3A_23 : memref<640x16xf32, #tpu.memory_space<vmem_shared>>)
      tpu.yield
    }) : () -> ()
    "tpu.region"() ({
      %run_scoped3A = tpu.sem_alloc : memref<!tpu.dma_semaphore, #tpu.memory_space<semaphore_mem>>
      %dma_start3A_19 = arith.constant 0 : i32
      %dma_start3A_20 = tpu.memref_slice %arg14[%multiple_of3A, %dma_start3A_19] : memref<10240x16xf32, #tpu.memory_space<vmem_shared>> -> memref<640x16xf32, #tpu.memory_space<vmem_shared>>
      %dma_start3A_21 = arith.constant 0 : i32
      %dma_start3A_22 = tpu.memref_slice %arg8[%multiple_of3A, %dma_start3A_21] : memref<10240x16xf32, #tpu.memory_space<hbm>> -> memref<640x16xf32, #tpu.memory_space<hbm>>
      tpu.enqueue_dma source(%dma_start3A_22 : memref<640x16xf32, #tpu.memory_space<hbm>>) target(%dma_start3A_20 : memref<640x16xf32, #tpu.memory_space<vmem_shared>>) target_semaphore(%run_scoped3A : memref<!tpu.dma_semaphore, #tpu.memory_space<semaphore_mem>>)
      %dma_wait3A = arith.constant 0 : i32
      %dma_wait3A_23 = tpu.memref_slice %arg14[%multiple_of3A, %dma_wait3A] : memref<10240x16xf32, #tpu.memory_space<vmem_shared>> -> memref<640x16xf32, #tpu.memory_space<vmem_shared>>
      %dma_wait3A_24 = arith.constant 0 : i32
      %dma_wait3A_25 = tpu.memref_slice %arg8[%multiple_of3A, %dma_wait3A_24] : memref<10240x16xf32, #tpu.memory_space<hbm>> -> memref<640x16xf32, #tpu.memory_space<hbm>>
      tpu.wait_dma2 semaphore(%run_scoped3A : memref<!tpu.dma_semaphore, #tpu.memory_space<semaphore_mem>>) src(%dma_wait3A_25 : memref<640x16xf32, #tpu.memory_space<hbm>>) dst(%dma_wait3A_23 : memref<640x16xf32, #tpu.memory_space<vmem_shared>>)
      tpu.yield
    }) : () -> ()
    "tpu.region"() ({
      %run_scoped3A = tpu.sem_alloc : memref<!tpu.dma_semaphore, #tpu.memory_space<semaphore_mem>>
      %dma_start3A_19 = arith.constant 0 : i32
      %dma_start3A_20 = tpu.memref_slice %arg15[%multiple_of3A, %dma_start3A_19] : memref<10240x16xf32, #tpu.memory_space<vmem_shared>> -> memref<640x16xf32, #tpu.memory_space<vmem_shared>>
      %dma_start3A_21 = arith.constant 0 : i32
      %dma_start3A_22 = tpu.memref_slice %arg8[%multiple_of3A, %dma_start3A_21] : memref<10240x16xf32, #tpu.memory_space<hbm>> -> memref<640x16xf32, #tpu.memory_space<hbm>>
      tpu.enqueue_dma source(%dma_start3A_22 : memref<640x16xf32, #tpu.memory_space<hbm>>) target(%dma_start3A_20 : memref<640x16xf32, #tpu.memory_space<vmem_shared>>) target_semaphore(%run_scoped3A : memref<!tpu.dma_semaphore, #tpu.memory_space<semaphore_mem>>)
      %dma_wait3A = arith.constant 0 : i32
      %dma_wait3A_23 = tpu.memref_slice %arg15[%multiple_of3A, %dma_wait3A] : memref<10240x16xf32, #tpu.memory_space<vmem_shared>> -> memref<640x16xf32, #tpu.memory_space<vmem_shared>>
      %dma_wait3A_24 = arith.constant 0 : i32
      %dma_wait3A_25 = tpu.memref_slice %arg8[%multiple_of3A, %dma_wait3A_24] : memref<10240x16xf32, #tpu.memory_space<hbm>> -> memref<640x16xf32, #tpu.memory_space<hbm>>
      tpu.wait_dma2 semaphore(%run_scoped3A : memref<!tpu.dma_semaphore, #tpu.memory_space<semaphore_mem>>) src(%dma_wait3A_25 : memref<640x16xf32, #tpu.memory_space<hbm>>) dst(%dma_wait3A_23 : memref<640x16xf32, #tpu.memory_space<vmem_shared>>)
      tpu.yield
    }) : () -> ()
    "tpu.region"() ({
      %run_scoped3A = tpu.sem_alloc : memref<!tpu.dma_semaphore, #tpu.memory_space<semaphore_mem>>
      tpu.enqueue_dma source(%arg7 : memref<128x16xf32, #tpu.memory_space<hbm>>) target(%arg28 : memref<128x16xf32, #tpu.memory_space<vmem>>) target_semaphore(%run_scoped3A : memref<!tpu.dma_semaphore, #tpu.memory_space<semaphore_mem>>)
      tpu.wait_dma2 semaphore(%run_scoped3A : memref<!tpu.dma_semaphore, #tpu.memory_space<semaphore_mem>>) src(%arg7 : memref<128x16xf32, #tpu.memory_space<hbm>>) dst(%arg28 : memref<128x16xf32, #tpu.memory_space<vmem>>)
      tpu.yield
    }) : () -> ()
    %barrier3A = arith.constant 0 : index
    tpu.barrier barrier_id(%barrier3A)
    %mul3A_1 = arith.constant 16 : i32
    %mul3A_2 = arith.muli %arg0, %mul3A_1 : i32
    %add3A = arith.addi %mul3A_2, %arg1 : i32
    %mul3A_3 = arith.constant 5120 : i32
    %mul3A_4 = arith.muli %add3A, %mul3A_3 : i32
    %add3A_5 = arith.constant 0 : i32
    %add3A_6 = arith.addi %mul3A_4, %add3A_5 : i32
    %multiple_of3A_7 = tpu.assume_multiple %add3A_6, 8 : i32
    "tpu.region"() ({
      %run_scoped3A = tpu.sem_alloc : memref<!tpu.dma_semaphore, #tpu.memory_space<semaphore_mem>>
      %dma_start3A_19 = tpu.memref_slice %arg2[%multiple_of3A_7] : memref<163840xi32, #tpu.memory_space<hbm>> -> memref<128xi32, #tpu.memory_space<hbm>>
      %dma_start3A_20 = tpu.memref_slice %arg2[%multiple_of3A_7] : memref<163840xi32, #tpu.memory_space<hbm>> -> memref<128xi32, #tpu.memory_space<hbm>>
      tpu.enqueue_dma source(%dma_start3A_20 : memref<128xi32, #tpu.memory_space<hbm>>) target(%arg16 : memref<128xi32, #tpu.memory_space<vmem>>) target_semaphore(%run_scoped3A : memref<!tpu.dma_semaphore, #tpu.memory_space<semaphore_mem>>)
      %dma_wait3A = tpu.memref_slice %arg2[%multiple_of3A_7] : memref<163840xi32, #tpu.memory_space<hbm>> -> memref<128xi32, #tpu.memory_space<hbm>>
      %dma_wait3A_21 = tpu.memref_slice %arg2[%multiple_of3A_7] : memref<163840xi32, #tpu.memory_space<hbm>> -> memref<128xi32, #tpu.memory_space<hbm>>
      tpu.wait_dma2 semaphore(%run_scoped3A : memref<!tpu.dma_semaphore, #tpu.memory_space<semaphore_mem>>) src(%dma_wait3A_21 : memref<128xi32, #tpu.memory_space<hbm>>) dst(%arg16 : memref<128xi32, #tpu.memory_space<vmem>>)
      tpu.yield
    }) : () -> ()
    "tpu.region"() ({
      %run_scoped3A = tpu.sem_alloc : memref<!tpu.dma_semaphore, #tpu.memory_space<semaphore_mem>>
      %dma_start3A_19 = tpu.memref_slice %arg3[%multiple_of3A_7] : memref<163840xi32, #tpu.memory_space<hbm>> -> memref<128xi32, #tpu.memory_space<hbm>>
      %dma_start3A_20 = tpu.memref_slice %arg3[%multiple_of3A_7] : memref<163840xi32, #tpu.memory_space<hbm>> -> memref<128xi32, #tpu.memory_space<hbm>>
      tpu.enqueue_dma source(%dma_start3A_20 : memref<128xi32, #tpu.memory_space<hbm>>) target(%arg18 : memref<128xi32, #tpu.memory_space<vmem>>) target_semaphore(%run_scoped3A : memref<!tpu.dma_semaphore, #tpu.memory_space<semaphore_mem>>)
      %dma_wait3A = tpu.memref_slice %arg3[%multiple_of3A_7] : memref<163840xi32, #tpu.memory_space<hbm>> -> memref<128xi32, #tpu.memory_space<hbm>>
      %dma_wait3A_21 = tpu.memref_slice %arg3[%multiple_of3A_7] : memref<163840xi32, #tpu.memory_space<hbm>> -> memref<128xi32, #tpu.memory_space<hbm>>
      tpu.wait_dma2 semaphore(%run_scoped3A : memref<!tpu.dma_semaphore, #tpu.memory_space<semaphore_mem>>) src(%dma_wait3A_21 : memref<128xi32, #tpu.memory_space<hbm>>) dst(%arg18 : memref<128xi32, #tpu.memory_space<vmem>>)
      tpu.yield
    }) : () -> ()
    "tpu.region"() ({
      %run_scoped3A = tpu.sem_alloc : memref<!tpu.dma_semaphore, #tpu.memory_space<semaphore_mem>>
      %dma_start3A_19 = arith.constant 0 : i32
      %dma_start3A_20 = tpu.memref_slice %arg4[%multiple_of3A_7, %dma_start3A_19] : memref<163840x16xf32, #tpu.memory_space<hbm>> -> memref<128x16xf32, #tpu.memory_space<hbm>>
      %dma_start3A_21 = arith.constant 0 : i32
      %dma_start3A_22 = tpu.memref_slice %arg4[%multiple_of3A_7, %dma_start3A_21] : memref<163840x16xf32, #tpu.memory_space<hbm>> -> memref<128x16xf32, #tpu.memory_space<hbm>>
      tpu.enqueue_dma source(%dma_start3A_22 : memref<128x16xf32, #tpu.memory_space<hbm>>) target(%arg24 : memref<128x16xf32, #tpu.memory_space<vmem>>) target_semaphore(%run_scoped3A : memref<!tpu.dma_semaphore, #tpu.memory_space<semaphore_mem>>)
      %dma_wait3A = arith.constant 0 : i32
      %dma_wait3A_23 = tpu.memref_slice %arg4[%multiple_of3A_7, %dma_wait3A] : memref<163840x16xf32, #tpu.memory_space<hbm>> -> memref<128x16xf32, #tpu.memory_space<hbm>>
      %dma_wait3A_24 = arith.constant 0 : i32
      %dma_wait3A_25 = tpu.memref_slice %arg4[%multiple_of3A_7, %dma_wait3A_24] : memref<163840x16xf32, #tpu.memory_space<hbm>> -> memref<128x16xf32, #tpu.memory_space<hbm>>
      tpu.wait_dma2 semaphore(%run_scoped3A : memref<!tpu.dma_semaphore, #tpu.memory_space<semaphore_mem>>) src(%dma_wait3A_25 : memref<128x16xf32, #tpu.memory_space<hbm>>) dst(%arg24 : memref<128x16xf32, #tpu.memory_space<vmem>>)
      tpu.yield
    }) : () -> ()
    %dma_start3A = arith.constant 0 : i32
    %dma_start3A_8 = arith.constant 0 : i32
    %dma_start3A_9 = tpu.memref_slice %arg5[%dma_start3A, %dma_start3A_8] : memref<10000x16xf32, #tpu.memory_space<hbm>> -> memref<10000x16xf32, #tpu.memory_space<hbm>>
    tpu.enqueue_indirect_dma source(%dma_start3A_9 : memref<10000x16xf32, #tpu.memory_space<hbm>>) target(%arg20 : memref<128x16xf32, #tpu.memory_space<vmem>>) offsets(%arg16 : memref<128xi32, #tpu.memory_space<vmem>>) semaphore(%arg29 : memref<!tpu.dma_semaphore, #tpu.memory_space<semaphore_mem>>)
    %dma_start3A_10 = arith.constant 0 : i32
    %dma_start3A_11 = arith.constant 0 : i32
    %dma_start3A_12 = tpu.memref_slice %arg6[%dma_start3A_10, %dma_start3A_11] : memref<10001x16xf32, #tpu.memory_space<hbm>> -> memref<10001x16xf32, #tpu.memory_space<hbm>>
    tpu.enqueue_indirect_dma source(%dma_start3A_12 : memref<10001x16xf32, #tpu.memory_space<hbm>>) target(%arg22 : memref<128x16xf32, #tpu.memory_space<vmem>>) offsets(%arg18 : memref<128xi32, #tpu.memory_space<vmem>>) semaphore(%arg29 : memref<!tpu.dma_semaphore, #tpu.memory_space<semaphore_mem>>)
    %scan3A = arith.constant 0 : i32
    %scan3A_13 = arith.constant 0 : i32
    %scan3A_14 = arith.constant 20 : i32
    %scan3A_15 = arith.addi %scan3A_13, %scan3A_14 : i32
    %scan3A_16 = arith.constant 1 : i32
    scf.for %scan3A_19 = %scan3A_13 to %scan3A_15 step %scan3A_16  : i32 {
      %mul3A_20 = arith.constant 2 : i32
      %mul3A_21 = arith.muli %mul3A_20, %scan3A_19 : i32
      %add3A_22 = arith.constant 1 : i32
      %add3A_23 = arith.addi %mul3A_21, %add3A_22 : i32
      %mul3A_24 = arith.constant 128 : i32
      %mul3A_25 = arith.muli %add3A_23, %mul3A_24 : i32
      %add3A_26 = arith.addi %mul3A_4, %mul3A_25 : i32
      %multiple_of3A_27 = tpu.assume_multiple %add3A_26, 8 : i32
      "tpu.region"() ({
        %run_scoped3A = tpu.sem_alloc : memref<!tpu.dma_semaphore, #tpu.memory_space<semaphore_mem>>
        %dma_start3A_73 = tpu.memref_slice %arg2[%multiple_of3A_27] : memref<163840xi32, #tpu.memory_space<hbm>> -> memref<128xi32, #tpu.memory_space<hbm>>
        %dma_start3A_74 = tpu.memref_slice %arg2[%multiple_of3A_27] : memref<163840xi32, #tpu.memory_space<hbm>> -> memref<128xi32, #tpu.memory_space<hbm>>
        tpu.enqueue_dma source(%dma_start3A_74 : memref<128xi32, #tpu.memory_space<hbm>>) target(%arg17 : memref<128xi32, #tpu.memory_space<vmem>>) target_semaphore(%run_scoped3A : memref<!tpu.dma_semaphore, #tpu.memory_space<semaphore_mem>>)
        %dma_wait3A_75 = tpu.memref_slice %arg2[%multiple_of3A_27] : memref<163840xi32, #tpu.memory_space<hbm>> -> memref<128xi32, #tpu.memory_space<hbm>>
        %dma_wait3A_76 = tpu.memref_slice %arg2[%multiple_of3A_27] : memref<163840xi32, #tpu.memory_space<hbm>> -> memref<128xi32, #tpu.memory_space<hbm>>
        tpu.wait_dma2 semaphore(%run_scoped3A : memref<!tpu.dma_semaphore, #tpu.memory_space<semaphore_mem>>) src(%dma_wait3A_76 : memref<128xi32, #tpu.memory_space<hbm>>) dst(%arg17 : memref<128xi32, #tpu.memory_space<vmem>>)
        tpu.yield
      }) : () -> ()
      "tpu.region"() ({
        %run_scoped3A = tpu.sem_alloc : memref<!tpu.dma_semaphore, #tpu.memory_space<semaphore_mem>>
        %dma_start3A_73 = tpu.memref_slice %arg3[%multiple_of3A_27] : memref<163840xi32, #tpu.memory_space<hbm>> -> memref<128xi32, #tpu.memory_space<hbm>>
        %dma_start3A_74 = tpu.memref_slice %arg3[%multiple_of3A_27] : memref<163840xi32, #tpu.memory_space<hbm>> -> memref<128xi32, #tpu.memory_space<hbm>>
        tpu.enqueue_dma source(%dma_start3A_74 : memref<128xi32, #tpu.memory_space<hbm>>) target(%arg19 : memref<128xi32, #tpu.memory_space<vmem>>) target_semaphore(%run_scoped3A : memref<!tpu.dma_semaphore, #tpu.memory_space<semaphore_mem>>)
        %dma_wait3A_75 = tpu.memref_slice %arg3[%multiple_of3A_27] : memref<163840xi32, #tpu.memory_space<hbm>> -> memref<128xi32, #tpu.memory_space<hbm>>
        %dma_wait3A_76 = tpu.memref_slice %arg3[%multiple_of3A_27] : memref<163840xi32, #tpu.memory_space<hbm>> -> memref<128xi32, #tpu.memory_space<hbm>>
        tpu.wait_dma2 semaphore(%run_scoped3A : memref<!tpu.dma_semaphore, #tpu.memory_space<semaphore_mem>>) src(%dma_wait3A_76 : memref<128xi32, #tpu.memory_space<hbm>>) dst(%arg19 : memref<128xi32, #tpu.memory_space<vmem>>)
        tpu.yield
      }) : () -> ()
      "tpu.region"() ({
        %run_scoped3A = tpu.sem_alloc : memref<!tpu.dma_semaphore, #tpu.memory_space<semaphore_mem>>
        %dma_start3A_73 = arith.constant 0 : i32
        %dma_start3A_74 = tpu.memref_slice %arg4[%multiple_of3A_27, %dma_start3A_73] : memref<163840x16xf32, #tpu.memory_space<hbm>> -> memref<128x16xf32, #tpu.memory_space<hbm>>
        %dma_start3A_75 = arith.constant 0 : i32
        %dma_start3A_76 = tpu.memref_slice %arg4[%multiple_of3A_27, %dma_start3A_75] : memref<163840x16xf32, #tpu.memory_space<hbm>> -> memref<128x16xf32, #tpu.memory_space<hbm>>
        tpu.enqueue_dma source(%dma_start3A_76 : memref<128x16xf32, #tpu.memory_space<hbm>>) target(%arg25 : memref<128x16xf32, #tpu.memory_space<vmem>>) target_semaphore(%run_scoped3A : memref<!tpu.dma_semaphore, #tpu.memory_space<semaphore_mem>>)
        %dma_wait3A_77 = arith.constant 0 : i32
        %dma_wait3A_78 = tpu.memref_slice %arg4[%multiple_of3A_27, %dma_wait3A_77] : memref<163840x16xf32, #tpu.memory_space<hbm>> -> memref<128x16xf32, #tpu.memory_space<hbm>>
        %dma_wait3A_79 = arith.constant 0 : i32
        %dma_wait3A_80 = tpu.memref_slice %arg4[%multiple_of3A_27, %dma_wait3A_79] : memref<163840x16xf32, #tpu.memory_space<hbm>> -> memref<128x16xf32, #tpu.memory_space<hbm>>
        tpu.wait_dma2 semaphore(%run_scoped3A : memref<!tpu.dma_semaphore, #tpu.memory_space<semaphore_mem>>) src(%dma_wait3A_80 : memref<128x16xf32, #tpu.memory_space<hbm>>) dst(%arg25 : memref<128x16xf32, #tpu.memory_space<vmem>>)
        tpu.yield
      }) : () -> ()
      %dma_start3A_28 = arith.constant 0 : i32
      %dma_start3A_29 = arith.constant 0 : i32
      %dma_start3A_30 = tpu.memref_slice %arg5[%dma_start3A_28, %dma_start3A_29] : memref<10000x16xf32, #tpu.memory_space<hbm>> -> memref<10000x16xf32, #tpu.memory_space<hbm>>
      tpu.enqueue_indirect_dma source(%dma_start3A_30 : memref<10000x16xf32, #tpu.memory_space<hbm>>) target(%arg21 : memref<128x16xf32, #tpu.memory_space<vmem>>) offsets(%arg17 : memref<128xi32, #tpu.memory_space<vmem>>) semaphore(%arg30 : memref<!tpu.dma_semaphore, #tpu.memory_space<semaphore_mem>>)
      %dma_start3A_31 = arith.constant 0 : i32
      %dma_start3A_32 = arith.constant 0 : i32
      %dma_start3A_33 = tpu.memref_slice %arg6[%dma_start3A_31, %dma_start3A_32] : memref<10001x16xf32, #tpu.memory_space<hbm>> -> memref<10001x16xf32, #tpu.memory_space<hbm>>
      tpu.enqueue_indirect_dma source(%dma_start3A_33 : memref<10001x16xf32, #tpu.memory_space<hbm>>) target(%arg23 : memref<128x16xf32, #tpu.memory_space<vmem>>) offsets(%arg19 : memref<128xi32, #tpu.memory_space<vmem>>) semaphore(%arg30 : memref<!tpu.dma_semaphore, #tpu.memory_space<semaphore_mem>>)
      %mul3A_34 = arith.constant 2 : i32
      %mul3A_35 = arith.muli %mul3A_34, %scan3A_19 : i32
      %mul3A_36 = arith.constant 128 : i32
      %mul3A_37 = arith.muli %mul3A_35, %mul3A_36 : i32
      %add3A_38 = arith.addi %mul3A_4, %mul3A_37 : i32
      %multiple_of3A_39 = tpu.assume_multiple %add3A_38, 8 : i32
      %dma_wait3A = arith.constant 0 : i32
      %dma_wait3A_40 = arith.constant 0 : i32
      %dma_wait3A_41 = tpu.memref_slice %arg5[%dma_wait3A, %dma_wait3A_40] : memref<10000x16xf32, #tpu.memory_space<hbm>> -> memref<10000x16xf32, #tpu.memory_space<hbm>>
      tpu.wait_indirect_dma semaphore(%arg29 : memref<!tpu.dma_semaphore, #tpu.memory_space<semaphore_mem>>) src(%dma_wait3A_41 : memref<10000x16xf32, #tpu.memory_space<hbm>>) dst(%arg20 : memref<128x16xf32, #tpu.memory_space<vmem>>)
      %dma_wait3A_42 = arith.constant 0 : i32
      %dma_wait3A_43 = arith.constant 0 : i32
      %dma_wait3A_44 = tpu.memref_slice %arg6[%dma_wait3A_42, %dma_wait3A_43] : memref<10001x16xf32, #tpu.memory_space<hbm>> -> memref<10001x16xf32, #tpu.memory_space<hbm>>
      tpu.wait_indirect_dma semaphore(%arg29 : memref<!tpu.dma_semaphore, #tpu.memory_space<semaphore_mem>>) src(%dma_wait3A_44 : memref<10001x16xf32, #tpu.memory_space<hbm>>) dst(%arg22 : memref<128x16xf32, #tpu.memory_space<vmem>>)
      %scan3A_45 = arith.constant 0 : i32
      %scan3A_46 = arith.constant 0 : i32
      %scan3A_47 = arith.constant 128 : i32
      %scan3A_48 = arith.addi %scan3A_46, %scan3A_47 : i32
      %scan3A_49 = arith.constant 1 : i32
      scf.for %scan3A_73 = %scan3A_46 to %scan3A_48 step %scan3A_49  : i32 {
        %get3A = arith.index_cast %scan3A_73 : i32 to index
        %get3A_74 = arith.constant 0 : index
        %get3A_75 = tpu.vector_load %arg20[%get3A, %get3A_74] {strides = array<i32>} : memref<128x16xf32, #tpu.memory_space<vmem>>, vector<1x16xf32>,
        %get3A_76 = vector.shape_cast %get3A_75 : vector<1x16xf32> to vector<16xf32>
        %get3A_77 = arith.index_cast %scan3A_73 : i32 to index
        %get3A_78 = arith.constant 0 : index
        %get3A_79 = tpu.vector_load %arg22[%get3A_77, %get3A_78] {strides = array<i32>} : memref<128x16xf32, #tpu.memory_space<vmem>>, vector<1x16xf32>,
        %get3A_80 = vector.shape_cast %get3A_79 : vector<1x16xf32> to vector<16xf32>
        %add3A_81 = arith.addf %get3A_76, %get3A_80 : vector<16xf32>
        %get3A_82 = arith.index_cast %scan3A_73 : i32 to index
        %get3A_83 = arith.constant 0 : index
        %get3A_84 = tpu.vector_load %arg24[%get3A_82, %get3A_83] {strides = array<i32>} : memref<128x16xf32, #tpu.memory_space<vmem>>, vector<1x16xf32>,
        %get3A_85 = vector.shape_cast %get3A_84 : vector<1x16xf32> to vector<16xf32>
        %add3A_86 = arith.addf %add3A_81, %get3A_85 : vector<16xf32>
        %gt3A = arith.constant 0.000000e+00 : f32
        %gt3A_87 = vector.broadcast %gt3A : f32 to vector<16xf32>
        %gt3A_88 = arith.cmpf ogt, %add3A_86, %gt3A_87 : vector<16xf32>
        %mul3A_89 = arith.constant 2.000000e-01 : f32
        %mul3A_90 = vector.broadcast %mul3A_89 : f32 to vector<16xf32>
        %mul3A_91 = arith.mulf %mul3A_90, %add3A_86 : vector<16xf32>
        %select_n3A = arith.select %gt3A_88, %add3A_86, %mul3A_91 : vector<16xi1>, vector<16xf32>
        %exp3A = math.exp %select_n3A : vector<16xf32>
        %swap3A = arith.index_cast %scan3A_73 : i32 to index
        %swap3A_92 = arith.constant 0 : index
        %swap3A_93 = tpu.vector_load %arg26[%swap3A, %swap3A_92] {strides = array<i32>} : memref<128x16xf32, #tpu.memory_space<vmem>>, vector<1x16xf32>,
        %swap3A_94 = vector.shape_cast %swap3A_93 : vector<1x16xf32> to vector<16xf32>
        %swap3A_95 = vector.shape_cast %exp3A : vector<16xf32> to vector<1x16xf32>
        tpu.vector_store %arg26[%swap3A, %swap3A_92], %swap3A_95 {strides = array<i32>} : memref<128x16xf32, #tpu.memory_space<vmem>>, vector<1x16xf32>,
      }
      %scan3A_50 = arith.constant 128 : i32
      "tpu.region"() ({
        %run_scoped3A = tpu.sem_alloc : memref<!tpu.dma_semaphore, #tpu.memory_space<semaphore_mem>>
        %dma_start3A_73 = arith.constant 0 : i32
        %dma_start3A_74 = tpu.memref_slice %arg9[%multiple_of3A_39, %dma_start3A_73] : memref<163840x16xf32, #tpu.memory_space<hbm>> -> memref<128x16xf32, #tpu.memory_space<hbm>>
        %dma_start3A_75 = arith.constant 0 : i32
        %dma_start3A_76 = tpu.memref_slice %arg9[%multiple_of3A_39, %dma_start3A_75] : memref<163840x16xf32, #tpu.memory_space<hbm>> -> memref<128x16xf32, #tpu.memory_space<hbm>>
        tpu.enqueue_dma source(%arg26 : memref<128x16xf32, #tpu.memory_space<vmem>>) target(%dma_start3A_76 : memref<128x16xf32, #tpu.memory_space<hbm>>) target_semaphore(%run_scoped3A : memref<!tpu.dma_semaphore, #tpu.memory_space<semaphore_mem>>)
        %dma_wait3A_77 = arith.constant 0 : i32
        %dma_wait3A_78 = tpu.memref_slice %arg9[%multiple_of3A_39, %dma_wait3A_77] : memref<163840x16xf32, #tpu.memory_space<hbm>> -> memref<128x16xf32, #tpu.memory_space<hbm>>
        %dma_wait3A_79 = arith.constant 0 : i32
        %dma_wait3A_80 = tpu.memref_slice %arg9[%multiple_of3A_39, %dma_wait3A_79] : memref<163840x16xf32, #tpu.memory_space<hbm>> -> memref<128x16xf32, #tpu.memory_space<hbm>>
        tpu.wait_dma2 semaphore(%run_scoped3A : memref<!tpu.dma_semaphore, #tpu.memory_space<semaphore_mem>>) src(%arg26 : memref<128x16xf32, #tpu.memory_space<vmem>>) dst(%dma_wait3A_80 : memref<128x16xf32, #tpu.memory_space<hbm>>)
        tpu.yield
      }) : () -> ()
      "tpu.region"() ({
        %run_scoped3A = tpu.sem_alloc : memref<!tpu.dma_semaphore, #tpu.memory_space<semaphore_mem>>
        %dma_start3A_73 = arith.constant 0 : i32
        %dma_start3A_74 = arith.constant 0 : i32
        %dma_start3A_75 = tpu.memref_slice %arg13[%dma_start3A_73, %dma_start3A_74] : memref<10240x16xf32, #tpu.memory_space<vmem_shared>> -> memref<10240x16xf32, #tpu.memory_space<vmem_shared>>
        tpu.enqueue_indirect_dma source(%arg26 : memref<128x16xf32, #tpu.memory_space<vmem>>) target(%dma_start3A_75 : memref<10240x16xf32, #tpu.memory_space<vmem_shared>>) offsets(%arg18 : memref<128xi32, #tpu.memory_space<vmem>>) semaphore(%run_scoped3A : memref<!tpu.dma_semaphore, #tpu.memory_space<semaphore_mem>>) {add = true}
        %dma_wait3A_76 = arith.constant 0 : i32
        %dma_wait3A_77 = arith.constant 0 : i32
        %dma_wait3A_78 = tpu.memref_slice %arg13[%dma_wait3A_76, %dma_wait3A_77] : memref<10240x16xf32, #tpu.memory_space<vmem_shared>> -> memref<10240x16xf32, #tpu.memory_space<vmem_shared>>
        tpu.wait_indirect_dma semaphore(%run_scoped3A : memref<!tpu.dma_semaphore, #tpu.memory_space<semaphore_mem>>) src(%arg26 : memref<128x16xf32, #tpu.memory_space<vmem>>) dst(%dma_wait3A_78 : memref<10240x16xf32, #tpu.memory_space<vmem_shared>>)
        tpu.yield
      }) : () -> ()
      "tpu.region"() ({
        %run_scoped3A = tpu.sem_alloc : memref<!tpu.dma_semaphore, #tpu.memory_space<semaphore_mem>>
        %dma_start3A_73 = arith.constant 0 : i32
        %dma_start3A_74 = arith.constant 0 : i32
        %dma_start3A_75 = tpu.memref_slice %arg14[%dma_start3A_73, %dma_start3A_74] : memref<10240x16xf32, #tpu.memory_space<vmem_shared>> -> memref<10240x16xf32, #tpu.memory_space<vmem_shared>>
        tpu.enqueue_indirect_dma source(%arg24 : memref<128x16xf32, #tpu.memory_space<vmem>>) target(%dma_start3A_75 : memref<10240x16xf32, #tpu.memory_space<vmem_shared>>) offsets(%arg18 : memref<128xi32, #tpu.memory_space<vmem>>) semaphore(%run_scoped3A : memref<!tpu.dma_semaphore, #tpu.memory_space<semaphore_mem>>) {add = true}
        %dma_wait3A_76 = arith.constant 0 : i32
        %dma_wait3A_77 = arith.constant 0 : i32
        %dma_wait3A_78 = tpu.memref_slice %arg14[%dma_wait3A_76, %dma_wait3A_77] : memref<10240x16xf32, #tpu.memory_space<vmem_shared>> -> memref<10240x16xf32, #tpu.memory_space<vmem_shared>>
        tpu.wait_indirect_dma semaphore(%run_scoped3A : memref<!tpu.dma_semaphore, #tpu.memory_space<semaphore_mem>>) src(%arg24 : memref<128x16xf32, #tpu.memory_space<vmem>>) dst(%dma_wait3A_78 : memref<10240x16xf32, #tpu.memory_space<vmem_shared>>)
        tpu.yield
      }) : () -> ()
      "tpu.region"() ({
        %run_scoped3A = tpu.sem_alloc : memref<!tpu.dma_semaphore, #tpu.memory_space<semaphore_mem>>
        %dma_start3A_73 = arith.constant 0 : i32
        %dma_start3A_74 = arith.constant 0 : i32
        %dma_start3A_75 = tpu.memref_slice %arg15[%dma_start3A_73, %dma_start3A_74] : memref<10240x16xf32, #tpu.memory_space<vmem_shared>> -> memref<10240x16xf32, #tpu.memory_space<vmem_shared>>
        tpu.enqueue_indirect_dma source(%arg28 : memref<128x16xf32, #tpu.memory_space<vmem>>) target(%dma_start3A_75 : memref<10240x16xf32, #tpu.memory_space<vmem_shared>>) offsets(%arg18 : memref<128xi32, #tpu.memory_space<vmem>>) semaphore(%run_scoped3A : memref<!tpu.dma_semaphore, #tpu.memory_space<semaphore_mem>>) {add = true}
        %dma_wait3A_76 = arith.constant 0 : i32
        %dma_wait3A_77 = arith.constant 0 : i32
        %dma_wait3A_78 = tpu.memref_slice %arg15[%dma_wait3A_76, %dma_wait3A_77] : memref<10240x16xf32, #tpu.memory_space<vmem_shared>> -> memref<10240x16xf32, #tpu.memory_space<vmem_shared>>
        tpu.wait_indirect_dma semaphore(%run_scoped3A : memref<!tpu.dma_semaphore, #tpu.memory_space<semaphore_mem>>) src(%arg28 : memref<128x16xf32, #tpu.memory_space<vmem>>) dst(%dma_wait3A_78 : memref<10240x16xf32, #tpu.memory_space<vmem_shared>>)
        tpu.yield
      }) : () -> ()
      %lt3A = arith.constant 19 : i32
      %lt3A_51 = arith.cmpi slt, %scan3A_19, %lt3A : i32
      %convert_element_type3A = arith.extui %lt3A_51 : i1 to i32
      %cond3A = arith.constant 0 : i32
      %cond3A_52 = arith.cmpi ne, %convert_element_type3A, %cond3A : i32
      scf.if %cond3A_52 {
        %mul3A_73 = arith.constant 2 : i32
        %mul3A_74 = arith.muli %mul3A_73, %scan3A_19 : i32
        %add3A_75 = arith.constant 2 : i32
        %add3A_76 = arith.addi %mul3A_74, %add3A_75 : i32
        %mul3A_77 = arith.constant 128 : i32
        %mul3A_78 = arith.muli %add3A_76, %mul3A_77 : i32
        %add3A_79 = arith.addi %mul3A_4, %mul3A_78 : i32
        %multiple_of3A_80 = tpu.assume_multiple %add3A_79, 8 : i32
        "tpu.region"() ({
          %run_scoped3A = tpu.sem_alloc : memref<!tpu.dma_semaphore, #tpu.memory_space<semaphore_mem>>
          %dma_start3A_87 = tpu.memref_slice %arg2[%multiple_of3A_80] : memref<163840xi32, #tpu.memory_space<hbm>> -> memref<128xi32, #tpu.memory_space<hbm>>
          %dma_start3A_88 = tpu.memref_slice %arg2[%multiple_of3A_80] : memref<163840xi32, #tpu.memory_space<hbm>> -> memref<128xi32, #tpu.memory_space<hbm>>
          tpu.enqueue_dma source(%dma_start3A_88 : memref<128xi32, #tpu.memory_space<hbm>>) target(%arg16 : memref<128xi32, #tpu.memory_space<vmem>>) target_semaphore(%run_scoped3A : memref<!tpu.dma_semaphore, #tpu.memory_space<semaphore_mem>>)
          %dma_wait3A_89 = tpu.memref_slice %arg2[%multiple_of3A_80] : memref<163840xi32, #tpu.memory_space<hbm>> -> memref<128xi32, #tpu.memory_space<hbm>>
          %dma_wait3A_90 = tpu.memref_slice %arg2[%multiple_of3A_80] : memref<163840xi32, #tpu.memory_space<hbm>> -> memref<128xi32, #tpu.memory_space<hbm>>
          tpu.wait_dma2 semaphore(%run_scoped3A : memref<!tpu.dma_semaphore, #tpu.memory_space<semaphore_mem>>) src(%dma_wait3A_90 : memref<128xi32, #tpu.memory_space<hbm>>) dst(%arg16 : memref<128xi32, #tpu.memory_space<vmem>>)
          tpu.yield
        }) : () -> ()
        "tpu.region"() ({
          %run_scoped3A = tpu.sem_alloc : memref<!tpu.dma_semaphore, #tpu.memory_space<semaphore_mem>>
          %dma_start3A_87 = tpu.memref_slice %arg3[%multiple_of3A_80] : memref<163840xi32, #tpu.memory_space<hbm>> -> memref<128xi32, #tpu.memory_space<hbm>>
          %dma_start3A_88 = tpu.memref_slice %arg3[%multiple_of3A_80] : memref<163840xi32, #tpu.memory_space<hbm>> -> memref<128xi32, #tpu.memory_space<hbm>>
          tpu.enqueue_dma source(%dma_start3A_88 : memref<128xi32, #tpu.memory_space<hbm>>) target(%arg18 : memref<128xi32, #tpu.memory_space<vmem>>) target_semaphore(%run_scoped3A : memref<!tpu.dma_semaphore, #tpu.memory_space<semaphore_mem>>)
          %dma_wait3A_89 = tpu.memref_slice %arg3[%multiple_of3A_80] : memref<163840xi32, #tpu.memory_space<hbm>> -> memref<128xi32, #tpu.memory_space<hbm>>
          %dma_wait3A_90 = tpu.memref_slice %arg3[%multiple_of3A_80] : memref<163840xi32, #tpu.memory_space<hbm>> -> memref<128xi32, #tpu.memory_space<hbm>>
          tpu.wait_dma2 semaphore(%run_scoped3A : memref<!tpu.dma_semaphore, #tpu.memory_space<semaphore_mem>>) src(%dma_wait3A_90 : memref<128xi32, #tpu.memory_space<hbm>>) dst(%arg18 : memref<128xi32, #tpu.memory_space<vmem>>)
          tpu.yield
        }) : () -> ()
        "tpu.region"() ({
          %run_scoped3A = tpu.sem_alloc : memref<!tpu.dma_semaphore, #tpu.memory_space<semaphore_mem>>
          %dma_start3A_87 = arith.constant 0 : i32
          %dma_start3A_88 = tpu.memref_slice %arg4[%multiple_of3A_80, %dma_start3A_87] : memref<163840x16xf32, #tpu.memory_space<hbm>> -> memref<128x16xf32, #tpu.memory_space<hbm>>
          %dma_start3A_89 = arith.constant 0 : i32
          %dma_start3A_90 = tpu.memref_slice %arg4[%multiple_of3A_80, %dma_start3A_89] : memref<163840x16xf32, #tpu.memory_space<hbm>> -> memref<128x16xf32, #tpu.memory_space<hbm>>
          tpu.enqueue_dma source(%dma_start3A_90 : memref<128x16xf32, #tpu.memory_space<hbm>>) target(%arg24 : memref<128x16xf32, #tpu.memory_space<vmem>>) target_semaphore(%run_scoped3A : memref<!tpu.dma_semaphore, #tpu.memory_space<semaphore_mem>>)
          %dma_wait3A_91 = arith.constant 0 : i32
          %dma_wait3A_92 = tpu.memref_slice %arg4[%multiple_of3A_80, %dma_wait3A_91] : memref<163840x16xf32, #tpu.memory_space<hbm>> -> memref<128x16xf32, #tpu.memory_space<hbm>>
          %dma_wait3A_93 = arith.constant 0 : i32
          %dma_wait3A_94 = tpu.memref_slice %arg4[%multiple_of3A_80, %dma_wait3A_93] : memref<163840x16xf32, #tpu.memory_space<hbm>> -> memref<128x16xf32, #tpu.memory_space<hbm>>
          tpu.wait_dma2 semaphore(%run_scoped3A : memref<!tpu.dma_semaphore, #tpu.memory_space<semaphore_mem>>) src(%dma_wait3A_94 : memref<128x16xf32, #tpu.memory_space<hbm>>) dst(%arg24 : memref<128x16xf32, #tpu.memory_space<vmem>>)
          tpu.yield
        }) : () -> ()
        %dma_start3A_81 = arith.constant 0 : i32
        %dma_start3A_82 = arith.constant 0 : i32
        %dma_start3A_83 = tpu.memref_slice %arg5[%dma_start3A_81, %dma_start3A_82] : memref<10000x16xf32, #tpu.memory_space<hbm>> -> memref<10000x16xf32, #tpu.memory_space<hbm>>
        tpu.enqueue_indirect_dma source(%dma_start3A_83 : memref<10000x16xf32, #tpu.memory_space<hbm>>) target(%arg20 : memref<128x16xf32, #tpu.memory_space<vmem>>) offsets(%arg16 : memref<128xi32, #tpu.memory_space<vmem>>) semaphore(%arg29 : memref<!tpu.dma_semaphore, #tpu.memory_space<semaphore_mem>>)
        %dma_start3A_84 = arith.constant 0 : i32
        %dma_start3A_85 = arith.constant 0 : i32
        %dma_start3A_86 = tpu.memref_slice %arg6[%dma_start3A_84, %dma_start3A_85] : memref<10001x16xf32, #tpu.memory_space<hbm>> -> memref<10001x16xf32, #tpu.memory_space<hbm>>
        tpu.enqueue_indirect_dma source(%dma_start3A_86 : memref<10001x16xf32, #tpu.memory_space<hbm>>) target(%arg22 : memref<128x16xf32, #tpu.memory_space<vmem>>) offsets(%arg18 : memref<128xi32, #tpu.memory_space<vmem>>) semaphore(%arg29 : memref<!tpu.dma_semaphore, #tpu.memory_space<semaphore_mem>>)
      } else {
      }
      %mul3A_53 = arith.constant 2 : i32
      %mul3A_54 = arith.muli %mul3A_53, %scan3A_19 : i32
      %add3A_55 = arith.constant 1 : i32
      %add3A_56 = arith.addi %mul3A_54, %add3A_55 : i32
      %mul3A_57 = arith.constant 128 : i32
      %mul3A_58 = arith.muli %add3A_56, %mul3A_57 : i32
      %add3A_59 = arith.addi %mul3A_4, %mul3A_58 : i32
      %multiple_of3A_60 = tpu.assume_multiple %add3A_59, 8 : i32
      %dma_wait3A_61 = arith.constant 0 : i32
      %dma_wait3A_62 = arith.constant 0 : i32
      %dma_wait3A_63 = tpu.memref_slice %arg5[%dma_wait3A_61, %dma_wait3A_62] : memref<10000x16xf32, #tpu.memory_space<hbm>> -> memref<10000x16xf32, #tpu.memory_space<hbm>>
      tpu.wait_indirect_dma semaphore(%arg30 : memref<!tpu.dma_semaphore, #tpu.memory_space<semaphore_mem>>) src(%dma_wait3A_63 : memref<10000x16xf32, #tpu.memory_space<hbm>>) dst(%arg21 : memref<128x16xf32, #tpu.memory_space<vmem>>)
      %dma_wait3A_64 = arith.constant 0 : i32
      %dma_wait3A_65 = arith.constant 0 : i32
      %dma_wait3A_66 = tpu.memref_slice %arg6[%dma_wait3A_64, %dma_wait3A_65] : memref<10001x16xf32, #tpu.memory_space<hbm>> -> memref<10001x16xf32, #tpu.memory_space<hbm>>
      tpu.wait_indirect_dma semaphore(%arg30 : memref<!tpu.dma_semaphore, #tpu.memory_space<semaphore_mem>>) src(%dma_wait3A_66 : memref<10001x16xf32, #tpu.memory_space<hbm>>) dst(%arg23 : memref<128x16xf32, #tpu.memory_space<vmem>>)
      %scan3A_67 = arith.constant 0 : i32
      %scan3A_68 = arith.constant 0 : i32
      %scan3A_69 = arith.constant 128 : i32
      %scan3A_70 = arith.addi %scan3A_68, %scan3A_69 : i32
      %scan3A_71 = arith.constant 1 : i32
      scf.for %scan3A_73 = %scan3A_68 to %scan3A_70 step %scan3A_71  : i32 {
        %get3A = arith.index_cast %scan3A_73 : i32 to index
        %get3A_74 = arith.constant 0 : index
        %get3A_75 = tpu.vector_load %arg21[%get3A, %get3A_74] {strides = array<i32>} : memref<128x16xf32, #tpu.memory_space<vmem>>, vector<1x16xf32>,
        %get3A_76 = vector.shape_cast %get3A_75 : vector<1x16xf32> to vector<16xf32>
        %get3A_77 = arith.index_cast %scan3A_73 : i32 to index
        %get3A_78 = arith.constant 0 : index
        %get3A_79 = tpu.vector_load %arg23[%get3A_77, %get3A_78] {strides = array<i32>} : memref<128x16xf32, #tpu.memory_space<vmem>>, vector<1x16xf32>,
        %get3A_80 = vector.shape_cast %get3A_79 : vector<1x16xf32> to vector<16xf32>
        %add3A_81 = arith.addf %get3A_76, %get3A_80 : vector<16xf32>
        %get3A_82 = arith.index_cast %scan3A_73 : i32 to index
        %get3A_83 = arith.constant 0 : index
        %get3A_84 = tpu.vector_load %arg25[%get3A_82, %get3A_83] {strides = array<i32>} : memref<128x16xf32, #tpu.memory_space<vmem>>, vector<1x16xf32>,
        %get3A_85 = vector.shape_cast %get3A_84 : vector<1x16xf32> to vector<16xf32>
        %add3A_86 = arith.addf %add3A_81, %get3A_85 : vector<16xf32>
        %gt3A = arith.constant 0.000000e+00 : f32
        %gt3A_87 = vector.broadcast %gt3A : f32 to vector<16xf32>
        %gt3A_88 = arith.cmpf ogt, %add3A_86, %gt3A_87 : vector<16xf32>
        %mul3A_89 = arith.constant 2.000000e-01 : f32
        %mul3A_90 = vector.broadcast %mul3A_89 : f32 to vector<16xf32>
        %mul3A_91 = arith.mulf %mul3A_90, %add3A_86 : vector<16xf32>
        %select_n3A = arith.select %gt3A_88, %add3A_86, %mul3A_91 : vector<16xi1>, vector<16xf32>
        %exp3A = math.exp %select_n3A : vector<16xf32>
        %swap3A = arith.index_cast %scan3A_73 : i32 to index
        %swap3A_92 = arith.constant 0 : index
        %swap3A_93 = tpu.vector_load %arg27[%swap3A, %swap3A_92] {strides = array<i32>} : memref<128x16xf32, #tpu.memory_space<vmem>>, vector<1x16xf32>,
        %swap3A_94 = vector.shape_cast %swap3A_93 : vector<1x16xf32> to vector<16xf32>
        %swap3A_95 = vector.shape_cast %exp3A : vector<16xf32> to vector<1x16xf32>
        tpu.vector_store %arg27[%swap3A, %swap3A_92], %swap3A_95 {strides = array<i32>} : memref<128x16xf32, #tpu.memory_space<vmem>>, vector<1x16xf32>,
      }
      %scan3A_72 = arith.constant 128 : i32
      "tpu.region"() ({
        %run_scoped3A = tpu.sem_alloc : memref<!tpu.dma_semaphore, #tpu.memory_space<semaphore_mem>>
        %dma_start3A_73 = arith.constant 0 : i32
        %dma_start3A_74 = tpu.memref_slice %arg9[%multiple_of3A_60, %dma_start3A_73] : memref<163840x16xf32, #tpu.memory_space<hbm>> -> memref<128x16xf32, #tpu.memory_space<hbm>>
        %dma_start3A_75 = arith.constant 0 : i32
        %dma_start3A_76 = tpu.memref_slice %arg9[%multiple_of3A_60, %dma_start3A_75] : memref<163840x16xf32, #tpu.memory_space<hbm>> -> memref<128x16xf32, #tpu.memory_space<hbm>>
        tpu.enqueue_dma source(%arg27 : memref<128x16xf32, #tpu.memory_space<vmem>>) target(%dma_start3A_76 : memref<128x16xf32, #tpu.memory_space<hbm>>) target_semaphore(%run_scoped3A : memref<!tpu.dma_semaphore, #tpu.memory_space<semaphore_mem>>)
        %dma_wait3A_77 = arith.constant 0 : i32
        %dma_wait3A_78 = tpu.memref_slice %arg9[%multiple_of3A_60, %dma_wait3A_77] : memref<163840x16xf32, #tpu.memory_space<hbm>> -> memref<128x16xf32, #tpu.memory_space<hbm>>
        %dma_wait3A_79 = arith.constant 0 : i32
        %dma_wait3A_80 = tpu.memref_slice %arg9[%multiple_of3A_60, %dma_wait3A_79] : memref<163840x16xf32, #tpu.memory_space<hbm>> -> memref<128x16xf32, #tpu.memory_space<hbm>>
        tpu.wait_dma2 semaphore(%run_scoped3A : memref<!tpu.dma_semaphore, #tpu.memory_space<semaphore_mem>>) src(%arg27 : memref<128x16xf32, #tpu.memory_space<vmem>>) dst(%dma_wait3A_80 : memref<128x16xf32, #tpu.memory_space<hbm>>)
        tpu.yield
      }) : () -> ()
      "tpu.region"() ({
        %run_scoped3A = tpu.sem_alloc : memref<!tpu.dma_semaphore, #tpu.memory_space<semaphore_mem>>
        %dma_start3A_73 = arith.constant 0 : i32
        %dma_start3A_74 = arith.constant 0 : i32
        %dma_start3A_75 = tpu.memref_slice %arg13[%dma_start3A_73, %dma_start3A_74] : memref<10240x16xf32, #tpu.memory_space<vmem_shared>> -> memref<10240x16xf32, #tpu.memory_space<vmem_shared>>
        tpu.enqueue_indirect_dma source(%arg27 : memref<128x16xf32, #tpu.memory_space<vmem>>) target(%dma_start3A_75 : memref<10240x16xf32, #tpu.memory_space<vmem_shared>>) offsets(%arg19 : memref<128xi32, #tpu.memory_space<vmem>>) semaphore(%run_scoped3A : memref<!tpu.dma_semaphore, #tpu.memory_space<semaphore_mem>>) {add = true}
        %dma_wait3A_76 = arith.constant 0 : i32
        %dma_wait3A_77 = arith.constant 0 : i32
        %dma_wait3A_78 = tpu.memref_slice %arg13[%dma_wait3A_76, %dma_wait3A_77] : memref<10240x16xf32, #tpu.memory_space<vmem_shared>> -> memref<10240x16xf32, #tpu.memory_space<vmem_shared>>
        tpu.wait_indirect_dma semaphore(%run_scoped3A : memref<!tpu.dma_semaphore, #tpu.memory_space<semaphore_mem>>) src(%arg27 : memref<128x16xf32, #tpu.memory_space<vmem>>) dst(%dma_wait3A_78 : memref<10240x16xf32, #tpu.memory_space<vmem_shared>>)
        tpu.yield
      }) : () -> ()
      "tpu.region"() ({
        %run_scoped3A = tpu.sem_alloc : memref<!tpu.dma_semaphore, #tpu.memory_space<semaphore_mem>>
        %dma_start3A_73 = arith.constant 0 : i32
        %dma_start3A_74 = arith.constant 0 : i32
        %dma_start3A_75 = tpu.memref_slice %arg14[%dma_start3A_73, %dma_start3A_74] : memref<10240x16xf32, #tpu.memory_space<vmem_shared>> -> memref<10240x16xf32, #tpu.memory_space<vmem_shared>>
        tpu.enqueue_indirect_dma source(%arg25 : memref<128x16xf32, #tpu.memory_space<vmem>>) target(%dma_start3A_75 : memref<10240x16xf32, #tpu.memory_space<vmem_shared>>) offsets(%arg19 : memref<128xi32, #tpu.memory_space<vmem>>) semaphore(%run_scoped3A : memref<!tpu.dma_semaphore, #tpu.memory_space<semaphore_mem>>) {add = true}
        %dma_wait3A_76 = arith.constant 0 : i32
        %dma_wait3A_77 = arith.constant 0 : i32
        %dma_wait3A_78 = tpu.memref_slice %arg14[%dma_wait3A_76, %dma_wait3A_77] : memref<10240x16xf32, #tpu.memory_space<vmem_shared>> -> memref<10240x16xf32, #tpu.memory_space<vmem_shared>>
        tpu.wait_indirect_dma semaphore(%run_scoped3A : memref<!tpu.dma_semaphore, #tpu.memory_space<semaphore_mem>>) src(%arg25 : memref<128x16xf32, #tpu.memory_space<vmem>>) dst(%dma_wait3A_78 : memref<10240x16xf32, #tpu.memory_space<vmem_shared>>)
        tpu.yield
      }) : () -> ()
      "tpu.region"() ({
        %run_scoped3A = tpu.sem_alloc : memref<!tpu.dma_semaphore, #tpu.memory_space<semaphore_mem>>
        %dma_start3A_73 = arith.constant 0 : i32
        %dma_start3A_74 = arith.constant 0 : i32
        %dma_start3A_75 = tpu.memref_slice %arg15[%dma_start3A_73, %dma_start3A_74] : memref<10240x16xf32, #tpu.memory_space<vmem_shared>> -> memref<10240x16xf32, #tpu.memory_space<vmem_shared>>
        tpu.enqueue_indirect_dma source(%arg28 : memref<128x16xf32, #tpu.memory_space<vmem>>) target(%dma_start3A_75 : memref<10240x16xf32, #tpu.memory_space<vmem_shared>>) offsets(%arg19 : memref<128xi32, #tpu.memory_space<vmem>>) semaphore(%run_scoped3A : memref<!tpu.dma_semaphore, #tpu.memory_space<semaphore_mem>>) {add = true}
        %dma_wait3A_76 = arith.constant 0 : i32
        %dma_wait3A_77 = arith.constant 0 : i32
        %dma_wait3A_78 = tpu.memref_slice %arg15[%dma_wait3A_76, %dma_wait3A_77] : memref<10240x16xf32, #tpu.memory_space<vmem_shared>> -> memref<10240x16xf32, #tpu.memory_space<vmem_shared>>
        tpu.wait_indirect_dma semaphore(%run_scoped3A : memref<!tpu.dma_semaphore, #tpu.memory_space<semaphore_mem>>) src(%arg28 : memref<128x16xf32, #tpu.memory_space<vmem>>) dst(%dma_wait3A_78 : memref<10240x16xf32, #tpu.memory_space<vmem_shared>>)
        tpu.yield
      }) : () -> ()
    }
    %scan3A_17 = arith.constant 20 : i32
    %barrier3A_18 = arith.constant 0 : index
    tpu.barrier barrier_id(%barrier3A_18)
    "tpu.region"() ({
      %run_scoped3A = tpu.sem_alloc : memref<!tpu.dma_semaphore, #tpu.memory_space<semaphore_mem>>
      %dma_start3A_19 = arith.constant 0 : i32
      %dma_start3A_20 = tpu.memref_slice %arg10[%arg0, %multiple_of3A, %dma_start3A_19] : memref<2x10240x16xf32, #tpu.memory_space<hbm>> -> memref<1x640x16xf32, #tpu.memory_space<hbm>>
      %dma_start3A_21 = tpu.memref_squeeze %dma_start3A_20 : memref<1x640x16xf32, #tpu.memory_space<hbm>> -> memref<640x16xf32, #tpu.memory_space<hbm>>
      %dma_start3A_22 = arith.constant 0 : i32
      %dma_start3A_23 = tpu.memref_slice %arg13[%multiple_of3A, %dma_start3A_22] : memref<10240x16xf32, #tpu.memory_space<vmem_shared>> -> memref<640x16xf32, #tpu.memory_space<vmem_shared>>
      tpu.enqueue_dma source(%dma_start3A_23 : memref<640x16xf32, #tpu.memory_space<vmem_shared>>) target(%dma_start3A_21 : memref<640x16xf32, #tpu.memory_space<hbm>>) target_semaphore(%run_scoped3A : memref<!tpu.dma_semaphore, #tpu.memory_space<semaphore_mem>>)
      %dma_wait3A = arith.constant 0 : i32
      %dma_wait3A_24 = tpu.memref_slice %arg10[%arg0, %multiple_of3A, %dma_wait3A] : memref<2x10240x16xf32, #tpu.memory_space<hbm>> -> memref<1x640x16xf32, #tpu.memory_space<hbm>>
      %dma_wait3A_25 = tpu.memref_squeeze %dma_wait3A_24 : memref<1x640x16xf32, #tpu.memory_space<hbm>> -> memref<640x16xf32, #tpu.memory_space<hbm>>
      %dma_wait3A_26 = arith.constant 0 : i32
      %dma_wait3A_27 = tpu.memref_slice %arg13[%multiple_of3A, %dma_wait3A_26] : memref<10240x16xf32, #tpu.memory_space<vmem_shared>> -> memref<640x16xf32, #tpu.memory_space<vmem_shared>>
      tpu.wait_dma2 semaphore(%run_scoped3A : memref<!tpu.dma_semaphore, #tpu.memory_space<semaphore_mem>>) src(%dma_wait3A_27 : memref<640x16xf32, #tpu.memory_space<vmem_shared>>) dst(%dma_wait3A_25 : memref<640x16xf32, #tpu.memory_space<hbm>>)
      tpu.yield
    }) : () -> ()
    "tpu.region"() ({
      %run_scoped3A = tpu.sem_alloc : memref<!tpu.dma_semaphore, #tpu.memory_space<semaphore_mem>>
      %dma_start3A_19 = arith.constant 0 : i32
      %dma_start3A_20 = tpu.memref_slice %arg11[%arg0, %multiple_of3A, %dma_start3A_19] : memref<2x10240x16xf32, #tpu.memory_space<hbm>> -> memref<1x640x16xf32, #tpu.memory_space<hbm>>
      %dma_start3A_21 = tpu.memref_squeeze %dma_start3A_20 : memref<1x640x16xf32, #tpu.memory_space<hbm>> -> memref<640x16xf32, #tpu.memory_space<hbm>>
      %dma_start3A_22 = arith.constant 0 : i32
      %dma_start3A_23 = tpu.memref_slice %arg14[%multiple_of3A, %dma_start3A_22] : memref<10240x16xf32, #tpu.memory_space<vmem_shared>> -> memref<640x16xf32, #tpu.memory_space<vmem_shared>>
      tpu.enqueue_dma source(%dma_start3A_23 : memref<640x16xf32, #tpu.memory_space<vmem_shared>>) target(%dma_start3A_21 : memref<640x16xf32, #tpu.memory_space<hbm>>) target_semaphore(%run_scoped3A : memref<!tpu.dma_semaphore, #tpu.memory_space<semaphore_mem>>)
      %dma_wait3A = arith.constant 0 : i32
      %dma_wait3A_24 = tpu.memref_slice %arg11[%arg0, %multiple_of3A, %dma_wait3A] : memref<2x10240x16xf32, #tpu.memory_space<hbm>> -> memref<1x640x16xf32, #tpu.memory_space<hbm>>
      %dma_wait3A_25 = tpu.memref_squeeze %dma_wait3A_24 : memref<1x640x16xf32, #tpu.memory_space<hbm>> -> memref<640x16xf32, #tpu.memory_space<hbm>>
      %dma_wait3A_26 = arith.constant 0 : i32
      %dma_wait3A_27 = tpu.memref_slice %arg14[%multiple_of3A, %dma_wait3A_26] : memref<10240x16xf32, #tpu.memory_space<vmem_shared>> -> memref<640x16xf32, #tpu.memory_space<vmem_shared>>
      tpu.wait_dma2 semaphore(%run_scoped3A : memref<!tpu.dma_semaphore, #tpu.memory_space<semaphore_mem>>) src(%dma_wait3A_27 : memref<640x16xf32, #tpu.memory_space<vmem_shared>>) dst(%dma_wait3A_25 : memref<640x16xf32, #tpu.memory_space<hbm>>)
      tpu.yield
    }) : () -> ()
    "tpu.region"() ({
      %run_scoped3A = tpu.sem_alloc : memref<!tpu.dma_semaphore, #tpu.memory_space<semaphore_mem>>
      %dma_start3A_19 = arith.constant 0 : i32
      %dma_start3A_20 = tpu.memref_slice %arg12[%arg0, %multiple_of3A, %dma_start3A_19] : memref<2x10240x16xf32, #tpu.memory_space<hbm>> -> memref<1x640x16xf32, #tpu.memory_space<hbm>>
      %dma_start3A_21 = tpu.memref_squeeze %dma_start3A_20 : memref<1x640x16xf32, #tpu.memory_space<hbm>> -> memref<640x16xf32, #tpu.memory_space<hbm>>
      %dma_start3A_22 = arith.constant 0 : i32
      %dma_start3A_23 = tpu.memref_slice %arg15[%multiple_of3A, %dma_start3A_22] : memref<10240x16xf32, #tpu.memory_space<vmem_shared>> -> memref<640x16xf32, #tpu.memory_space<vmem_shared>>
      tpu.enqueue_dma source(%dma_start3A_23 : memref<640x16xf32, #tpu.memory_space<vmem_shared>>) target(%dma_start3A_21 : memref<640x16xf32, #tpu.memory_space<hbm>>) target_semaphore(%run_scoped3A : memref<!tpu.dma_semaphore, #tpu.memory_space<semaphore_mem>>)
      %dma_wait3A = arith.constant 0 : i32
      %dma_wait3A_24 = tpu.memref_slice %arg12[%arg0, %multiple_of3A, %dma_wait3A] : memref<2x10240x16xf32, #tpu.memory_space<hbm>> -> memref<1x640x16xf32, #tpu.memory_space<hbm>>
      %dma_wait3A_25 = tpu.memref_squeeze %dma_wait3A_24 : memref<1x640x16xf32, #tpu.memory_space<hbm>> -> memref<640x16xf32, #tpu.memory_space<hbm>>
      %dma_wait3A_26 = arith.constant 0 : i32
      %dma_wait3A_27 = tpu.memref_slice %arg15[%multiple_of3A, %dma_wait3A_26] : memref<10240x16xf32, #tpu.memory_space<vmem_shared>> -> memref<640x16xf32, #tpu.memory_space<vmem_shared>>
      tpu.wait_dma2 semaphore(%run_scoped3A : memref<!tpu.dma_semaphore, #tpu.memory_space<semaphore_mem>>) src(%dma_wait3A_27 : memref<640x16xf32, #tpu.memory_space<vmem_shared>>) dst(%dma_wait3A_25 : memref<640x16xf32, #tpu.memory_space<hbm>>)
      tpu.yield
    }) : () -> ()
    return
  }
}

#map = affine_map<(d0, d1) -> (0)>
#map1 = affine_map<(d0, d1) -> (0, 0)>
#map2 = affine_map<(d0, d1) -> (0, 0, 0)>
module attributes {stable_mosaic.version = 14 : i64} {
  func.func @_sc_pass2_body(%arg0: i32, %arg1: i32, %arg2: memref<163840xi32, #tpu.memory_space<hbm>>, %arg3: memref<163840xi32, #tpu.memory_space<hbm>>, %arg4: memref<163840x16xf32, #tpu.memory_space<hbm>>, %arg5: memref<20000x128xf32, #tpu.memory_space<hbm>>, %arg6: memref<10240x128xf32, #tpu.memory_space<hbm>>, %arg7: memref<2x10240x128xf32, #tpu.memory_space<hbm>>, %arg8: memref<10240x128xf32, #tpu.memory_space<vmem_shared>>, %arg9: memref<128xi32, #tpu.memory_space<vmem>>, %arg10: memref<128xi32, #tpu.memory_space<vmem>>, %arg11: memref<128xi32, #tpu.memory_space<vmem>>, %arg12: memref<128xi32, #tpu.memory_space<vmem>>, %arg13: memref<128xi32, #tpu.memory_space<vmem>>, %arg14: memref<128x16xf32, #tpu.memory_space<vmem>>, %arg15: memref<128x16xf32, #tpu.memory_space<vmem>>, %arg16: memref<128x128xf32, #tpu.memory_space<vmem>>, %arg17: memref<128x128xf32, #tpu.memory_space<vmem>>, %arg18: memref<!tpu.dma_semaphore, #tpu.memory_space<semaphore_mem>>, %arg19: memref<!tpu.dma_semaphore, #tpu.memory_space<semaphore_mem>>, %arg20: memref<!tpu.dma_semaphore, #tpu.memory_space<semaphore_mem>>, %arg21: memref<!tpu.dma_semaphore, #tpu.memory_space<semaphore_mem>>) attributes {dimension_semantics = [#tpu.dimension_semantics<core_parallel>, #tpu.dimension_semantics<subcore_parallel>], iteration_bounds = array<i64: 2, 16>, scalar_prefetch = 0 : i64, scratch_operands = 14 : i64, tpu.core_type = #tpu.core_type<sc_vector_subcore>, window_params = [{transform_indices = #map}, {transform_indices = #map}, {transform_indices = #map1}, {transform_indices = #map1}, {transform_indices = #map1}, {transform_indices = #map2}]} {
    %mul3A = arith.constant 640 : i32
    %mul3A_0 = arith.muli %arg1, %mul3A : i32
    %multiple_of3A = tpu.assume_multiple %mul3A_0, 8 : i32
    "tpu.region"() ({
      %run_scoped3A = tpu.sem_alloc : memref<!tpu.dma_semaphore, #tpu.memory_space<semaphore_mem>>
      %dma_start3A_19 = arith.constant 0 : i32
      %dma_start3A_20 = tpu.memref_slice %arg8[%multiple_of3A, %dma_start3A_19] : memref<10240x128xf32, #tpu.memory_space<vmem_shared>> -> memref<640x128xf32, #tpu.memory_space<vmem_shared>>
      %dma_start3A_21 = arith.constant 0 : i32
      %dma_start3A_22 = tpu.memref_slice %arg6[%multiple_of3A, %dma_start3A_21] : memref<10240x128xf32, #tpu.memory_space<hbm>> -> memref<640x128xf32, #tpu.memory_space<hbm>>
      tpu.enqueue_dma source(%dma_start3A_22 : memref<640x128xf32, #tpu.memory_space<hbm>>) target(%dma_start3A_20 : memref<640x128xf32, #tpu.memory_space<vmem_shared>>) target_semaphore(%run_scoped3A : memref<!tpu.dma_semaphore, #tpu.memory_space<semaphore_mem>>)
      %dma_wait3A = arith.constant 0 : i32
      %dma_wait3A_23 = tpu.memref_slice %arg8[%multiple_of3A, %dma_wait3A] : memref<10240x128xf32, #tpu.memory_space<vmem_shared>> -> memref<640x128xf32, #tpu.memory_space<vmem_shared>>
      %dma_wait3A_24 = arith.constant 0 : i32
      %dma_wait3A_25 = tpu.memref_slice %arg6[%multiple_of3A, %dma_wait3A_24] : memref<10240x128xf32, #tpu.memory_space<hbm>> -> memref<640x128xf32, #tpu.memory_space<hbm>>
      tpu.wait_dma2 semaphore(%run_scoped3A : memref<!tpu.dma_semaphore, #tpu.memory_space<semaphore_mem>>) src(%dma_wait3A_25 : memref<640x128xf32, #tpu.memory_space<hbm>>) dst(%dma_wait3A_23 : memref<640x128xf32, #tpu.memory_space<vmem_shared>>)
      tpu.yield
    }) : () -> ()
    %barrier3A = arith.constant 0 : index
    tpu.barrier barrier_id(%barrier3A)
    %mul3A_1 = arith.constant 10240 : i32
    %mul3A_2 = arith.muli %arg1, %mul3A_1 : i32
    %add3A = arith.constant 0 : i32
    %add3A_3 = arith.addi %mul3A_2, %add3A : i32
    %multiple_of3A_4 = tpu.assume_multiple %add3A_3, 8 : i32
    "tpu.region"() ({
      %run_scoped3A = tpu.sem_alloc : memref<!tpu.dma_semaphore, #tpu.memory_space<semaphore_mem>>
      %dma_start3A_19 = tpu.memref_slice %arg2[%multiple_of3A_4] : memref<163840xi32, #tpu.memory_space<hbm>> -> memref<128xi32, #tpu.memory_space<hbm>>
      %dma_start3A_20 = tpu.memref_slice %arg2[%multiple_of3A_4] : memref<163840xi32, #tpu.memory_space<hbm>> -> memref<128xi32, #tpu.memory_space<hbm>>
      tpu.enqueue_dma source(%dma_start3A_20 : memref<128xi32, #tpu.memory_space<hbm>>) target(%arg9 : memref<128xi32, #tpu.memory_space<vmem>>) target_semaphore(%run_scoped3A : memref<!tpu.dma_semaphore, #tpu.memory_space<semaphore_mem>>)
      %dma_wait3A = tpu.memref_slice %arg2[%multiple_of3A_4] : memref<163840xi32, #tpu.memory_space<hbm>> -> memref<128xi32, #tpu.memory_space<hbm>>
      %dma_wait3A_21 = tpu.memref_slice %arg2[%multiple_of3A_4] : memref<163840xi32, #tpu.memory_space<hbm>> -> memref<128xi32, #tpu.memory_space<hbm>>
      tpu.wait_dma2 semaphore(%run_scoped3A : memref<!tpu.dma_semaphore, #tpu.memory_space<semaphore_mem>>) src(%dma_wait3A_21 : memref<128xi32, #tpu.memory_space<hbm>>) dst(%arg9 : memref<128xi32, #tpu.memory_space<vmem>>)
      tpu.yield
    }) : () -> ()
    "tpu.region"() ({
      %run_scoped3A = tpu.sem_alloc : memref<!tpu.dma_semaphore, #tpu.memory_space<semaphore_mem>>
      %dma_start3A_19 = tpu.memref_slice %arg3[%multiple_of3A_4] : memref<163840xi32, #tpu.memory_space<hbm>> -> memref<128xi32, #tpu.memory_space<hbm>>
      %dma_start3A_20 = tpu.memref_slice %arg3[%multiple_of3A_4] : memref<163840xi32, #tpu.memory_space<hbm>> -> memref<128xi32, #tpu.memory_space<hbm>>
      tpu.enqueue_dma source(%dma_start3A_20 : memref<128xi32, #tpu.memory_space<hbm>>) target(%arg10 : memref<128xi32, #tpu.memory_space<vmem>>) target_semaphore(%run_scoped3A : memref<!tpu.dma_semaphore, #tpu.memory_space<semaphore_mem>>)
      %dma_wait3A = tpu.memref_slice %arg3[%multiple_of3A_4] : memref<163840xi32, #tpu.memory_space<hbm>> -> memref<128xi32, #tpu.memory_space<hbm>>
      %dma_wait3A_21 = tpu.memref_slice %arg3[%multiple_of3A_4] : memref<163840xi32, #tpu.memory_space<hbm>> -> memref<128xi32, #tpu.memory_space<hbm>>
      tpu.wait_dma2 semaphore(%run_scoped3A : memref<!tpu.dma_semaphore, #tpu.memory_space<semaphore_mem>>) src(%dma_wait3A_21 : memref<128xi32, #tpu.memory_space<hbm>>) dst(%arg10 : memref<128xi32, #tpu.memory_space<vmem>>)
      tpu.yield
    }) : () -> ()
    "tpu.region"() ({
      %run_scoped3A = tpu.sem_alloc : memref<!tpu.dma_semaphore, #tpu.memory_space<semaphore_mem>>
      %dma_start3A_19 = arith.constant 0 : i32
      %dma_start3A_20 = tpu.memref_slice %arg4[%multiple_of3A_4, %dma_start3A_19] : memref<163840x16xf32, #tpu.memory_space<hbm>> -> memref<128x16xf32, #tpu.memory_space<hbm>>
      %dma_start3A_21 = arith.constant 0 : i32
      %dma_start3A_22 = tpu.memref_slice %arg4[%multiple_of3A_4, %dma_start3A_21] : memref<163840x16xf32, #tpu.memory_space<hbm>> -> memref<128x16xf32, #tpu.memory_space<hbm>>
      tpu.enqueue_dma source(%dma_start3A_22 : memref<128x16xf32, #tpu.memory_space<hbm>>) target(%arg14 : memref<128x16xf32, #tpu.memory_space<vmem>>) target_semaphore(%run_scoped3A : memref<!tpu.dma_semaphore, #tpu.memory_space<semaphore_mem>>)
      %dma_wait3A = arith.constant 0 : i32
      %dma_wait3A_23 = tpu.memref_slice %arg4[%multiple_of3A_4, %dma_wait3A] : memref<163840x16xf32, #tpu.memory_space<hbm>> -> memref<128x16xf32, #tpu.memory_space<hbm>>
      %dma_wait3A_24 = arith.constant 0 : i32
      %dma_wait3A_25 = tpu.memref_slice %arg4[%multiple_of3A_4, %dma_wait3A_24] : memref<163840x16xf32, #tpu.memory_space<hbm>> -> memref<128x16xf32, #tpu.memory_space<hbm>>
      tpu.wait_dma2 semaphore(%run_scoped3A : memref<!tpu.dma_semaphore, #tpu.memory_space<semaphore_mem>>) src(%dma_wait3A_25 : memref<128x16xf32, #tpu.memory_space<hbm>>) dst(%arg14 : memref<128x16xf32, #tpu.memory_space<vmem>>)
      tpu.yield
    }) : () -> ()
    %scan3A = arith.constant 0 : i32
    %scan3A_5 = arith.constant 0 : i32
    %scan3A_6 = arith.constant 8 : i32
    %scan3A_7 = arith.addi %scan3A_5, %scan3A_6 : i32
    %scan3A_8 = arith.constant 1 : i32
    scf.for %scan3A_19 = %scan3A_5 to %scan3A_7 step %scan3A_8  : i32 {
      %mul3A_20 = arith.constant 16 : i32
      %mul3A_21 = arith.muli %scan3A_19, %mul3A_20 : i32
      %get3A = arith.index_cast %mul3A_21 : i32 to index
      %get3A_22 = tpu.vector_load %arg9[%get3A] {strides = array<i32>} : memref<128xi32, #tpu.memory_space<vmem>>, vector<16xi32>,
      %get3A_23 = vector.shape_cast %get3A_22 : vector<16xi32> to vector<16xi32>
      %mul3A_24 = arith.constant 2 : i32
      %mul3A_25 = vector.broadcast %mul3A_24 : i32 to vector<16xi32>
      %mul3A_26 = arith.muli %get3A_23, %mul3A_25 : vector<16xi32>
      %add3A_27 = vector.broadcast %arg0 : i32 to vector<16xi32>
      %add3A_28 = arith.addi %mul3A_26, %add3A_27 : vector<16xi32>
      %mul3A_29 = arith.constant 16 : i32
      %mul3A_30 = arith.muli %scan3A_19, %mul3A_29 : i32
      %swap3A = arith.index_cast %mul3A_30 : i32 to index
      %swap3A_31 = tpu.vector_load %arg12[%swap3A] {strides = array<i32>} : memref<128xi32, #tpu.memory_space<vmem>>, vector<16xi32>,
      %swap3A_32 = vector.shape_cast %swap3A_31 : vector<16xi32> to vector<16xi32>
      %swap3A_33 = vector.shape_cast %add3A_28 : vector<16xi32> to vector<16xi32>
      tpu.vector_store %arg12[%swap3A], %swap3A_33 {strides = array<i32>} : memref<128xi32, #tpu.memory_space<vmem>>, vector<16xi32>,
    }
    %scan3A_9 = arith.constant 8 : i32
    %dma_start3A = arith.constant 0 : i32
    %dma_start3A_10 = arith.constant 0 : i32
    %dma_start3A_11 = tpu.memref_slice %arg5[%dma_start3A, %dma_start3A_10] : memref<20000x128xf32, #tpu.memory_space<hbm>> -> memref<20000x128xf32, #tpu.memory_space<hbm>>
    tpu.enqueue_indirect_dma source(%dma_start3A_11 : memref<20000x128xf32, #tpu.memory_space<hbm>>) target(%arg16 : memref<128x128xf32, #tpu.memory_space<vmem>>) offsets(%arg12 : memref<128xi32, #tpu.memory_space<vmem>>) semaphore(%arg18 : memref<!tpu.dma_semaphore, #tpu.memory_space<semaphore_mem>>)
    %scan3A_12 = arith.constant 0 : i32
    %scan3A_13 = arith.constant 0 : i32
    %scan3A_14 = arith.constant 40 : i32
    %scan3A_15 = arith.addi %scan3A_13, %scan3A_14 : i32
    %scan3A_16 = arith.constant 1 : i32
    scf.for %scan3A_19 = %scan3A_13 to %scan3A_15 step %scan3A_16  : i32 {
      %mul3A_20 = arith.constant 2 : i32
      %mul3A_21 = arith.muli %mul3A_20, %scan3A_19 : i32
      %add3A_22 = arith.constant 1 : i32
      %add3A_23 = arith.addi %mul3A_21, %add3A_22 : i32
      %mul3A_24 = arith.constant 128 : i32
      %mul3A_25 = arith.muli %add3A_23, %mul3A_24 : i32
      %add3A_26 = arith.addi %mul3A_2, %mul3A_25 : i32
      %multiple_of3A_27 = tpu.assume_multiple %add3A_26, 8 : i32
      "tpu.region"() ({
        %run_scoped3A = tpu.sem_alloc : memref<!tpu.dma_semaphore, #tpu.memory_space<semaphore_mem>>
        %dma_start3A_56 = tpu.memref_slice %arg2[%multiple_of3A_27] : memref<163840xi32, #tpu.memory_space<hbm>> -> memref<128xi32, #tpu.memory_space<hbm>>
        %dma_start3A_57 = tpu.memref_slice %arg2[%multiple_of3A_27] : memref<163840xi32, #tpu.memory_space<hbm>> -> memref<128xi32, #tpu.memory_space<hbm>>
        tpu.enqueue_dma source(%dma_start3A_57 : memref<128xi32, #tpu.memory_space<hbm>>) target(%arg9 : memref<128xi32, #tpu.memory_space<vmem>>) target_semaphore(%run_scoped3A : memref<!tpu.dma_semaphore, #tpu.memory_space<semaphore_mem>>)
        %dma_wait3A_58 = tpu.memref_slice %arg2[%multiple_of3A_27] : memref<163840xi32, #tpu.memory_space<hbm>> -> memref<128xi32, #tpu.memory_space<hbm>>
        %dma_wait3A_59 = tpu.memref_slice %arg2[%multiple_of3A_27] : memref<163840xi32, #tpu.memory_space<hbm>> -> memref<128xi32, #tpu.memory_space<hbm>>
        tpu.wait_dma2 semaphore(%run_scoped3A : memref<!tpu.dma_semaphore, #tpu.memory_space<semaphore_mem>>) src(%dma_wait3A_59 : memref<128xi32, #tpu.memory_space<hbm>>) dst(%arg9 : memref<128xi32, #tpu.memory_space<vmem>>)
        tpu.yield
      }) : () -> ()
      "tpu.region"() ({
        %run_scoped3A = tpu.sem_alloc : memref<!tpu.dma_semaphore, #tpu.memory_space<semaphore_mem>>
        %dma_start3A_56 = tpu.memref_slice %arg3[%multiple_of3A_27] : memref<163840xi32, #tpu.memory_space<hbm>> -> memref<128xi32, #tpu.memory_space<hbm>>
        %dma_start3A_57 = tpu.memref_slice %arg3[%multiple_of3A_27] : memref<163840xi32, #tpu.memory_space<hbm>> -> memref<128xi32, #tpu.memory_space<hbm>>
        tpu.enqueue_dma source(%dma_start3A_57 : memref<128xi32, #tpu.memory_space<hbm>>) target(%arg11 : memref<128xi32, #tpu.memory_space<vmem>>) target_semaphore(%run_scoped3A : memref<!tpu.dma_semaphore, #tpu.memory_space<semaphore_mem>>)
        %dma_wait3A_58 = tpu.memref_slice %arg3[%multiple_of3A_27] : memref<163840xi32, #tpu.memory_space<hbm>> -> memref<128xi32, #tpu.memory_space<hbm>>
        %dma_wait3A_59 = tpu.memref_slice %arg3[%multiple_of3A_27] : memref<163840xi32, #tpu.memory_space<hbm>> -> memref<128xi32, #tpu.memory_space<hbm>>
        tpu.wait_dma2 semaphore(%run_scoped3A : memref<!tpu.dma_semaphore, #tpu.memory_space<semaphore_mem>>) src(%dma_wait3A_59 : memref<128xi32, #tpu.memory_space<hbm>>) dst(%arg11 : memref<128xi32, #tpu.memory_space<vmem>>)
        tpu.yield
      }) : () -> ()
      "tpu.region"() ({
        %run_scoped3A = tpu.sem_alloc : memref<!tpu.dma_semaphore, #tpu.memory_space<semaphore_mem>>
        %dma_start3A_56 = arith.constant 0 : i32
        %dma_start3A_57 = tpu.memref_slice %arg4[%multiple_of3A_27, %dma_start3A_56] : memref<163840x16xf32, #tpu.memory_space<hbm>> -> memref<128x16xf32, #tpu.memory_space<hbm>>
        %dma_start3A_58 = arith.constant 0 : i32
        %dma_start3A_59 = tpu.memref_slice %arg4[%multiple_of3A_27, %dma_start3A_58] : memref<163840x16xf32, #tpu.memory_space<hbm>> -> memref<128x16xf32, #tpu.memory_space<hbm>>
        tpu.enqueue_dma source(%dma_start3A_59 : memref<128x16xf32, #tpu.memory_space<hbm>>) target(%arg15 : memref<128x16xf32, #tpu.memory_space<vmem>>) target_semaphore(%run_scoped3A : memref<!tpu.dma_semaphore, #tpu.memory_space<semaphore_mem>>)
        %dma_wait3A_60 = arith.constant 0 : i32
        %dma_wait3A_61 = tpu.memref_slice %arg4[%multiple_of3A_27, %dma_wait3A_60] : memref<163840x16xf32, #tpu.memory_space<hbm>> -> memref<128x16xf32, #tpu.memory_space<hbm>>
        %dma_wait3A_62 = arith.constant 0 : i32
        %dma_wait3A_63 = tpu.memref_slice %arg4[%multiple_of3A_27, %dma_wait3A_62] : memref<163840x16xf32, #tpu.memory_space<hbm>> -> memref<128x16xf32, #tpu.memory_space<hbm>>
        tpu.wait_dma2 semaphore(%run_scoped3A : memref<!tpu.dma_semaphore, #tpu.memory_space<semaphore_mem>>) src(%dma_wait3A_63 : memref<128x16xf32, #tpu.memory_space<hbm>>) dst(%arg15 : memref<128x16xf32, #tpu.memory_space<vmem>>)
        tpu.yield
      }) : () -> ()
      %scan3A_28 = arith.constant 0 : i32
      %scan3A_29 = arith.constant 0 : i32
      %scan3A_30 = arith.constant 8 : i32
      %scan3A_31 = arith.addi %scan3A_29, %scan3A_30 : i32
      %scan3A_32 = arith.constant 1 : i32
      scf.for %scan3A_56 = %scan3A_29 to %scan3A_31 step %scan3A_32  : i32 {
        %mul3A_57 = arith.constant 16 : i32
        %mul3A_58 = arith.muli %scan3A_56, %mul3A_57 : i32
        %get3A = arith.index_cast %mul3A_58 : i32 to index
        %get3A_59 = tpu.vector_load %arg9[%get3A] {strides = array<i32>} : memref<128xi32, #tpu.memory_space<vmem>>, vector<16xi32>,
        %get3A_60 = vector.shape_cast %get3A_59 : vector<16xi32> to vector<16xi32>
        %mul3A_61 = arith.constant 2 : i32
        %mul3A_62 = vector.broadcast %mul3A_61 : i32 to vector<16xi32>
        %mul3A_63 = arith.muli %get3A_60, %mul3A_62 : vector<16xi32>
        %add3A_64 = vector.broadcast %arg0 : i32 to vector<16xi32>
        %add3A_65 = arith.addi %mul3A_63, %add3A_64 : vector<16xi32>
        %mul3A_66 = arith.constant 16 : i32
        %mul3A_67 = arith.muli %scan3A_56, %mul3A_66 : i32
        %swap3A = arith.index_cast %mul3A_67 : i32 to index
        %swap3A_68 = tpu.vector_load %arg13[%swap3A] {strides = array<i32>} : memref<128xi32, #tpu.memory_space<vmem>>, vector<16xi32>,
        %swap3A_69 = vector.shape_cast %swap3A_68 : vector<16xi32> to vector<16xi32>
        %swap3A_70 = vector.shape_cast %add3A_65 : vector<16xi32> to vector<16xi32>
        tpu.vector_store %arg13[%swap3A], %swap3A_70 {strides = array<i32>} : memref<128xi32, #tpu.memory_space<vmem>>, vector<16xi32>,
      }
      %scan3A_33 = arith.constant 8 : i32
      %dma_start3A_34 = arith.constant 0 : i32
      %dma_start3A_35 = arith.constant 0 : i32
      %dma_start3A_36 = tpu.memref_slice %arg5[%dma_start3A_34, %dma_start3A_35] : memref<20000x128xf32, #tpu.memory_space<hbm>> -> memref<20000x128xf32, #tpu.memory_space<hbm>>
      tpu.enqueue_indirect_dma source(%dma_start3A_36 : memref<20000x128xf32, #tpu.memory_space<hbm>>) target(%arg17 : memref<128x128xf32, #tpu.memory_space<vmem>>) offsets(%arg13 : memref<128xi32, #tpu.memory_space<vmem>>) semaphore(%arg19 : memref<!tpu.dma_semaphore, #tpu.memory_space<semaphore_mem>>)
      %dma_wait3A = arith.constant 0 : i32
      %dma_wait3A_37 = arith.constant 0 : i32
      %dma_wait3A_38 = tpu.memref_slice %arg5[%dma_wait3A, %dma_wait3A_37] : memref<20000x128xf32, #tpu.memory_space<hbm>> -> memref<20000x128xf32, #tpu.memory_space<hbm>>
      tpu.wait_indirect_dma semaphore(%arg18 : memref<!tpu.dma_semaphore, #tpu.memory_space<semaphore_mem>>) src(%dma_wait3A_38 : memref<20000x128xf32, #tpu.memory_space<hbm>>) dst(%arg16 : memref<128x128xf32, #tpu.memory_space<vmem>>)
      %scan3A_39 = arith.constant 0 : i32
      %scan3A_40 = arith.constant 0 : i32
      %scan3A_41 = arith.constant 128 : i32
      %scan3A_42 = arith.addi %scan3A_40, %scan3A_41 : i32
      %scan3A_43 = arith.constant 1 : i32
      scf.for %scan3A_56 = %scan3A_40 to %scan3A_42 step %scan3A_43  : i32 {
        %get3A = arith.index_cast %scan3A_56 : i32 to index
        %get3A_57 = arith.constant 0 : index
        %get3A_58 = tpu.vector_load %arg14[%get3A, %get3A_57] {strides = array<i32>} : memref<128x16xf32, #tpu.memory_space<vmem>>, vector<1x16xf32>,
        %get3A_59 = vector.shape_cast %get3A_58 : vector<1x16xf32> to vector<16xf32>
        %eq3A = arith.constant 0 : i32
        %eq3A_60 = arith.cmpi eq, %arg0, %eq3A : i32
        %slice3A = vector.extract_strided_slice %get3A_59 {offsets = [0], sizes = [1], strides = [1]} : vector<16xf32> to vector<1xf32>
        %squeeze3A = vector.extract %slice3A[0] : f32 from vector<1xf32>
        %slice3A_61 = vector.extract_strided_slice %get3A_59 {offsets = [4], sizes = [1], strides = [1]} : vector<16xf32> to vector<1xf32>
        %squeeze3A_62 = vector.extract %slice3A_61[0] : f32 from vector<1xf32>
        %select_n3A = arith.select %eq3A_60, %squeeze3A, %squeeze3A_62 : f32
        %get3A_63 = arith.index_cast %scan3A_56 : i32 to index
        %get3A_64 = arith.constant 0 : index
        %get3A_65 = tpu.vector_load %arg16[%get3A_63, %get3A_64] {strides = array<i32>} : memref<128x128xf32, #tpu.memory_space<vmem>>, vector<1x16xf32>,
        %get3A_66 = vector.shape_cast %get3A_65 : vector<1x16xf32> to vector<16xf32>
        %mul3A_67 = vector.broadcast %select_n3A : f32 to vector<16xf32>
        %mul3A_68 = arith.mulf %get3A_66, %mul3A_67 : vector<16xf32>
        %swap3A = arith.index_cast %scan3A_56 : i32 to index
        %swap3A_69 = arith.constant 0 : index
        %swap3A_70 = tpu.vector_load %arg16[%swap3A, %swap3A_69] {strides = array<i32>} : memref<128x128xf32, #tpu.memory_space<vmem>>, vector<1x16xf32>,
        %swap3A_71 = vector.shape_cast %swap3A_70 : vector<1x16xf32> to vector<16xf32>
        %swap3A_72 = vector.shape_cast %mul3A_68 : vector<16xf32> to vector<1x16xf32>
        tpu.vector_store %arg16[%swap3A, %swap3A_69], %swap3A_72 {strides = array<i32>} : memref<128x128xf32, #tpu.memory_space<vmem>>, vector<1x16xf32>,
        %eq3A_73 = arith.constant 0 : i32
        %eq3A_74 = arith.cmpi eq, %arg0, %eq3A_73 : i32
        %slice3A_75 = vector.extract_strided_slice %get3A_59 {offsets = [0], sizes = [1], strides = [1]} : vector<16xf32> to vector<1xf32>
        %squeeze3A_76 = vector.extract %slice3A_75[0] : f32 from vector<1xf32>
        %slice3A_77 = vector.extract_strided_slice %get3A_59 {offsets = [4], sizes = [1], strides = [1]} : vector<16xf32> to vector<1xf32>
        %squeeze3A_78 = vector.extract %slice3A_77[0] : f32 from vector<1xf32>
        %select_n3A_79 = arith.select %eq3A_74, %squeeze3A_76, %squeeze3A_78 : f32
        %get3A_80 = arith.index_cast %scan3A_56 : i32 to index
        %get3A_81 = arith.constant 16 : index
        %get3A_82 = tpu.vector_load %arg16[%get3A_80, %get3A_81] {strides = array<i32>} : memref<128x128xf32, #tpu.memory_space<vmem>>, vector<1x16xf32>,
        %get3A_83 = vector.shape_cast %get3A_82 : vector<1x16xf32> to vector<16xf32>
        %mul3A_84 = vector.broadcast %select_n3A_79 : f32 to vector<16xf32>
        %mul3A_85 = arith.mulf %get3A_83, %mul3A_84 : vector<16xf32>
        %swap3A_86 = arith.index_cast %scan3A_56 : i32 to index
        %swap3A_87 = arith.constant 16 : index
        %swap3A_88 = tpu.vector_load %arg16[%swap3A_86, %swap3A_87] {strides = array<i32>} : memref<128x128xf32, #tpu.memory_space<vmem>>, vector<1x16xf32>,
        %swap3A_89 = vector.shape_cast %swap3A_88 : vector<1x16xf32> to vector<16xf32>
        %swap3A_90 = vector.shape_cast %mul3A_85 : vector<16xf32> to vector<1x16xf32>
        tpu.vector_store %arg16[%swap3A_86, %swap3A_87], %swap3A_90 {strides = array<i32>} : memref<128x128xf32, #tpu.memory_space<vmem>>, vector<1x16xf32>,
        %eq3A_91 = arith.constant 0 : i32
        %eq3A_92 = arith.cmpi eq, %arg0, %eq3A_91 : i32
        %slice3A_93 = vector.extract_strided_slice %get3A_59 {offsets = [1], sizes = [1], strides = [1]} : vector<16xf32> to vector<1xf32>
        %squeeze3A_94 = vector.extract %slice3A_93[0] : f32 from vector<1xf32>
        %slice3A_95 = vector.extract_strided_slice %get3A_59 {offsets = [5], sizes = [1], strides = [1]} : vector<16xf32> to vector<1xf32>
        %squeeze3A_96 = vector.extract %slice3A_95[0] : f32 from vector<1xf32>
        %select_n3A_97 = arith.select %eq3A_92, %squeeze3A_94, %squeeze3A_96 : f32
        %get3A_98 = arith.index_cast %scan3A_56 : i32 to index
        %get3A_99 = arith.constant 32 : index
        %get3A_100 = tpu.vector_load %arg16[%get3A_98, %get3A_99] {strides = array<i32>} : memref<128x128xf32, #tpu.memory_space<vmem>>, vector<1x16xf32>,
        %get3A_101 = vector.shape_cast %get3A_100 : vector<1x16xf32> to vector<16xf32>
        %mul3A_102 = vector.broadcast %select_n3A_97 : f32 to vector<16xf32>
        %mul3A_103 = arith.mulf %get3A_101, %mul3A_102 : vector<16xf32>
        %swap3A_104 = arith.index_cast %scan3A_56 : i32 to index
        %swap3A_105 = arith.constant 32 : index
        %swap3A_106 = tpu.vector_load %arg16[%swap3A_104, %swap3A_105] {strides = array<i32>} : memref<128x128xf32, #tpu.memory_space<vmem>>, vector<1x16xf32>,
        %swap3A_107 = vector.shape_cast %swap3A_106 : vector<1x16xf32> to vector<16xf32>
        %swap3A_108 = vector.shape_cast %mul3A_103 : vector<16xf32> to vector<1x16xf32>
        tpu.vector_store %arg16[%swap3A_104, %swap3A_105], %swap3A_108 {strides = array<i32>} : memref<128x128xf32, #tpu.memory_space<vmem>>, vector<1x16xf32>,
        %eq3A_109 = arith.constant 0 : i32
        %eq3A_110 = arith.cmpi eq, %arg0, %eq3A_109 : i32
        %slice3A_111 = vector.extract_strided_slice %get3A_59 {offsets = [1], sizes = [1], strides = [1]} : vector<16xf32> to vector<1xf32>
        %squeeze3A_112 = vector.extract %slice3A_111[0] : f32 from vector<1xf32>
        %slice3A_113 = vector.extract_strided_slice %get3A_59 {offsets = [5], sizes = [1], strides = [1]} : vector<16xf32> to vector<1xf32>
        %squeeze3A_114 = vector.extract %slice3A_113[0] : f32 from vector<1xf32>
        %select_n3A_115 = arith.select %eq3A_110, %squeeze3A_112, %squeeze3A_114 : f32
        %get3A_116 = arith.index_cast %scan3A_56 : i32 to index
        %get3A_117 = arith.constant 48 : index
        %get3A_118 = tpu.vector_load %arg16[%get3A_116, %get3A_117] {strides = array<i32>} : memref<128x128xf32, #tpu.memory_space<vmem>>, vector<1x16xf32>,
        %get3A_119 = vector.shape_cast %get3A_118 : vector<1x16xf32> to vector<16xf32>
        %mul3A_120 = vector.broadcast %select_n3A_115 : f32 to vector<16xf32>
        %mul3A_121 = arith.mulf %get3A_119, %mul3A_120 : vector<16xf32>
        %swap3A_122 = arith.index_cast %scan3A_56 : i32 to index
        %swap3A_123 = arith.constant 48 : index
        %swap3A_124 = tpu.vector_load %arg16[%swap3A_122, %swap3A_123] {strides = array<i32>} : memref<128x128xf32, #tpu.memory_space<vmem>>, vector<1x16xf32>,
        %swap3A_125 = vector.shape_cast %swap3A_124 : vector<1x16xf32> to vector<16xf32>
        %swap3A_126 = vector.shape_cast %mul3A_121 : vector<16xf32> to vector<1x16xf32>
        tpu.vector_store %arg16[%swap3A_122, %swap3A_123], %swap3A_126 {strides = array<i32>} : memref<128x128xf32, #tpu.memory_space<vmem>>, vector<1x16xf32>,
        %eq3A_127 = arith.constant 0 : i32
        %eq3A_128 = arith.cmpi eq, %arg0, %eq3A_127 : i32
        %slice3A_129 = vector.extract_strided_slice %get3A_59 {offsets = [2], sizes = [1], strides = [1]} : vector<16xf32> to vector<1xf32>
        %squeeze3A_130 = vector.extract %slice3A_129[0] : f32 from vector<1xf32>
        %slice3A_131 = vector.extract_strided_slice %get3A_59 {offsets = [6], sizes = [1], strides = [1]} : vector<16xf32> to vector<1xf32>
        %squeeze3A_132 = vector.extract %slice3A_131[0] : f32 from vector<1xf32>
        %select_n3A_133 = arith.select %eq3A_128, %squeeze3A_130, %squeeze3A_132 : f32
        %get3A_134 = arith.index_cast %scan3A_56 : i32 to index
        %get3A_135 = arith.constant 64 : index
        %get3A_136 = tpu.vector_load %arg16[%get3A_134, %get3A_135] {strides = array<i32>} : memref<128x128xf32, #tpu.memory_space<vmem>>, vector<1x16xf32>,
        %get3A_137 = vector.shape_cast %get3A_136 : vector<1x16xf32> to vector<16xf32>
        %mul3A_138 = vector.broadcast %select_n3A_133 : f32 to vector<16xf32>
        %mul3A_139 = arith.mulf %get3A_137, %mul3A_138 : vector<16xf32>
        %swap3A_140 = arith.index_cast %scan3A_56 : i32 to index
        %swap3A_141 = arith.constant 64 : index
        %swap3A_142 = tpu.vector_load %arg16[%swap3A_140, %swap3A_141] {strides = array<i32>} : memref<128x128xf32, #tpu.memory_space<vmem>>, vector<1x16xf32>,
        %swap3A_143 = vector.shape_cast %swap3A_142 : vector<1x16xf32> to vector<16xf32>
        %swap3A_144 = vector.shape_cast %mul3A_139 : vector<16xf32> to vector<1x16xf32>
        tpu.vector_store %arg16[%swap3A_140, %swap3A_141], %swap3A_144 {strides = array<i32>} : memref<128x128xf32, #tpu.memory_space<vmem>>, vector<1x16xf32>,
        %eq3A_145 = arith.constant 0 : i32
        %eq3A_146 = arith.cmpi eq, %arg0, %eq3A_145 : i32
        %slice3A_147 = vector.extract_strided_slice %get3A_59 {offsets = [2], sizes = [1], strides = [1]} : vector<16xf32> to vector<1xf32>
        %squeeze3A_148 = vector.extract %slice3A_147[0] : f32 from vector<1xf32>
        %slice3A_149 = vector.extract_strided_slice %get3A_59 {offsets = [6], sizes = [1], strides = [1]} : vector<16xf32> to vector<1xf32>
        %squeeze3A_150 = vector.extract %slice3A_149[0] : f32 from vector<1xf32>
        %select_n3A_151 = arith.select %eq3A_146, %squeeze3A_148, %squeeze3A_150 : f32
        %get3A_152 = arith.index_cast %scan3A_56 : i32 to index
        %get3A_153 = arith.constant 80 : index
        %get3A_154 = tpu.vector_load %arg16[%get3A_152, %get3A_153] {strides = array<i32>} : memref<128x128xf32, #tpu.memory_space<vmem>>, vector<1x16xf32>,
        %get3A_155 = vector.shape_cast %get3A_154 : vector<1x16xf32> to vector<16xf32>
        %mul3A_156 = vector.broadcast %select_n3A_151 : f32 to vector<16xf32>
        %mul3A_157 = arith.mulf %get3A_155, %mul3A_156 : vector<16xf32>
        %swap3A_158 = arith.index_cast %scan3A_56 : i32 to index
        %swap3A_159 = arith.constant 80 : index
        %swap3A_160 = tpu.vector_load %arg16[%swap3A_158, %swap3A_159] {strides = array<i32>} : memref<128x128xf32, #tpu.memory_space<vmem>>, vector<1x16xf32>,
        %swap3A_161 = vector.shape_cast %swap3A_160 : vector<1x16xf32> to vector<16xf32>
        %swap3A_162 = vector.shape_cast %mul3A_157 : vector<16xf32> to vector<1x16xf32>
        tpu.vector_store %arg16[%swap3A_158, %swap3A_159], %swap3A_162 {strides = array<i32>} : memref<128x128xf32, #tpu.memory_space<vmem>>, vector<1x16xf32>,
        %eq3A_163 = arith.constant 0 : i32
        %eq3A_164 = arith.cmpi eq, %arg0, %eq3A_163 : i32
        %slice3A_165 = vector.extract_strided_slice %get3A_59 {offsets = [3], sizes = [1], strides = [1]} : vector<16xf32> to vector<1xf32>
        %squeeze3A_166 = vector.extract %slice3A_165[0] : f32 from vector<1xf32>
        %slice3A_167 = vector.extract_strided_slice %get3A_59 {offsets = [7], sizes = [1], strides = [1]} : vector<16xf32> to vector<1xf32>
        %squeeze3A_168 = vector.extract %slice3A_167[0] : f32 from vector<1xf32>
        %select_n3A_169 = arith.select %eq3A_164, %squeeze3A_166, %squeeze3A_168 : f32
        %get3A_170 = arith.index_cast %scan3A_56 : i32 to index
        %get3A_171 = arith.constant 96 : index
        %get3A_172 = tpu.vector_load %arg16[%get3A_170, %get3A_171] {strides = array<i32>} : memref<128x128xf32, #tpu.memory_space<vmem>>, vector<1x16xf32>,
        %get3A_173 = vector.shape_cast %get3A_172 : vector<1x16xf32> to vector<16xf32>
        %mul3A_174 = vector.broadcast %select_n3A_169 : f32 to vector<16xf32>
        %mul3A_175 = arith.mulf %get3A_173, %mul3A_174 : vector<16xf32>
        %swap3A_176 = arith.index_cast %scan3A_56 : i32 to index
        %swap3A_177 = arith.constant 96 : index
        %swap3A_178 = tpu.vector_load %arg16[%swap3A_176, %swap3A_177] {strides = array<i32>} : memref<128x128xf32, #tpu.memory_space<vmem>>, vector<1x16xf32>,
        %swap3A_179 = vector.shape_cast %swap3A_178 : vector<1x16xf32> to vector<16xf32>
        %swap3A_180 = vector.shape_cast %mul3A_175 : vector<16xf32> to vector<1x16xf32>
        tpu.vector_store %arg16[%swap3A_176, %swap3A_177], %swap3A_180 {strides = array<i32>} : memref<128x128xf32, #tpu.memory_space<vmem>>, vector<1x16xf32>,
        %eq3A_181 = arith.constant 0 : i32
        %eq3A_182 = arith.cmpi eq, %arg0, %eq3A_181 : i32
        %slice3A_183 = vector.extract_strided_slice %get3A_59 {offsets = [3], sizes = [1], strides = [1]} : vector<16xf32> to vector<1xf32>
        %squeeze3A_184 = vector.extract %slice3A_183[0] : f32 from vector<1xf32>
        %slice3A_185 = vector.extract_strided_slice %get3A_59 {offsets = [7], sizes = [1], strides = [1]} : vector<16xf32> to vector<1xf32>
        %squeeze3A_186 = vector.extract %slice3A_185[0] : f32 from vector<1xf32>
        %select_n3A_187 = arith.select %eq3A_182, %squeeze3A_184, %squeeze3A_186 : f32
        %get3A_188 = arith.index_cast %scan3A_56 : i32 to index
        %get3A_189 = arith.constant 112 : index
        %get3A_190 = tpu.vector_load %arg16[%get3A_188, %get3A_189] {strides = array<i32>} : memref<128x128xf32, #tpu.memory_space<vmem>>, vector<1x16xf32>,
        %get3A_191 = vector.shape_cast %get3A_190 : vector<1x16xf32> to vector<16xf32>
        %mul3A_192 = vector.broadcast %select_n3A_187 : f32 to vector<16xf32>
        %mul3A_193 = arith.mulf %get3A_191, %mul3A_192 : vector<16xf32>
        %swap3A_194 = arith.index_cast %scan3A_56 : i32 to index
        %swap3A_195 = arith.constant 112 : index
        %swap3A_196 = tpu.vector_load %arg16[%swap3A_194, %swap3A_195] {strides = array<i32>} : memref<128x128xf32, #tpu.memory_space<vmem>>, vector<1x16xf32>,
        %swap3A_197 = vector.shape_cast %swap3A_196 : vector<1x16xf32> to vector<16xf32>
        %swap3A_198 = vector.shape_cast %mul3A_193 : vector<16xf32> to vector<1x16xf32>
        tpu.vector_store %arg16[%swap3A_194, %swap3A_195], %swap3A_198 {strides = array<i32>} : memref<128x128xf32, #tpu.memory_space<vmem>>, vector<1x16xf32>,
      }
      %scan3A_44 = arith.constant 128 : i32
      "tpu.region"() ({
        %run_scoped3A = tpu.sem_alloc : memref<!tpu.dma_semaphore, #tpu.memory_space<semaphore_mem>>
        %dma_start3A_56 = arith.constant 0 : i32
        %dma_start3A_57 = arith.constant 0 : i32
        %dma_start3A_58 = tpu.memref_slice %arg8[%dma_start3A_56, %dma_start3A_57] : memref<10240x128xf32, #tpu.memory_space<vmem_shared>> -> memref<10240x128xf32, #tpu.memory_space<vmem_shared>>
        tpu.enqueue_indirect_dma source(%arg16 : memref<128x128xf32, #tpu.memory_space<vmem>>) target(%dma_start3A_58 : memref<10240x128xf32, #tpu.memory_space<vmem_shared>>) offsets(%arg10 : memref<128xi32, #tpu.memory_space<vmem>>) semaphore(%run_scoped3A : memref<!tpu.dma_semaphore, #tpu.memory_space<semaphore_mem>>) {add = true}
        %dma_wait3A_59 = arith.constant 0 : i32
        %dma_wait3A_60 = arith.constant 0 : i32
        %dma_wait3A_61 = tpu.memref_slice %arg8[%dma_wait3A_59, %dma_wait3A_60] : memref<10240x128xf32, #tpu.memory_space<vmem_shared>> -> memref<10240x128xf32, #tpu.memory_space<vmem_shared>>
        tpu.wait_indirect_dma semaphore(%run_scoped3A : memref<!tpu.dma_semaphore, #tpu.memory_space<semaphore_mem>>) src(%arg16 : memref<128x128xf32, #tpu.memory_space<vmem>>) dst(%dma_wait3A_61 : memref<10240x128xf32, #tpu.memory_space<vmem_shared>>)
        tpu.yield
      }) : () -> ()
      %lt3A = arith.constant 39 : i32
      %lt3A_45 = arith.cmpi slt, %scan3A_19, %lt3A : i32
      %convert_element_type3A = arith.extui %lt3A_45 : i1 to i32
      %cond3A = arith.constant 0 : i32
      %cond3A_46 = arith.cmpi ne, %convert_element_type3A, %cond3A : i32
      scf.if %cond3A_46 {
        %mul3A_56 = arith.constant 2 : i32
        %mul3A_57 = arith.muli %mul3A_56, %scan3A_19 : i32
        %add3A_58 = arith.constant 2 : i32
        %add3A_59 = arith.addi %mul3A_57, %add3A_58 : i32
        %mul3A_60 = arith.constant 128 : i32
        %mul3A_61 = arith.muli %add3A_59, %mul3A_60 : i32
        %add3A_62 = arith.addi %mul3A_2, %mul3A_61 : i32
        %multiple_of3A_63 = tpu.assume_multiple %add3A_62, 8 : i32
        "tpu.region"() ({
          %run_scoped3A = tpu.sem_alloc : memref<!tpu.dma_semaphore, #tpu.memory_space<semaphore_mem>>
          %dma_start3A_73 = tpu.memref_slice %arg2[%multiple_of3A_63] : memref<163840xi32, #tpu.memory_space<hbm>> -> memref<128xi32, #tpu.memory_space<hbm>>
          %dma_start3A_74 = tpu.memref_slice %arg2[%multiple_of3A_63] : memref<163840xi32, #tpu.memory_space<hbm>> -> memref<128xi32, #tpu.memory_space<hbm>>
          tpu.enqueue_dma source(%dma_start3A_74 : memref<128xi32, #tpu.memory_space<hbm>>) target(%arg9 : memref<128xi32, #tpu.memory_space<vmem>>) target_semaphore(%run_scoped3A : memref<!tpu.dma_semaphore, #tpu.memory_space<semaphore_mem>>)
          %dma_wait3A_75 = tpu.memref_slice %arg2[%multiple_of3A_63] : memref<163840xi32, #tpu.memory_space<hbm>> -> memref<128xi32, #tpu.memory_space<hbm>>
          %dma_wait3A_76 = tpu.memref_slice %arg2[%multiple_of3A_63] : memref<163840xi32, #tpu.memory_space<hbm>> -> memref<128xi32, #tpu.memory_space<hbm>>
          tpu.wait_dma2 semaphore(%run_scoped3A : memref<!tpu.dma_semaphore, #tpu.memory_space<semaphore_mem>>) src(%dma_wait3A_76 : memref<128xi32, #tpu.memory_space<hbm>>) dst(%arg9 : memref<128xi32, #tpu.memory_space<vmem>>)
          tpu.yield
        }) : () -> ()
        "tpu.region"() ({
          %run_scoped3A = tpu.sem_alloc : memref<!tpu.dma_semaphore, #tpu.memory_space<semaphore_mem>>
          %dma_start3A_73 = tpu.memref_slice %arg3[%multiple_of3A_63] : memref<163840xi32, #tpu.memory_space<hbm>> -> memref<128xi32, #tpu.memory_space<hbm>>
          %dma_start3A_74 = tpu.memref_slice %arg3[%multiple_of3A_63] : memref<163840xi32, #tpu.memory_space<hbm>> -> memref<128xi32, #tpu.memory_space<hbm>>
          tpu.enqueue_dma source(%dma_start3A_74 : memref<128xi32, #tpu.memory_space<hbm>>) target(%arg10 : memref<128xi32, #tpu.memory_space<vmem>>) target_semaphore(%run_scoped3A : memref<!tpu.dma_semaphore, #tpu.memory_space<semaphore_mem>>)
          %dma_wait3A_75 = tpu.memref_slice %arg3[%multiple_of3A_63] : memref<163840xi32, #tpu.memory_space<hbm>> -> memref<128xi32, #tpu.memory_space<hbm>>
          %dma_wait3A_76 = tpu.memref_slice %arg3[%multiple_of3A_63] : memref<163840xi32, #tpu.memory_space<hbm>> -> memref<128xi32, #tpu.memory_space<hbm>>
          tpu.wait_dma2 semaphore(%run_scoped3A : memref<!tpu.dma_semaphore, #tpu.memory_space<semaphore_mem>>) src(%dma_wait3A_76 : memref<128xi32, #tpu.memory_space<hbm>>) dst(%arg10 : memref<128xi32, #tpu.memory_space<vmem>>)
          tpu.yield
        }) : () -> ()
        "tpu.region"() ({
          %run_scoped3A = tpu.sem_alloc : memref<!tpu.dma_semaphore, #tpu.memory_space<semaphore_mem>>
          %dma_start3A_73 = arith.constant 0 : i32
          %dma_start3A_74 = tpu.memref_slice %arg4[%multiple_of3A_63, %dma_start3A_73] : memref<163840x16xf32, #tpu.memory_space<hbm>> -> memref<128x16xf32, #tpu.memory_space<hbm>>
          %dma_start3A_75 = arith.constant 0 : i32
          %dma_start3A_76 = tpu.memref_slice %arg4[%multiple_of3A_63, %dma_start3A_75] : memref<163840x16xf32, #tpu.memory_space<hbm>> -> memref<128x16xf32, #tpu.memory_space<hbm>>
          tpu.enqueue_dma source(%dma_start3A_76 : memref<128x16xf32, #tpu.memory_space<hbm>>) target(%arg14 : memref<128x16xf32, #tpu.memory_space<vmem>>) target_semaphore(%run_scoped3A : memref<!tpu.dma_semaphore, #tpu.memory_space<semaphore_mem>>)
          %dma_wait3A_77 = arith.constant 0 : i32
          %dma_wait3A_78 = tpu.memref_slice %arg4[%multiple_of3A_63, %dma_wait3A_77] : memref<163840x16xf32, #tpu.memory_space<hbm>> -> memref<128x16xf32, #tpu.memory_space<hbm>>
          %dma_wait3A_79 = arith.constant 0 : i32
          %dma_wait3A_80 = tpu.memref_slice %arg4[%multiple_of3A_63, %dma_wait3A_79] : memref<163840x16xf32, #tpu.memory_space<hbm>> -> memref<128x16xf32, #tpu.memory_space<hbm>>
          tpu.wait_dma2 semaphore(%run_scoped3A : memref<!tpu.dma_semaphore, #tpu.memory_space<semaphore_mem>>) src(%dma_wait3A_80 : memref<128x16xf32, #tpu.memory_space<hbm>>) dst(%arg14 : memref<128x16xf32, #tpu.memory_space<vmem>>)
          tpu.yield
        }) : () -> ()
        %scan3A_64 = arith.constant 0 : i32
        %scan3A_65 = arith.constant 0 : i32
        %scan3A_66 = arith.constant 8 : i32
        %scan3A_67 = arith.addi %scan3A_65, %scan3A_66 : i32
        %scan3A_68 = arith.constant 1 : i32
        scf.for %scan3A_73 = %scan3A_65 to %scan3A_67 step %scan3A_68  : i32 {
          %mul3A_74 = arith.constant 16 : i32
          %mul3A_75 = arith.muli %scan3A_73, %mul3A_74 : i32
          %get3A = arith.index_cast %mul3A_75 : i32 to index
          %get3A_76 = tpu.vector_load %arg9[%get3A] {strides = array<i32>} : memref<128xi32, #tpu.memory_space<vmem>>, vector<16xi32>,
          %get3A_77 = vector.shape_cast %get3A_76 : vector<16xi32> to vector<16xi32>
          %mul3A_78 = arith.constant 2 : i32
          %mul3A_79 = vector.broadcast %mul3A_78 : i32 to vector<16xi32>
          %mul3A_80 = arith.muli %get3A_77, %mul3A_79 : vector<16xi32>
          %add3A_81 = vector.broadcast %arg0 : i32 to vector<16xi32>
          %add3A_82 = arith.addi %mul3A_80, %add3A_81 : vector<16xi32>
          %mul3A_83 = arith.constant 16 : i32
          %mul3A_84 = arith.muli %scan3A_73, %mul3A_83 : i32
          %swap3A = arith.index_cast %mul3A_84 : i32 to index
          %swap3A_85 = tpu.vector_load %arg12[%swap3A] {strides = array<i32>} : memref<128xi32, #tpu.memory_space<vmem>>, vector<16xi32>,
          %swap3A_86 = vector.shape_cast %swap3A_85 : vector<16xi32> to vector<16xi32>
          %swap3A_87 = vector.shape_cast %add3A_82 : vector<16xi32> to vector<16xi32>
          tpu.vector_store %arg12[%swap3A], %swap3A_87 {strides = array<i32>} : memref<128xi32, #tpu.memory_space<vmem>>, vector<16xi32>,
        }
        %scan3A_69 = arith.constant 8 : i32
        %dma_start3A_70 = arith.constant 0 : i32
        %dma_start3A_71 = arith.constant 0 : i32
        %dma_start3A_72 = tpu.memref_slice %arg5[%dma_start3A_70, %dma_start3A_71] : memref<20000x128xf32, #tpu.memory_space<hbm>> -> memref<20000x128xf32, #tpu.memory_space<hbm>>
        tpu.enqueue_indirect_dma source(%dma_start3A_72 : memref<20000x128xf32, #tpu.memory_space<hbm>>) target(%arg16 : memref<128x128xf32, #tpu.memory_space<vmem>>) offsets(%arg12 : memref<128xi32, #tpu.memory_space<vmem>>) semaphore(%arg18 : memref<!tpu.dma_semaphore, #tpu.memory_space<semaphore_mem>>)
      } else {
      }
      %dma_wait3A_47 = arith.constant 0 : i32
      %dma_wait3A_48 = arith.constant 0 : i32
      %dma_wait3A_49 = tpu.memref_slice %arg5[%dma_wait3A_47, %dma_wait3A_48] : memref<20000x128xf32, #tpu.memory_space<hbm>> -> memref<20000x128xf32, #tpu.memory_space<hbm>>
      tpu.wait_indirect_dma semaphore(%arg19 : memref<!tpu.dma_semaphore, #tpu.memory_space<semaphore_mem>>) src(%dma_wait3A_49 : memref<20000x128xf32, #tpu.memory_space<hbm>>) dst(%arg17 : memref<128x128xf32, #tpu.memory_space<vmem>>)
      %scan3A_50 = arith.constant 0 : i32
      %scan3A_51 = arith.constant 0 : i32
      %scan3A_52 = arith.constant 128 : i32
      %scan3A_53 = arith.addi %scan3A_51, %scan3A_52 : i32
      %scan3A_54 = arith.constant 1 : i32
      scf.for %scan3A_56 = %scan3A_51 to %scan3A_53 step %scan3A_54  : i32 {
        %get3A = arith.index_cast %scan3A_56 : i32 to index
        %get3A_57 = arith.constant 0 : index
        %get3A_58 = tpu.vector_load %arg15[%get3A, %get3A_57] {strides = array<i32>} : memref<128x16xf32, #tpu.memory_space<vmem>>, vector<1x16xf32>,
        %get3A_59 = vector.shape_cast %get3A_58 : vector<1x16xf32> to vector<16xf32>
        %eq3A = arith.constant 0 : i32
        %eq3A_60 = arith.cmpi eq, %arg0, %eq3A : i32
        %slice3A = vector.extract_strided_slice %get3A_59 {offsets = [0], sizes = [1], strides = [1]} : vector<16xf32> to vector<1xf32>
        %squeeze3A = vector.extract %slice3A[0] : f32 from vector<1xf32>
        %slice3A_61 = vector.extract_strided_slice %get3A_59 {offsets = [4], sizes = [1], strides = [1]} : vector<16xf32> to vector<1xf32>
        %squeeze3A_62 = vector.extract %slice3A_61[0] : f32 from vector<1xf32>
        %select_n3A = arith.select %eq3A_60, %squeeze3A, %squeeze3A_62 : f32
        %get3A_63 = arith.index_cast %scan3A_56 : i32 to index
        %get3A_64 = arith.constant 0 : index
        %get3A_65 = tpu.vector_load %arg17[%get3A_63, %get3A_64] {strides = array<i32>} : memref<128x128xf32, #tpu.memory_space<vmem>>, vector<1x16xf32>,
        %get3A_66 = vector.shape_cast %get3A_65 : vector<1x16xf32> to vector<16xf32>
        %mul3A_67 = vector.broadcast %select_n3A : f32 to vector<16xf32>
        %mul3A_68 = arith.mulf %get3A_66, %mul3A_67 : vector<16xf32>
        %swap3A = arith.index_cast %scan3A_56 : i32 to index
        %swap3A_69 = arith.constant 0 : index
        %swap3A_70 = tpu.vector_load %arg17[%swap3A, %swap3A_69] {strides = array<i32>} : memref<128x128xf32, #tpu.memory_space<vmem>>, vector<1x16xf32>,
        %swap3A_71 = vector.shape_cast %swap3A_70 : vector<1x16xf32> to vector<16xf32>
        %swap3A_72 = vector.shape_cast %mul3A_68 : vector<16xf32> to vector<1x16xf32>
        tpu.vector_store %arg17[%swap3A, %swap3A_69], %swap3A_72 {strides = array<i32>} : memref<128x128xf32, #tpu.memory_space<vmem>>, vector<1x16xf32>,
        %eq3A_73 = arith.constant 0 : i32
        %eq3A_74 = arith.cmpi eq, %arg0, %eq3A_73 : i32
        %slice3A_75 = vector.extract_strided_slice %get3A_59 {offsets = [0], sizes = [1], strides = [1]} : vector<16xf32> to vector<1xf32>
        %squeeze3A_76 = vector.extract %slice3A_75[0] : f32 from vector<1xf32>
        %slice3A_77 = vector.extract_strided_slice %get3A_59 {offsets = [4], sizes = [1], strides = [1]} : vector<16xf32> to vector<1xf32>
        %squeeze3A_78 = vector.extract %slice3A_77[0] : f32 from vector<1xf32>
        %select_n3A_79 = arith.select %eq3A_74, %squeeze3A_76, %squeeze3A_78 : f32
        %get3A_80 = arith.index_cast %scan3A_56 : i32 to index
        %get3A_81 = arith.constant 16 : index
        %get3A_82 = tpu.vector_load %arg17[%get3A_80, %get3A_81] {strides = array<i32>} : memref<128x128xf32, #tpu.memory_space<vmem>>, vector<1x16xf32>,
        %get3A_83 = vector.shape_cast %get3A_82 : vector<1x16xf32> to vector<16xf32>
        %mul3A_84 = vector.broadcast %select_n3A_79 : f32 to vector<16xf32>
        %mul3A_85 = arith.mulf %get3A_83, %mul3A_84 : vector<16xf32>
        %swap3A_86 = arith.index_cast %scan3A_56 : i32 to index
        %swap3A_87 = arith.constant 16 : index
        %swap3A_88 = tpu.vector_load %arg17[%swap3A_86, %swap3A_87] {strides = array<i32>} : memref<128x128xf32, #tpu.memory_space<vmem>>, vector<1x16xf32>,
        %swap3A_89 = vector.shape_cast %swap3A_88 : vector<1x16xf32> to vector<16xf32>
        %swap3A_90 = vector.shape_cast %mul3A_85 : vector<16xf32> to vector<1x16xf32>
        tpu.vector_store %arg17[%swap3A_86, %swap3A_87], %swap3A_90 {strides = array<i32>} : memref<128x128xf32, #tpu.memory_space<vmem>>, vector<1x16xf32>,
        %eq3A_91 = arith.constant 0 : i32
        %eq3A_92 = arith.cmpi eq, %arg0, %eq3A_91 : i32
        %slice3A_93 = vector.extract_strided_slice %get3A_59 {offsets = [1], sizes = [1], strides = [1]} : vector<16xf32> to vector<1xf32>
        %squeeze3A_94 = vector.extract %slice3A_93[0] : f32 from vector<1xf32>
        %slice3A_95 = vector.extract_strided_slice %get3A_59 {offsets = [5], sizes = [1], strides = [1]} : vector<16xf32> to vector<1xf32>
        %squeeze3A_96 = vector.extract %slice3A_95[0] : f32 from vector<1xf32>
        %select_n3A_97 = arith.select %eq3A_92, %squeeze3A_94, %squeeze3A_96 : f32
        %get3A_98 = arith.index_cast %scan3A_56 : i32 to index
        %get3A_99 = arith.constant 32 : index
        %get3A_100 = tpu.vector_load %arg17[%get3A_98, %get3A_99] {strides = array<i32>} : memref<128x128xf32, #tpu.memory_space<vmem>>, vector<1x16xf32>,
        %get3A_101 = vector.shape_cast %get3A_100 : vector<1x16xf32> to vector<16xf32>
        %mul3A_102 = vector.broadcast %select_n3A_97 : f32 to vector<16xf32>
        %mul3A_103 = arith.mulf %get3A_101, %mul3A_102 : vector<16xf32>
        %swap3A_104 = arith.index_cast %scan3A_56 : i32 to index
        %swap3A_105 = arith.constant 32 : index
        %swap3A_106 = tpu.vector_load %arg17[%swap3A_104, %swap3A_105] {strides = array<i32>} : memref<128x128xf32, #tpu.memory_space<vmem>>, vector<1x16xf32>,
        %swap3A_107 = vector.shape_cast %swap3A_106 : vector<1x16xf32> to vector<16xf32>
        %swap3A_108 = vector.shape_cast %mul3A_103 : vector<16xf32> to vector<1x16xf32>
        tpu.vector_store %arg17[%swap3A_104, %swap3A_105], %swap3A_108 {strides = array<i32>} : memref<128x128xf32, #tpu.memory_space<vmem>>, vector<1x16xf32>,
        %eq3A_109 = arith.constant 0 : i32
        %eq3A_110 = arith.cmpi eq, %arg0, %eq3A_109 : i32
        %slice3A_111 = vector.extract_strided_slice %get3A_59 {offsets = [1], sizes = [1], strides = [1]} : vector<16xf32> to vector<1xf32>
        %squeeze3A_112 = vector.extract %slice3A_111[0] : f32 from vector<1xf32>
        %slice3A_113 = vector.extract_strided_slice %get3A_59 {offsets = [5], sizes = [1], strides = [1]} : vector<16xf32> to vector<1xf32>
        %squeeze3A_114 = vector.extract %slice3A_113[0] : f32 from vector<1xf32>
        %select_n3A_115 = arith.select %eq3A_110, %squeeze3A_112, %squeeze3A_114 : f32
        %get3A_116 = arith.index_cast %scan3A_56 : i32 to index
        %get3A_117 = arith.constant 48 : index
        %get3A_118 = tpu.vector_load %arg17[%get3A_116, %get3A_117] {strides = array<i32>} : memref<128x128xf32, #tpu.memory_space<vmem>>, vector<1x16xf32>,
        %get3A_119 = vector.shape_cast %get3A_118 : vector<1x16xf32> to vector<16xf32>
        %mul3A_120 = vector.broadcast %select_n3A_115 : f32 to vector<16xf32>
        %mul3A_121 = arith.mulf %get3A_119, %mul3A_120 : vector<16xf32>
        %swap3A_122 = arith.index_cast %scan3A_56 : i32 to index
        %swap3A_123 = arith.constant 48 : index
        %swap3A_124 = tpu.vector_load %arg17[%swap3A_122, %swap3A_123] {strides = array<i32>} : memref<128x128xf32, #tpu.memory_space<vmem>>, vector<1x16xf32>,
        %swap3A_125 = vector.shape_cast %swap3A_124 : vector<1x16xf32> to vector<16xf32>
        %swap3A_126 = vector.shape_cast %mul3A_121 : vector<16xf32> to vector<1x16xf32>
        tpu.vector_store %arg17[%swap3A_122, %swap3A_123], %swap3A_126 {strides = array<i32>} : memref<128x128xf32, #tpu.memory_space<vmem>>, vector<1x16xf32>,
        %eq3A_127 = arith.constant 0 : i32
        %eq3A_128 = arith.cmpi eq, %arg0, %eq3A_127 : i32
        %slice3A_129 = vector.extract_strided_slice %get3A_59 {offsets = [2], sizes = [1], strides = [1]} : vector<16xf32> to vector<1xf32>
        %squeeze3A_130 = vector.extract %slice3A_129[0] : f32 from vector<1xf32>
        %slice3A_131 = vector.extract_strided_slice %get3A_59 {offsets = [6], sizes = [1], strides = [1]} : vector<16xf32> to vector<1xf32>
        %squeeze3A_132 = vector.extract %slice3A_131[0] : f32 from vector<1xf32>
        %select_n3A_133 = arith.select %eq3A_128, %squeeze3A_130, %squeeze3A_132 : f32
        %get3A_134 = arith.index_cast %scan3A_56 : i32 to index
        %get3A_135 = arith.constant 64 : index
        %get3A_136 = tpu.vector_load %arg17[%get3A_134, %get3A_135] {strides = array<i32>} : memref<128x128xf32, #tpu.memory_space<vmem>>, vector<1x16xf32>,
        %get3A_137 = vector.shape_cast %get3A_136 : vector<1x16xf32> to vector<16xf32>
        %mul3A_138 = vector.broadcast %select_n3A_133 : f32 to vector<16xf32>
        %mul3A_139 = arith.mulf %get3A_137, %mul3A_138 : vector<16xf32>
        %swap3A_140 = arith.index_cast %scan3A_56 : i32 to index
        %swap3A_141 = arith.constant 64 : index
        %swap3A_142 = tpu.vector_load %arg17[%swap3A_140, %swap3A_141] {strides = array<i32>} : memref<128x128xf32, #tpu.memory_space<vmem>>, vector<1x16xf32>,
        %swap3A_143 = vector.shape_cast %swap3A_142 : vector<1x16xf32> to vector<16xf32>
        %swap3A_144 = vector.shape_cast %mul3A_139 : vector<16xf32> to vector<1x16xf32>
        tpu.vector_store %arg17[%swap3A_140, %swap3A_141], %swap3A_144 {strides = array<i32>} : memref<128x128xf32, #tpu.memory_space<vmem>>, vector<1x16xf32>,
        %eq3A_145 = arith.constant 0 : i32
        %eq3A_146 = arith.cmpi eq, %arg0, %eq3A_145 : i32
        %slice3A_147 = vector.extract_strided_slice %get3A_59 {offsets = [2], sizes = [1], strides = [1]} : vector<16xf32> to vector<1xf32>
        %squeeze3A_148 = vector.extract %slice3A_147[0] : f32 from vector<1xf32>
        %slice3A_149 = vector.extract_strided_slice %get3A_59 {offsets = [6], sizes = [1], strides = [1]} : vector<16xf32> to vector<1xf32>
        %squeeze3A_150 = vector.extract %slice3A_149[0] : f32 from vector<1xf32>
        %select_n3A_151 = arith.select %eq3A_146, %squeeze3A_148, %squeeze3A_150 : f32
        %get3A_152 = arith.index_cast %scan3A_56 : i32 to index
        %get3A_153 = arith.constant 80 : index
        %get3A_154 = tpu.vector_load %arg17[%get3A_152, %get3A_153] {strides = array<i32>} : memref<128x128xf32, #tpu.memory_space<vmem>>, vector<1x16xf32>,
        %get3A_155 = vector.shape_cast %get3A_154 : vector<1x16xf32> to vector<16xf32>
        %mul3A_156 = vector.broadcast %select_n3A_151 : f32 to vector<16xf32>
        %mul3A_157 = arith.mulf %get3A_155, %mul3A_156 : vector<16xf32>
        %swap3A_158 = arith.index_cast %scan3A_56 : i32 to index
        %swap3A_159 = arith.constant 80 : index
        %swap3A_160 = tpu.vector_load %arg17[%swap3A_158, %swap3A_159] {strides = array<i32>} : memref<128x128xf32, #tpu.memory_space<vmem>>, vector<1x16xf32>,
        %swap3A_161 = vector.shape_cast %swap3A_160 : vector<1x16xf32> to vector<16xf32>
        %swap3A_162 = vector.shape_cast %mul3A_157 : vector<16xf32> to vector<1x16xf32>
        tpu.vector_store %arg17[%swap3A_158, %swap3A_159], %swap3A_162 {strides = array<i32>} : memref<128x128xf32, #tpu.memory_space<vmem>>, vector<1x16xf32>,
        %eq3A_163 = arith.constant 0 : i32
        %eq3A_164 = arith.cmpi eq, %arg0, %eq3A_163 : i32
        %slice3A_165 = vector.extract_strided_slice %get3A_59 {offsets = [3], sizes = [1], strides = [1]} : vector<16xf32> to vector<1xf32>
        %squeeze3A_166 = vector.extract %slice3A_165[0] : f32 from vector<1xf32>
        %slice3A_167 = vector.extract_strided_slice %get3A_59 {offsets = [7], sizes = [1], strides = [1]} : vector<16xf32> to vector<1xf32>
        %squeeze3A_168 = vector.extract %slice3A_167[0] : f32 from vector<1xf32>
        %select_n3A_169 = arith.select %eq3A_164, %squeeze3A_166, %squeeze3A_168 : f32
        %get3A_170 = arith.index_cast %scan3A_56 : i32 to index
        %get3A_171 = arith.constant 96 : index
        %get3A_172 = tpu.vector_load %arg17[%get3A_170, %get3A_171] {strides = array<i32>} : memref<128x128xf32, #tpu.memory_space<vmem>>, vector<1x16xf32>,
        %get3A_173 = vector.shape_cast %get3A_172 : vector<1x16xf32> to vector<16xf32>
        %mul3A_174 = vector.broadcast %select_n3A_169 : f32 to vector<16xf32>
        %mul3A_175 = arith.mulf %get3A_173, %mul3A_174 : vector<16xf32>
        %swap3A_176 = arith.index_cast %scan3A_56 : i32 to index
        %swap3A_177 = arith.constant 96 : index
        %swap3A_178 = tpu.vector_load %arg17[%swap3A_176, %swap3A_177] {strides = array<i32>} : memref<128x128xf32, #tpu.memory_space<vmem>>, vector<1x16xf32>,
        %swap3A_179 = vector.shape_cast %swap3A_178 : vector<1x16xf32> to vector<16xf32>
        %swap3A_180 = vector.shape_cast %mul3A_175 : vector<16xf32> to vector<1x16xf32>
        tpu.vector_store %arg17[%swap3A_176, %swap3A_177], %swap3A_180 {strides = array<i32>} : memref<128x128xf32, #tpu.memory_space<vmem>>, vector<1x16xf32>,
        %eq3A_181 = arith.constant 0 : i32
        %eq3A_182 = arith.cmpi eq, %arg0, %eq3A_181 : i32
        %slice3A_183 = vector.extract_strided_slice %get3A_59 {offsets = [3], sizes = [1], strides = [1]} : vector<16xf32> to vector<1xf32>
        %squeeze3A_184 = vector.extract %slice3A_183[0] : f32 from vector<1xf32>
        %slice3A_185 = vector.extract_strided_slice %get3A_59 {offsets = [7], sizes = [1], strides = [1]} : vector<16xf32> to vector<1xf32>
        %squeeze3A_186 = vector.extract %slice3A_185[0] : f32 from vector<1xf32>
        %select_n3A_187 = arith.select %eq3A_182, %squeeze3A_184, %squeeze3A_186 : f32
        %get3A_188 = arith.index_cast %scan3A_56 : i32 to index
        %get3A_189 = arith.constant 112 : index
        %get3A_190 = tpu.vector_load %arg17[%get3A_188, %get3A_189] {strides = array<i32>} : memref<128x128xf32, #tpu.memory_space<vmem>>, vector<1x16xf32>,
        %get3A_191 = vector.shape_cast %get3A_190 : vector<1x16xf32> to vector<16xf32>
        %mul3A_192 = vector.broadcast %select_n3A_187 : f32 to vector<16xf32>
        %mul3A_193 = arith.mulf %get3A_191, %mul3A_192 : vector<16xf32>
        %swap3A_194 = arith.index_cast %scan3A_56 : i32 to index
        %swap3A_195 = arith.constant 112 : index
        %swap3A_196 = tpu.vector_load %arg17[%swap3A_194, %swap3A_195] {strides = array<i32>} : memref<128x128xf32, #tpu.memory_space<vmem>>, vector<1x16xf32>,
        %swap3A_197 = vector.shape_cast %swap3A_196 : vector<1x16xf32> to vector<16xf32>
        %swap3A_198 = vector.shape_cast %mul3A_193 : vector<16xf32> to vector<1x16xf32>
        tpu.vector_store %arg17[%swap3A_194, %swap3A_195], %swap3A_198 {strides = array<i32>} : memref<128x128xf32, #tpu.memory_space<vmem>>, vector<1x16xf32>,
      }
      %scan3A_55 = arith.constant 128 : i32
      "tpu.region"() ({
        %run_scoped3A = tpu.sem_alloc : memref<!tpu.dma_semaphore, #tpu.memory_space<semaphore_mem>>
        %dma_start3A_56 = arith.constant 0 : i32
        %dma_start3A_57 = arith.constant 0 : i32
        %dma_start3A_58 = tpu.memref_slice %arg8[%dma_start3A_56, %dma_start3A_57] : memref<10240x128xf32, #tpu.memory_space<vmem_shared>> -> memref<10240x128xf32, #tpu.memory_space<vmem_shared>>
        tpu.enqueue_indirect_dma source(%arg17 : memref<128x128xf32, #tpu.memory_space<vmem>>) target(%dma_start3A_58 : memref<10240x128xf32, #tpu.memory_space<vmem_shared>>) offsets(%arg11 : memref<128xi32, #tpu.memory_space<vmem>>) semaphore(%run_scoped3A : memref<!tpu.dma_semaphore, #tpu.memory_space<semaphore_mem>>) {add = true}
        %dma_wait3A_59 = arith.constant 0 : i32
        %dma_wait3A_60 = arith.constant 0 : i32
        %dma_wait3A_61 = tpu.memref_slice %arg8[%dma_wait3A_59, %dma_wait3A_60] : memref<10240x128xf32, #tpu.memory_space<vmem_shared>> -> memref<10240x128xf32, #tpu.memory_space<vmem_shared>>
        tpu.wait_indirect_dma semaphore(%run_scoped3A : memref<!tpu.dma_semaphore, #tpu.memory_space<semaphore_mem>>) src(%arg17 : memref<128x128xf32, #tpu.memory_space<vmem>>) dst(%dma_wait3A_61 : memref<10240x128xf32, #tpu.memory_space<vmem_shared>>)
        tpu.yield
      }) : () -> ()
    }
    %scan3A_17 = arith.constant 40 : i32
    %barrier3A_18 = arith.constant 0 : index
    tpu.barrier barrier_id(%barrier3A_18)
    "tpu.region"() ({
      %run_scoped3A = tpu.sem_alloc : memref<!tpu.dma_semaphore, #tpu.memory_space<semaphore_mem>>
      %dma_start3A_19 = arith.constant 0 : i32
      %dma_start3A_20 = tpu.memref_slice %arg7[%arg0, %multiple_of3A, %dma_start3A_19] : memref<2x10240x128xf32, #tpu.memory_space<hbm>> -> memref<1x640x128xf32, #tpu.memory_space<hbm>>
      %dma_start3A_21 = tpu.memref_squeeze %dma_start3A_20 : memref<1x640x128xf32, #tpu.memory_space<hbm>> -> memref<640x128xf32, #tpu.memory_space<hbm>>
      %dma_start3A_22 = arith.constant 0 : i32
      %dma_start3A_23 = tpu.memref_slice %arg8[%multiple_of3A, %dma_start3A_22] : memref<10240x128xf32, #tpu.memory_space<vmem_shared>> -> memref<640x128xf32, #tpu.memory_space<vmem_shared>>
      tpu.enqueue_dma source(%dma_start3A_23 : memref<640x128xf32, #tpu.memory_space<vmem_shared>>) target(%dma_start3A_21 : memref<640x128xf32, #tpu.memory_space<hbm>>) target_semaphore(%run_scoped3A : memref<!tpu.dma_semaphore, #tpu.memory_space<semaphore_mem>>)
      %dma_wait3A = arith.constant 0 : i32
      %dma_wait3A_24 = tpu.memref_slice %arg7[%arg0, %multiple_of3A, %dma_wait3A] : memref<2x10240x128xf32, #tpu.memory_space<hbm>> -> memref<1x640x128xf32, #tpu.memory_space<hbm>>
      %dma_wait3A_25 = tpu.memref_squeeze %dma_wait3A_24 : memref<1x640x128xf32, #tpu.memory_space<hbm>> -> memref<640x128xf32, #tpu.memory_space<hbm>>
      %dma_wait3A_26 = arith.constant 0 : i32
      %dma_wait3A_27 = tpu.memref_slice %arg8[%multiple_of3A, %dma_wait3A_26] : memref<10240x128xf32, #tpu.memory_space<vmem_shared>> -> memref<640x128xf32, #tpu.memory_space<vmem_shared>>
      tpu.wait_dma2 semaphore(%run_scoped3A : memref<!tpu.dma_semaphore, #tpu.memory_space<semaphore_mem>>) src(%dma_wait3A_27 : memref<640x128xf32, #tpu.memory_space<vmem_shared>>) dst(%dma_wait3A_25 : memref<640x128xf32, #tpu.memory_space<hbm>>)
      tpu.yield
    }) : () -> ()
    return
  }
}

module attributes {stable_mosaic.version = 14 : i64} {
  func.func @_edge_logit_body(%arg0: i32, %arg1: memref<4096x16xf32, #tpu.memory_space<vmem>>, %arg2: memref<256x16xf32, #tpu.memory_space<vmem>>, %arg3: memref<256x1xf32, #tpu.memory_space<vmem>>, %arg4: memref<4096x16xf32, #tpu.memory_space<vmem>>) attributes {dimension_semantics = [#tpu.dimension_semantics<arbitrary>], iteration_bounds = array<i64: 40>, scalar_prefetch = 0 : i64, scratch_operands = 0 : i64, tpu.core_type = #tpu.core_type<tc>, window_params = [{transform_indices = @transform_0, window_bounds = array<i64: 4096, 16>}, {pipeline_mode = #tpu.pipeline_mode<synchronous>, transform_indices = @transform_1, window_bounds = array<i64: 256, 16>}, {pipeline_mode = #tpu.pipeline_mode<synchronous>, transform_indices = @transform_2, window_bounds = array<i64: 256, 1>}, {transform_indices = @transform_3, window_bounds = array<i64: 4096, 16>}]} {
    %iota3A = tpu.iota {dimensions = array<i32: 0>} : vector<256x16xi32>
    %iota3A_0 = tpu.iota {dimensions = array<i32: 1>} : vector<256x16xi32>
    %jit3A = arith.constant 32 : i32
    %div3A = vector.broadcast %jit3A : i32 to vector<256x16xi32>
    %div3A_1 = arith.divsi %iota3A, %div3A : vector<256x16xi32>
    %sign3A = arith.constant 0 : i32
    %sign3A_2 = vector.broadcast %sign3A : i32 to vector<256x16xi32>
    %sign3A_3 = arith.cmpi sgt, %iota3A, %sign3A_2 : vector<256x16xi32>
    %sign3A_4 = arith.extui %sign3A_3 : vector<256x16xi1> to vector<256x16xi32>
    %sign3A_5 = arith.constant 0 : i32
    %sign3A_6 = vector.broadcast %sign3A_5 : i32 to vector<256x16xi32>
    %sign3A_7 = arith.cmpi slt, %iota3A, %sign3A_6 : vector<256x16xi32>
    %sign3A_8 = arith.extui %sign3A_7 : vector<256x16xi1> to vector<256x16xi32>
    %sign3A_9 = arith.subi %sign3A_4, %sign3A_8 : vector<256x16xi32>
    %sign3A_10 = arith.constant 0 : i32
    %sign3A_11 = arith.cmpi sgt, %jit3A, %sign3A_10 : i32
    %sign3A_12 = arith.extui %sign3A_11 : i1 to i32
    %sign3A_13 = arith.constant 0 : i32
    %sign3A_14 = arith.cmpi slt, %jit3A, %sign3A_13 : i32
    %sign3A_15 = arith.extui %sign3A_14 : i1 to i32
    %sign3A_16 = arith.subi %sign3A_12, %sign3A_15 : i32
    %ne3A = vector.broadcast %sign3A_16 : i32 to vector<256x16xi32>
    %ne3A_17 = arith.cmpi ne, %sign3A_9, %ne3A : vector<256x16xi32>
    %rem3A = vector.broadcast %jit3A : i32 to vector<256x16xi32>
    %rem3A_18 = arith.remsi %iota3A, %rem3A : vector<256x16xi32>
    %ne3A_19 = arith.constant 0 : i32
    %ne3A_20 = vector.broadcast %ne3A_19 : i32 to vector<256x16xi32>
    %ne3A_21 = arith.cmpi ne, %rem3A_18, %ne3A_20 : vector<256x16xi32>
    %and3A = arith.andi %ne3A_17, %ne3A_21 : vector<256x16xi1>
    %sub3A = arith.constant 1 : i32
    %sub3A_22 = vector.broadcast %sub3A : i32 to vector<256x16xi32>
    %sub3A_23 = arith.subi %div3A_1, %sub3A_22 : vector<256x16xi32>
    %select_n3A = arith.select %and3A, %sub3A_23, %div3A_1 : vector<256x16xi1>, vector<256x16xi32>
    %eq3A = arith.cmpi eq, %select_n3A, %iota3A_0 : vector<256x16xi32>
    %jit3A_24 = arith.constant 1.000000e+00 : f32
    %jit3A_25 = arith.constant 0.000000e+00 : f32
    %broadcast_in_dim3A = vector.broadcast %jit3A_24 : f32 to vector<256x16xf32>
    %broadcast_in_dim3A_26 = vector.broadcast %jit3A_25 : f32 to vector<256x16xf32>
    %select_n3A_27 = arith.select %eq3A, %broadcast_in_dim3A, %broadcast_in_dim3A_26 : vector<256x16xi1>, vector<256x16xf32>
    %get3A = arith.constant 0 : index
    %get3A_28 = arith.constant 0 : index
    %get3A_29 = vector.load %arg2[%get3A, %get3A_28] : memref<256x16xf32, #tpu.memory_space<vmem>>, vector<256x16xf32>
    %get3A_30 = arith.constant 0 : index
    %get3A_31 = arith.constant 0 : index
    %get3A_32 = vector.load %arg3[%get3A_30, %get3A_31] : memref<256x1xf32, #tpu.memory_space<vmem>>, vector<256x1xf32>
    %mul3A = vector.broadcast %get3A_32 : vector<256x1xf32> to vector<256x16xf32>
    %mul3A_33 = arith.mulf %get3A_29, %mul3A : vector<256x16xf32>
    %dot_general3A = arith.constant dense<0.000000e+00> : vector<16x16xf32>
    %dot_general3A_34 = tpu.matmul %select_n3A_27, %mul3A_33, %dot_general3A {dimension_numbers = #tpu.dot_dimension_numbers<[0], [0], [1], [1], [0, 1, 1, 1], [], []>, transpose_lhs_hint = false} : vector<256x16xf32>, vector<256x16xf32>, vector<16x16xf32> -> vector<16x16xf32>
    %get3A_35 = arith.constant 0 : index
    %get3A_36 = arith.constant 0 : index
    %get3A_37 = vector.load %arg1[%get3A_35, %get3A_36] : memref<4096x16xf32, #tpu.memory_space<vmem>>, vector<4096x16xf32>
    %dot_general3A_38 = arith.constant dense<0.000000e+00> : vector<4096x16xf32>
    %dot_general3A_39 = tpu.matmul %get3A_37, %dot_general3A_34, %dot_general3A_38 {dimension_numbers = #tpu.dot_dimension_numbers<[1], [1], [0], [0], [0, 0, 1, 0], [], []>, transpose_lhs_hint = false} : vector<4096x16xf32>, vector<16x16xf32>, vector<4096x16xf32> -> vector<4096x16xf32>
    %swap3A = arith.constant 0 : index
    %swap3A_40 = arith.constant 0 : index
    %swap3A_41 = vector.load %arg4[%swap3A, %swap3A_40] : memref<4096x16xf32, #tpu.memory_space<vmem>>, vector<4096x16xf32>
    tpu.vector_store %arg4[%swap3A, %swap3A_40], %dot_general3A_39 {strides = array<i32>} : memref<4096x16xf32, #tpu.memory_space<vmem>>, vector<4096x16xf32>,
    return
  }
  func.func @transform_0(%arg0: i32) -> (i32, i32) {
    %c0_i32 = arith.constant 0 : i32
    %c0_i32_0 = arith.constant 0 : i32
    return %arg0, %c0_i32 : i32, i32
  }
  func.func @transform_1(%arg0: i32) -> (i32, i32) {
    %c0_i32 = arith.constant 0 : i32
    %c0_i32_0 = arith.constant 0 : i32
    %c0_i32_1 = arith.constant 0 : i32
    return %c0_i32, %c0_i32_0 : i32, i32
  }
  func.func @transform_2(%arg0: i32) -> (i32, i32) {
    %c0_i32 = arith.constant 0 : i32
    %c0_i32_0 = arith.constant 0 : i32
    %c0_i32_1 = arith.constant 0 : i32
    return %c0_i32, %c0_i32_0 : i32, i32
  }
  func.func @transform_3(%arg0: i32) -> (i32, i32) {
    %c0_i32 = arith.constant 0 : i32
    %c0_i32_0 = arith.constant 0 : i32
    return %arg0, %c0_i32 : i32, i32
  }
}

module attributes {stable_mosaic.version = 14 : i64} {
  func.func @_proj_body(%arg0: i32, %arg1: memref<2000x256xf32, #tpu.memory_space<vmem>>, %arg2: memref<256x256xf32, #tpu.memory_space<vmem>>, %arg3: memref<1x256xf32, #tpu.memory_space<vmem>>, %arg4: memref<1x256xf32, #tpu.memory_space<vmem>>, %arg5: memref<2000x256xf32, #tpu.memory_space<vmem>>, %arg6: memref<2000x16xf32, #tpu.memory_space<vmem>>, %arg7: memref<2000x16xf32, #tpu.memory_space<vmem>>) attributes {dimension_semantics = [#tpu.dimension_semantics<arbitrary>], iteration_bounds = array<i64: 5>, scalar_prefetch = 0 : i64, scratch_operands = 0 : i64, tpu.core_type = #tpu.core_type<tc>, window_params = [{transform_indices = @transform_0, window_bounds = array<i64: 2000, 256>}, {pipeline_mode = #tpu.pipeline_mode<synchronous>, transform_indices = @transform_1, window_bounds = array<i64: 256, 256>}, {pipeline_mode = #tpu.pipeline_mode<synchronous>, transform_indices = @transform_2, window_bounds = array<i64: 1, 256>}, {pipeline_mode = #tpu.pipeline_mode<synchronous>, transform_indices = @transform_3, window_bounds = array<i64: 1, 256>}, {transform_indices = @transform_4, window_bounds = array<i64: 2000, 256>}, {transform_indices = @transform_5, window_bounds = array<i64: 2000, 16>}, {transform_indices = @transform_6, window_bounds = array<i64: 2000, 16>}]} {
    %get3A = arith.constant 0 : index
    %get3A_0 = arith.constant 0 : index
    %get3A_1 = vector.load %arg1[%get3A, %get3A_0] : memref<2000x256xf32, #tpu.memory_space<vmem>>, vector<2000x256xf32>
    %get3A_2 = arith.constant 0 : index
    %get3A_3 = arith.constant 0 : index
    %get3A_4 = vector.load %arg2[%get3A_2, %get3A_3] : memref<256x256xf32, #tpu.memory_space<vmem>>, vector<256x256xf32>
    %dot_general3A = arith.constant dense<0.000000e+00> : vector<2000x256xf32>
    %dot_general3A_5 = tpu.matmul %get3A_1, %get3A_4, %dot_general3A {dimension_numbers = #tpu.dot_dimension_numbers<[1], [1], [0], [0], [0, 0, 1, 0], [], []>, transpose_lhs_hint = false} : vector<2000x256xf32>, vector<256x256xf32>, vector<2000x256xf32> -> vector<2000x256xf32>
    %swap3A = arith.constant 0 : index
    %swap3A_6 = arith.constant 0 : index
    %swap3A_7 = vector.load %arg5[%swap3A, %swap3A_6] : memref<2000x256xf32, #tpu.memory_space<vmem>>, vector<2000x256xf32>
    tpu.vector_store %arg5[%swap3A, %swap3A_6], %dot_general3A_5 {strides = array<i32>} : memref<2000x256xf32, #tpu.memory_space<vmem>>, vector<2000x256xf32>,
    %iota3A = tpu.iota {dimensions = array<i32: 0>} : vector<256x16xi32>
    %iota3A_8 = tpu.iota {dimensions = array<i32: 1>} : vector<256x16xi32>
    %jit3A = arith.constant 32 : i32
    %div3A = vector.broadcast %jit3A : i32 to vector<256x16xi32>
    %div3A_9 = arith.divsi %iota3A, %div3A : vector<256x16xi32>
    %sign3A = arith.constant 0 : i32
    %sign3A_10 = vector.broadcast %sign3A : i32 to vector<256x16xi32>
    %sign3A_11 = arith.cmpi sgt, %iota3A, %sign3A_10 : vector<256x16xi32>
    %sign3A_12 = arith.extui %sign3A_11 : vector<256x16xi1> to vector<256x16xi32>
    %sign3A_13 = arith.constant 0 : i32
    %sign3A_14 = vector.broadcast %sign3A_13 : i32 to vector<256x16xi32>
    %sign3A_15 = arith.cmpi slt, %iota3A, %sign3A_14 : vector<256x16xi32>
    %sign3A_16 = arith.extui %sign3A_15 : vector<256x16xi1> to vector<256x16xi32>
    %sign3A_17 = arith.subi %sign3A_12, %sign3A_16 : vector<256x16xi32>
    %sign3A_18 = arith.constant 0 : i32
    %sign3A_19 = arith.cmpi sgt, %jit3A, %sign3A_18 : i32
    %sign3A_20 = arith.extui %sign3A_19 : i1 to i32
    %sign3A_21 = arith.constant 0 : i32
    %sign3A_22 = arith.cmpi slt, %jit3A, %sign3A_21 : i32
    %sign3A_23 = arith.extui %sign3A_22 : i1 to i32
    %sign3A_24 = arith.subi %sign3A_20, %sign3A_23 : i32
    %ne3A = vector.broadcast %sign3A_24 : i32 to vector<256x16xi32>
    %ne3A_25 = arith.cmpi ne, %sign3A_17, %ne3A : vector<256x16xi32>
    %rem3A = vector.broadcast %jit3A : i32 to vector<256x16xi32>
    %rem3A_26 = arith.remsi %iota3A, %rem3A : vector<256x16xi32>
    %ne3A_27 = arith.constant 0 : i32
    %ne3A_28 = vector.broadcast %ne3A_27 : i32 to vector<256x16xi32>
    %ne3A_29 = arith.cmpi ne, %rem3A_26, %ne3A_28 : vector<256x16xi32>
    %and3A = arith.andi %ne3A_25, %ne3A_29 : vector<256x16xi1>
    %sub3A = arith.constant 1 : i32
    %sub3A_30 = vector.broadcast %sub3A : i32 to vector<256x16xi32>
    %sub3A_31 = arith.subi %div3A_9, %sub3A_30 : vector<256x16xi32>
    %select_n3A = arith.select %and3A, %sub3A_31, %div3A_9 : vector<256x16xi1>, vector<256x16xi32>
    %eq3A = arith.cmpi eq, %select_n3A, %iota3A_8 : vector<256x16xi32>
    %jit3A_32 = arith.constant 1.000000e+00 : f32
    %jit3A_33 = arith.constant 0.000000e+00 : f32
    %broadcast_in_dim3A = vector.broadcast %jit3A_32 : f32 to vector<256x16xf32>
    %broadcast_in_dim3A_34 = vector.broadcast %jit3A_33 : f32 to vector<256x16xf32>
    %select_n3A_35 = arith.select %eq3A, %broadcast_in_dim3A, %broadcast_in_dim3A_34 : vector<256x16xi1>, vector<256x16xf32>
    %get3A_36 = arith.constant 0 : index
    %get3A_37 = arith.constant 0 : index
    %get3A_38 = vector.load %arg3[%get3A_36, %get3A_37] : memref<1x256xf32, #tpu.memory_space<vmem>>, vector<1x256xf32>
    %mul3A = vector.broadcast %get3A_38 : vector<1x256xf32> to vector<2000x256xf32>
    %mul3A_39 = arith.mulf %dot_general3A_5, %mul3A : vector<2000x256xf32>
    %dot_general3A_40 = arith.constant dense<0.000000e+00> : vector<2000x16xf32>
    %dot_general3A_41 = tpu.matmul %mul3A_39, %select_n3A_35, %dot_general3A_40 {dimension_numbers = #tpu.dot_dimension_numbers<[1], [0], [0], [1], [0, 0, 1, 1], [], []>, transpose_lhs_hint = false} : vector<2000x256xf32>, vector<256x16xf32>, vector<2000x16xf32> -> vector<2000x16xf32>
    %swap3A_42 = arith.constant 0 : index
    %swap3A_43 = arith.constant 0 : index
    %swap3A_44 = vector.load %arg6[%swap3A_42, %swap3A_43] : memref<2000x16xf32, #tpu.memory_space<vmem>>, vector<2000x16xf32>
    tpu.vector_store %arg6[%swap3A_42, %swap3A_43], %dot_general3A_41 {strides = array<i32>} : memref<2000x16xf32, #tpu.memory_space<vmem>>, vector<2000x16xf32>,
    %get3A_45 = arith.constant 0 : index
    %get3A_46 = arith.constant 0 : index
    %get3A_47 = vector.load %arg4[%get3A_45, %get3A_46] : memref<1x256xf32, #tpu.memory_space<vmem>>, vector<1x256xf32>
    %mul3A_48 = vector.broadcast %get3A_47 : vector<1x256xf32> to vector<2000x256xf32>
    %mul3A_49 = arith.mulf %dot_general3A_5, %mul3A_48 : vector<2000x256xf32>
    %dot_general3A_50 = arith.constant dense<0.000000e+00> : vector<2000x16xf32>
    %dot_general3A_51 = tpu.matmul %mul3A_49, %select_n3A_35, %dot_general3A_50 {dimension_numbers = #tpu.dot_dimension_numbers<[1], [0], [0], [1], [0, 0, 1, 1], [], []>, transpose_lhs_hint = false} : vector<2000x256xf32>, vector<256x16xf32>, vector<2000x16xf32> -> vector<2000x16xf32>
    %swap3A_52 = arith.constant 0 : index
    %swap3A_53 = arith.constant 0 : index
    %swap3A_54 = vector.load %arg7[%swap3A_52, %swap3A_53] : memref<2000x16xf32, #tpu.memory_space<vmem>>, vector<2000x16xf32>
    tpu.vector_store %arg7[%swap3A_52, %swap3A_53], %dot_general3A_51 {strides = array<i32>} : memref<2000x16xf32, #tpu.memory_space<vmem>>, vector<2000x16xf32>,
    return
  }
  func.func @transform_0(%arg0: i32) -> (i32, i32) {
    %c0_i32 = arith.constant 0 : i32
    %c0_i32_0 = arith.constant 0 : i32
    return %arg0, %c0_i32 : i32, i32
  }
  func.func @transform_1(%arg0: i32) -> (i32, i32) {
    %c0_i32 = arith.constant 0 : i32
    %c0_i32_0 = arith.constant 0 : i32
    %c0_i32_1 = arith.constant 0 : i32
    return %c0_i32, %c0_i32_0 : i32, i32
  }
  func.func @transform_2(%arg0: i32) -> (i32, i32) {
    %c0_i32 = arith.constant 0 : i32
    %c0_i32_0 = arith.constant 0 : i32
    %c0_i32_1 = arith.constant 0 : i32
    return %c0_i32, %c0_i32_0 : i32, i32
  }
  func.func @transform_3(%arg0: i32) -> (i32, i32) {
    %c0_i32 = arith.constant 0 : i32
    %c0_i32_0 = arith.constant 0 : i32
    %c0_i32_1 = arith.constant 0 : i32
    return %c0_i32, %c0_i32_0 : i32, i32
  }
  func.func @transform_4(%arg0: i32) -> (i32, i32) {
    %c0_i32 = arith.constant 0 : i32
    %c0_i32_0 = arith.constant 0 : i32
    return %arg0, %c0_i32 : i32, i32
  }
  func.func @transform_5(%arg0: i32) -> (i32, i32) {
    %c0_i32 = arith.constant 0 : i32
    %c0_i32_0 = arith.constant 0 : i32
    return %arg0, %c0_i32 : i32, i32
  }
  func.func @transform_6(%arg0: i32) -> (i32, i32) {
    %c0_i32 = arith.constant 0 : i32
    %c0_i32_0 = arith.constant 0 : i32
    return %arg0, %c0_i32 : i32, i32
  }
}

module attributes {stable_mosaic.version = 14 : i64} {
  func.func @_combine_body(%arg0: i32, %arg1: memref<2000x128xf32, #tpu.memory_space<vmem>>, %arg2: memref<2000x128xf32, #tpu.memory_space<vmem>>, %arg3: memref<2000x16xf32, #tpu.memory_space<vmem>>, %arg4: memref<2000x16xf32, #tpu.memory_space<vmem>>, %arg5: memref<2000x16xf32, #tpu.memory_space<vmem>>, %arg6: memref<2000x16xf32, #tpu.memory_space<vmem>>, %arg7: memref<2000x16xf32, #tpu.memory_space<vmem>>, %arg8: memref<2000x16xf32, #tpu.memory_space<vmem>>, %arg9: memref<2000x16xf32, #tpu.memory_space<vmem>>, %arg10: memref<2000x16xf32, #tpu.memory_space<vmem>>, %arg11: memref<2000x256xf32, #tpu.memory_space<vmem>>, %arg12: memref<1x256xf32, #tpu.memory_space<vmem>>, %arg13: memref<2000x256xf32, #tpu.memory_space<vmem>>) attributes {dimension_semantics = [#tpu.dimension_semantics<arbitrary>], iteration_bounds = array<i64: 5>, scalar_prefetch = 0 : i64, scratch_operands = 0 : i64, tpu.core_type = #tpu.core_type<tc>, window_params = [{transform_indices = @transform_0, window_bounds = array<i64: 2000, 128>}, {transform_indices = @transform_1, window_bounds = array<i64: 2000, 128>}, {transform_indices = @transform_2, window_bounds = array<i64: 2000, 16>}, {transform_indices = @transform_3, window_bounds = array<i64: 2000, 16>}, {transform_indices = @transform_4, window_bounds = array<i64: 2000, 16>}, {transform_indices = @transform_5, window_bounds = array<i64: 2000, 16>}, {transform_indices = @transform_6, window_bounds = array<i64: 2000, 16>}, {transform_indices = @transform_7, window_bounds = array<i64: 2000, 16>}, {transform_indices = @transform_8, window_bounds = array<i64: 2000, 16>}, {transform_indices = @transform_9, window_bounds = array<i64: 2000, 16>}, {transform_indices = @transform_10, window_bounds = array<i64: 2000, 256>}, {pipeline_mode = #tpu.pipeline_mode<synchronous>, transform_indices = @transform_11, window_bounds = array<i64: 1, 256>}, {transform_indices = @transform_12, window_bounds = array<i64: 2000, 256>}]} {
    %get3A = arith.constant 0 : index
    %get3A_0 = arith.constant 0 : index
    %get3A_1 = vector.load %arg3[%get3A, %get3A_0] : memref<2000x16xf32, #tpu.memory_space<vmem>>, vector<2000x16xf32>
    %get3A_2 = arith.constant 0 : index
    %get3A_3 = arith.constant 0 : index
    %get3A_4 = vector.load %arg4[%get3A_2, %get3A_3] : memref<2000x16xf32, #tpu.memory_space<vmem>>, vector<2000x16xf32>
    %add3A = arith.addf %get3A_1, %get3A_4 : vector<2000x16xf32>
    %get3A_5 = arith.constant 0 : index
    %get3A_6 = arith.constant 0 : index
    %get3A_7 = vector.load %arg5[%get3A_5, %get3A_6] : memref<2000x16xf32, #tpu.memory_space<vmem>>, vector<2000x16xf32>
    %get3A_8 = arith.constant 0 : index
    %get3A_9 = arith.constant 0 : index
    %get3A_10 = vector.load %arg6[%get3A_8, %get3A_9] : memref<2000x16xf32, #tpu.memory_space<vmem>>, vector<2000x16xf32>
    %add3A_11 = arith.addf %get3A_7, %get3A_10 : vector<2000x16xf32>
    %get3A_12 = arith.constant 0 : index
    %get3A_13 = arith.constant 0 : index
    %get3A_14 = vector.load %arg7[%get3A_12, %get3A_13] : memref<2000x16xf32, #tpu.memory_space<vmem>>, vector<2000x16xf32>
    %get3A_15 = arith.constant 0 : index
    %get3A_16 = arith.constant 0 : index
    %get3A_17 = vector.load %arg8[%get3A_15, %get3A_16] : memref<2000x16xf32, #tpu.memory_space<vmem>>, vector<2000x16xf32>
    %add3A_18 = arith.addf %get3A_14, %get3A_17 : vector<2000x16xf32>
    %max3A = arith.constant 1.000000e+00 : f32
    %max3A_19 = vector.broadcast %max3A : f32 to vector<2000x16xf32>
    %max3A_20 = arith.maximumf %add3A_18, %max3A_19 : vector<2000x16xf32>
    %div3A = arith.divf %add3A_11, %max3A_20 : vector<2000x16xf32>
    %get3A_21 = arith.constant 0 : index
    %get3A_22 = arith.constant 0 : index
    %get3A_23 = vector.load %arg9[%get3A_21, %get3A_22] : memref<2000x16xf32, #tpu.memory_space<vmem>>, vector<2000x16xf32>
    %get3A_24 = arith.constant 0 : index
    %get3A_25 = arith.constant 0 : index
    %get3A_26 = vector.load %arg10[%get3A_24, %get3A_25] : memref<2000x16xf32, #tpu.memory_space<vmem>>, vector<2000x16xf32>
    %add3A_27 = arith.addf %get3A_23, %get3A_26 : vector<2000x16xf32>
    %add3A_28 = arith.addf %add3A_27, %div3A : vector<2000x16xf32>
    %gt3A = arith.constant 0.000000e+00 : f32
    %gt3A_29 = vector.broadcast %gt3A : f32 to vector<2000x16xf32>
    %gt3A_30 = arith.cmpf ogt, %add3A_28, %gt3A_29 : vector<2000x16xf32>
    %mul3A = arith.constant 2.000000e-01 : f32
    %mul3A_31 = vector.broadcast %mul3A : f32 to vector<2000x16xf32>
    %mul3A_32 = arith.mulf %mul3A_31, %add3A_28 : vector<2000x16xf32>
    %select_n3A = arith.select %gt3A_30, %add3A_28, %mul3A_32 : vector<2000x16xi1>, vector<2000x16xf32>
    %exp3A = math.exp %select_n3A : vector<2000x16xf32>
    %add3A_33 = arith.addf %add3A, %exp3A : vector<2000x16xf32>
    %add3A_34 = arith.constant 1.000000e-16 : f32
    %add3A_35 = vector.broadcast %add3A_34 : f32 to vector<2000x16xf32>
    %add3A_36 = arith.addf %add3A_33, %add3A_35 : vector<2000x16xf32>
    %add3A_37 = arith.constant 1.000000e+00 : f32
    %add3A_38 = vector.broadcast %add3A_37 : f32 to vector<2000x16xf32>
    %add3A_39 = arith.addf %add3A_18, %add3A_38 : vector<2000x16xf32>
    %mul3A_40 = arith.mulf %add3A_36, %add3A_39 : vector<2000x16xf32>
    %div3A_41 = arith.constant 1.000000e+00 : f32
    %div3A_42 = vector.broadcast %div3A_41 : f32 to vector<2000x16xf32>
    %div3A_43 = arith.divf %div3A_42, %mul3A_40 : vector<2000x16xf32>
    %iota3A = tpu.iota {dimensions = array<i32: 0>} : vector<256x16xi32>
    %iota3A_44 = tpu.iota {dimensions = array<i32: 1>} : vector<256x16xi32>
    %jit3A = arith.constant 32 : i32
    %div3A_45 = vector.broadcast %jit3A : i32 to vector<256x16xi32>
    %div3A_46 = arith.divsi %iota3A, %div3A_45 : vector<256x16xi32>
    %sign3A = arith.constant 0 : i32
    %sign3A_47 = vector.broadcast %sign3A : i32 to vector<256x16xi32>
    %sign3A_48 = arith.cmpi sgt, %iota3A, %sign3A_47 : vector<256x16xi32>
    %sign3A_49 = arith.extui %sign3A_48 : vector<256x16xi1> to vector<256x16xi32>
    %sign3A_50 = arith.constant 0 : i32
    %sign3A_51 = vector.broadcast %sign3A_50 : i32 to vector<256x16xi32>
    %sign3A_52 = arith.cmpi slt, %iota3A, %sign3A_51 : vector<256x16xi32>
    %sign3A_53 = arith.extui %sign3A_52 : vector<256x16xi1> to vector<256x16xi32>
    %sign3A_54 = arith.subi %sign3A_49, %sign3A_53 : vector<256x16xi32>
    %sign3A_55 = arith.constant 0 : i32
    %sign3A_56 = arith.cmpi sgt, %jit3A, %sign3A_55 : i32
    %sign3A_57 = arith.extui %sign3A_56 : i1 to i32
    %sign3A_58 = arith.constant 0 : i32
    %sign3A_59 = arith.cmpi slt, %jit3A, %sign3A_58 : i32
    %sign3A_60 = arith.extui %sign3A_59 : i1 to i32
    %sign3A_61 = arith.subi %sign3A_57, %sign3A_60 : i32
    %ne3A = vector.broadcast %sign3A_61 : i32 to vector<256x16xi32>
    %ne3A_62 = arith.cmpi ne, %sign3A_54, %ne3A : vector<256x16xi32>
    %rem3A = vector.broadcast %jit3A : i32 to vector<256x16xi32>
    %rem3A_63 = arith.remsi %iota3A, %rem3A : vector<256x16xi32>
    %ne3A_64 = arith.constant 0 : i32
    %ne3A_65 = vector.broadcast %ne3A_64 : i32 to vector<256x16xi32>
    %ne3A_66 = arith.cmpi ne, %rem3A_63, %ne3A_65 : vector<256x16xi32>
    %and3A = arith.andi %ne3A_62, %ne3A_66 : vector<256x16xi1>
    %sub3A = arith.constant 1 : i32
    %sub3A_67 = vector.broadcast %sub3A : i32 to vector<256x16xi32>
    %sub3A_68 = arith.subi %div3A_46, %sub3A_67 : vector<256x16xi32>
    %select_n3A_69 = arith.select %and3A, %sub3A_68, %div3A_46 : vector<256x16xi1>, vector<256x16xi32>
    %eq3A = arith.cmpi eq, %select_n3A_69, %iota3A_44 : vector<256x16xi32>
    %jit3A_70 = arith.constant 1.000000e+00 : f32
    %jit3A_71 = arith.constant 0.000000e+00 : f32
    %broadcast_in_dim3A = vector.broadcast %jit3A_70 : f32 to vector<256x16xf32>
    %broadcast_in_dim3A_72 = vector.broadcast %jit3A_71 : f32 to vector<256x16xf32>
    %select_n3A_73 = arith.select %eq3A, %broadcast_in_dim3A, %broadcast_in_dim3A_72 : vector<256x16xi1>, vector<256x16xf32>
    %dot_general3A = arith.constant dense<0.000000e+00> : vector<2000x256xf32>
    %dot_general3A_74 = tpu.matmul %exp3A, %select_n3A_73, %dot_general3A {dimension_numbers = #tpu.dot_dimension_numbers<[1], [1], [0], [0], [0, 0, 1, 0], [], []>, transpose_lhs_hint = false} : vector<2000x16xf32>, vector<256x16xf32>, vector<2000x256xf32> -> vector<2000x256xf32>
    %dot_general3A_75 = arith.constant dense<0.000000e+00> : vector<2000x256xf32>
    %dot_general3A_76 = tpu.matmul %div3A_43, %select_n3A_73, %dot_general3A_75 {dimension_numbers = #tpu.dot_dimension_numbers<[1], [1], [0], [0], [0, 0, 1, 0], [], []>, transpose_lhs_hint = false} : vector<2000x16xf32>, vector<256x16xf32>, vector<2000x256xf32> -> vector<2000x256xf32>
    %get3A_77 = arith.constant 0 : index
    %get3A_78 = arith.constant 0 : index
    %get3A_79 = vector.load %arg1[%get3A_77, %get3A_78] : memref<2000x128xf32, #tpu.memory_space<vmem>>, vector<2000x128xf32>
    %get3A_80 = arith.constant 0 : index
    %get3A_81 = arith.constant 0 : index
    %get3A_82 = vector.load %arg2[%get3A_80, %get3A_81] : memref<2000x128xf32, #tpu.memory_space<vmem>>, vector<2000x128xf32>
    %concatenate3A = tpu.concatenate %get3A_79, %get3A_82 in 1 : vector<2000x128xf32>, vector<2000x128xf32> -> vector<2000x256xf32>
    %get3A_83 = arith.constant 0 : index
    %get3A_84 = arith.constant 0 : index
    %get3A_85 = vector.load %arg11[%get3A_83, %get3A_84] : memref<2000x256xf32, #tpu.memory_space<vmem>>, vector<2000x256xf32>
    %mul3A_86 = arith.mulf %dot_general3A_74, %get3A_85 : vector<2000x256xf32>
    %add3A_87 = arith.addf %concatenate3A, %mul3A_86 : vector<2000x256xf32>
    %mul3A_88 = arith.mulf %add3A_87, %dot_general3A_76 : vector<2000x256xf32>
    %get3A_89 = arith.constant 0 : index
    %get3A_90 = arith.constant 0 : index
    %get3A_91 = vector.load %arg12[%get3A_89, %get3A_90] : memref<1x256xf32, #tpu.memory_space<vmem>>, vector<1x256xf32>
    %add3A_92 = vector.broadcast %get3A_91 : vector<1x256xf32> to vector<2000x256xf32>
    %add3A_93 = arith.addf %mul3A_88, %add3A_92 : vector<2000x256xf32>
    %gt3A_94 = arith.constant 0.000000e+00 : f32
    %gt3A_95 = vector.broadcast %gt3A_94 : f32 to vector<2000x256xf32>
    %gt3A_96 = arith.cmpf ogt, %add3A_93, %gt3A_95 : vector<2000x256xf32>
    %exp3A_97 = math.exp %add3A_93 : vector<2000x256xf32>
    %sub3A_98 = arith.constant 1.000000e+00 : f32
    %sub3A_99 = vector.broadcast %sub3A_98 : f32 to vector<2000x256xf32>
    %sub3A_100 = arith.subf %exp3A_97, %sub3A_99 : vector<2000x256xf32>
    %select_n3A_101 = arith.select %gt3A_96, %add3A_93, %sub3A_100 : vector<2000x256xi1>, vector<2000x256xf32>
    %swap3A = arith.constant 0 : index
    %swap3A_102 = arith.constant 0 : index
    %swap3A_103 = vector.load %arg13[%swap3A, %swap3A_102] : memref<2000x256xf32, #tpu.memory_space<vmem>>, vector<2000x256xf32>
    tpu.vector_store %arg13[%swap3A, %swap3A_102], %select_n3A_101 {strides = array<i32>} : memref<2000x256xf32, #tpu.memory_space<vmem>>, vector<2000x256xf32>,
    return
  }
  func.func @transform_0(%arg0: i32) -> (i32, i32) {
    %c0_i32 = arith.constant 0 : i32
    %c0_i32_0 = arith.constant 0 : i32
    return %arg0, %c0_i32 : i32, i32
  }
  func.func @transform_1(%arg0: i32) -> (i32, i32) {
    %c0_i32 = arith.constant 0 : i32
    %c0_i32_0 = arith.constant 0 : i32
    return %arg0, %c0_i32 : i32, i32
  }
  func.func @transform_2(%arg0: i32) -> (i32, i32) {
    %c0_i32 = arith.constant 0 : i32
    %c0_i32_0 = arith.constant 0 : i32
    return %arg0, %c0_i32 : i32, i32
  }
  func.func @transform_3(%arg0: i32) -> (i32, i32) {
    %c0_i32 = arith.constant 0 : i32
    %c0_i32_0 = arith.constant 0 : i32
    return %arg0, %c0_i32 : i32, i32
  }
  func.func @transform_4(%arg0: i32) -> (i32, i32) {
    %c0_i32 = arith.constant 0 : i32
    %c0_i32_0 = arith.constant 0 : i32
    return %arg0, %c0_i32 : i32, i32
  }
  func.func @transform_5(%arg0: i32) -> (i32, i32) {
    %c0_i32 = arith.constant 0 : i32
    %c0_i32_0 = arith.constant 0 : i32
    return %arg0, %c0_i32 : i32, i32
  }
  func.func @transform_6(%arg0: i32) -> (i32, i32) {
    %c0_i32 = arith.constant 0 : i32
    %c0_i32_0 = arith.constant 0 : i32
    return %arg0, %c0_i32 : i32, i32
  }
  func.func @transform_7(%arg0: i32) -> (i32, i32) {
    %c0_i32 = arith.constant 0 : i32
    %c0_i32_0 = arith.constant 0 : i32
    return %arg0, %c0_i32 : i32, i32
  }
  func.func @transform_8(%arg0: i32) -> (i32, i32) {
    %c0_i32 = arith.constant 0 : i32
    %c0_i32_0 = arith.constant 0 : i32
    return %arg0, %c0_i32 : i32, i32
  }
  func.func @transform_9(%arg0: i32) -> (i32, i32) {
    %c0_i32 = arith.constant 0 : i32
    %c0_i32_0 = arith.constant 0 : i32
    return %arg0, %c0_i32 : i32, i32
  }
  func.func @transform_10(%arg0: i32) -> (i32, i32) {
    %c0_i32 = arith.constant 0 : i32
    %c0_i32_0 = arith.constant 0 : i32
    return %arg0, %c0_i32 : i32, i32
  }
  func.func @transform_11(%arg0: i32) -> (i32, i32) {
    %c0_i32 = arith.constant 0 : i32
    %c0_i32_0 = arith.constant 0 : i32
    %c0_i32_1 = arith.constant 0 : i32
    return %c0_i32, %c0_i32_0 : i32, i32
  }
  func.func @transform_12(%arg0: i32) -> (i32, i32) {
    %c0_i32 = arith.constant 0 : i32
    %c0_i32_0 = arith.constant 0 : i32
    return %arg0, %c0_i32 : i32, i32
  }
}

</mosaic_0001>

<sc_bundles>
// kernel: kernel.10.cloned.1.call-start
scs
__scs_entry_jumppad:
0x0: {  	(pc) =	sbr.rel $0x88, $3  }
0x1: {  	(tag) =	ssettag $0x0;
	lr =	simm.s32 $0x1  }
0x2: {  	[smem:$0x3F98] =	sst lr;
	_ =	strace $0xD0000000  }
0x3: {  	_ = 	snop  }
0x4: {  	_ = 	snop  }
0x5: {  	_ = 	snop  }
0x6: {  	_ = 	snop  }
0x7: {  	_ = 	snop  }
__scs_overlays_trampoline_lowered:
0x8: {  	[smem:$0x3FA7] =	sst s0  }
0x9: {  	[smem:$0x3FA8] =	sst s1  }
0xa: {  	[smem:$0x3FA9] =	sst s2  }
0xb: {  	[smem:$0x3FAA] =	sst s3  }
0xc: {  	[smem:$0x3FAB] =	sst s4  }
0xd: {  	[smem:$0x3FAC] =	sst s5  }
0xe: {  	[smem:$0x3FAD] =	sst s6  }
0xf: {  	[smem:$0x3FAE] =	sst s7  }
0x10: {  	[smem:$0x3FAF] =	sst s8  }
0x11: {  	[smem:$0x3FB0] =	sst s9;
	s0 =	simm.s32 @!p0 $0x0  }
0x12: {  	s1 =	sld [smem:$0x3F96];
	s0 =	simm.s32 @p0 $0x1  }
0x13: {  	[smem:$0x3FB1] =	sst s0;
	s0 =	simm.s32 @!p1 $0x0  }
0x14: {  	s2 =	sld [smem:$0x3F95];
	s0 =	simm.s32 @p1 $0x1  }
0x15: {  	[smem:$0x3FB2] =	sst s0;
	s0 =	simm.s32 @!p2 $0x0  }
0x16: {  	s3 =	sld [smem:$0x3FDB];
	s0 =	simm.s32 @p2 $0x1  }
0x17: {  	s4 =	simm.s32 $0x1BF5;
	[smem:$0x3FB4] =	sst s0  }
0x18: {  	s0 =	sld [smem:$0x3F97];
	_ =	swait.ge [sflag:s4], $0x0  }
0x19: {  	s7 =	sld [smem:$0x3F98]  }
0x1a: {  	s8 =	sadd.s32 $0xFFFFE003, lr  }
0x1b: {  	s9 =	sadd.s32 $0xFFFFFEF7, lr;
	s5 =	simm.s32 $0xFFFFFFFF;
	p2 =	slt.u32 s8, $0xFFFFF086  }
0x1c: {  	p1 =	slt.u32 s9, $0xF7A;
	s5 =	simm.s32 @!p2 $0x0  }
0x1d: {  	s5 =	simm.s32 @p1 $0x1;
	p0 =	seq.s32 s7, s2  }
0x1e: {  	s7 =	smul.u32 @!p0 $0xF7A, s2;
	p2 =	seq.s32 @!p0 s5, $0x0  }
0x1f: {  	s9 =	smul.u32 $0xF7A, s1;
	s8 =	simm.s32 @!p0 $0x1BF5;
	p2 =	por !p2, p0  }
0x20: {  	[sflag:s8] =	ssyncset.s32 @!p0 $0xFFFFF086;
	s6 =	sadd.s32 @!p0 s3, s7;
	s7 =	simm.s32 @!p0 $0x108  }
0x21: {  	s3 =	sadd.s32 s3, s9;
	s6 =	sadd.s32 @!p0 $0x88, s6;
	s7 =	simm.s32 @p2 $0x1082  }
0x22: {  	[simem:s7], [sflag:s8] =	dma.local @!p0 [hbm:s6], $0xF7A  }
0x23: {  	s9 =	sor.u32 $0xD0000000, s2;
	s6 =	simm.s32 $0x108;
	_ =	swait.ge @!p0 [sflag:s8], $0x0  }
0x24: {  	s3 =	sadd.s32 $0x88, s3;
	s6 =	simm.s32 @!p1 $0x1082;
	[sflag:s4] =	ssyncset.s32 $0xFFFFF086  }
0x25: {  	[simem:s6], [sflag:s4] =	dma.local [hbm:s3], $0xF7A  }
0x26: {  	[smem:$0x3F98] =	sst s1;
	(tag) =	ssettag s2;
	_ =	strace s9  }
0x27: {  	s1 =	sld [smem:$0x3FA8]  }
0x28: {  	s2 =	sld [smem:$0x3FA9]  }
0x29: {  	s4 =	sld [smem:$0x3FAB]  }
0x2a: {  	p0 =	seq.s32 s5, $0x0;
	s5 =	sld [smem:$0x3FAC]  }
0x2b: {  	s6 =	sld [smem:$0x3FAD]  }
0x2c: {  	s7 =	sld [smem:$0x3FAE]  }
0x2d: {  	s3 =	simm.s32 $0x108;
	s8 =	sld [smem:$0x3FAF]  }
0x2e: {  	s3 =	simm.s32 @!p0 $0x1082;
	s9 =	sld [smem:$0x3FB0]  }
0x2f: {  	lr =	sadd.s32 s0, s3;
	s0 =	sld [smem:$0x3FA7]  }
0x30: {  	s3 =	sld [smem:$0x3FAA]  }
0x31: {  	[smem:$0x3FB3] =	sst s10  }
0x32: {  	s10 =	sld [smem:$0x3FB1];
	_ =	sdelay $0x3  }
0x33: {  	p0 =	seq.s32 s10, $0x1;
	s10 =	sld [smem:$0x3FB3];
	_ =	sdelay $0x3  }
0x34: {  	[smem:$0x3FB3] =	sst s10  }
0x35: {  	s10 =	sld [smem:$0x3FB2];
	_ =	sdelay $0x3  }
0x36: {  	p1 =	seq.s32 s10, $0x1;
	s10 =	sld [smem:$0x3FB3];
	_ =	sdelay $0x3  }
0x37: {  	[smem:$0x3FB3] =	sst s10  }
0x38: {  	s10 =	sld [smem:$0x3FB4]  }
0x39: {  	_ = 	snop;
	(pc) =	sbr.ind lr, $3  }
0x3a: {  	_ = 	snop  }
0x3b: {  	_ = 	snop  }
0x3c: {  	p2 =	seq.s32 s10, $0x1;
	s10 =	sld [smem:$0x3FB3]  }
0x3d: {  	_ =	shalt  }
0x3e: {  	_ =	shalt  }
0x3f: {  	_ =	shalt  }
0x40: {  	_ =	shalt  }
0x41: {  	_ =	shalt  }
0x42: {  	_ =	shalt  }
0x43: {  	_ =	shalt  }
0x44: {  	_ =	shalt  }
0x45: {  	_ =	shalt  }
0x46: {  	_ =	shalt  }
0x47: {  	_ =	shalt  }
0x48: {  	_ =	shalt  }
0x49: {  	_ =	shalt  }
0x4a: {  	_ =	shalt  }
0x4b: {  	_ =	shalt  }
0x4c: {  	_ =	shalt  }
0x4d: {  	_ =	shalt  }
0x4e: {  	_ =	shalt  }
0x4f: {  	_ =	shalt  }
0x50: {  	_ =	shalt  }
0x51: {  	_ =	shalt  }
0x52: {  	_ =	shalt  }
0x53: {  	_ =	shalt  }
0x54: {  	_ =	shalt  }
0x55: {  	_ =	shalt  }
0x56: {  	_ =	shalt  }
0x57: {  	_ =	shalt  }
0x58: {  	_ =	shalt  }
0x59: {  	_ =	shalt  }
0x5a: {  	_ =	shalt  }
0x5b: {  	_ =	shalt  }
0x5c: {  	_ =	shalt  }
0x5d: {  	_ =	shalt  }
0x5e: {  	_ =	shalt  }
0x5f: {  	_ =	shalt  }
0x60: {  	_ =	shalt  }
0x61: {  	_ =	shalt  }
0x62: {  	_ =	shalt  }
0x63: {  	_ =	shalt  }
0x64: {  	_ =	shalt  }
0x65: {  	_ =	shalt  }
0x66: {  	_ =	shalt  }
0x67: {  	_ =	shalt  }
0x68: {  	_ =	shalt  }
0x69: {  	_ =	shalt  }
0x6a: {  	_ =	shalt  }
0x6b: {  	_ =	shalt  }
0x6c: {  	_ =	shalt  }
0x6d: {  	_ =	shalt  }
0x6e: {  	_ =	shalt  }
0x6f: {  	_ =	shalt  }
0x70: {  	_ =	shalt  }
0x71: {  	_ =	shalt  }
0x72: {  	_ =	shalt  }
0x73: {  	_ =	shalt  }
0x74: {  	_ =	shalt  }
0x75: {  	_ =	shalt  }
0x76: {  	_ =	shalt  }
0x77: {  	_ =	shalt  }
0x78: {  	_ =	shalt  }
0x79: {  	_ =	shalt  }
0x7a: {  	_ =	shalt  }
0x7b: {  	_ =	shalt  }
0x7c: {  	_ =	shalt  }
0x7d: {  	_ =	shalt  }
0x7e: {  	_ =	shalt  }
0x7f: {  	_ =	shalt  }
0x80: {  	_ =	shalt  }
0x81: {  	_ =	shalt  }
0x82: {  	_ =	shalt  }
0x83: {  	_ =	shalt  }
0x84: {  	_ =	shalt  }
0x85: {  	_ =	shalt  }
0x86: {  	_ =	shalt  }
0x87: {  	_ =	shalt  }
.Lfunc_end0:
.L_simem_size_0:
called_computation.1_lowered:
.L_overlay_start_0:
0x88: {  	s2 =	sld [smem:$0x3FD9]  }
0x89: {  	s3 =	sld [smem:$0x3FFE];
	_ =	sdelay $0x1  }
0x8a: {  	s1 =	srdreg.scid  }
0x8b: {  	s0 =	sand.u32 $0x1, s1  }
0x8c: {  	s17 =	sshll.u32 s0, $0xA;
	s2 =	sadd.s32 s3, s2  }
0x8d: {  	s2 =	sadd.s32 s2, s17  }
0x8e: {  	[smem:$0x3FBF] =	sst s2  }
0x8f: {  	_ = 	snop  }
0x90: {  	s2 =	sld [smem:$0x3FD0];
	(tm) =	ssettm $0x1  }
0x91: {  	s18 =	sld [smem:$0x3FFB];
	_ =	sdelay $0x3  }
0x92: {  	_ =	strace s18  }
0x93: {  	s3 =	sld [smem:$0x3FFC];
	_ =	sdelay $0x3  }
0x94: {  	_ =	strace s3  }
0x95: {  	s3 =	sld [smem:$0x3FFD];
	_ =	sdelay $0x3  }
0x96: {  	_ =	strace s3  }
0x97: {  	_ =	strace $0x8FFFFFFF  }
0x98: {  	s19 =	sld [smem:$0x3FDB];
	_ =	sdelay $0x1  }
0x99: {  	s4 =	simm.s32 $_scs_section_size  }
0x9a: {  	s5 =	simm.s32 $_size__tile_overlayer_lowered;
	s6 =	simm.s32 $_tile_overlayer_lowered  }
0x9b: {  	s22 =	simm.s32 $0x1BFF;
	s21 =	sshll.u32 s6, $0x1;
	s3 =	sadd.s32 s4, s19  }
0x9c: {  	s7 =	simm.s32 $0x0;
	s20 =	sshll.u32 s5, $0x1;
	s5 =	sadd.s32 s21, s3  }
0x9d: {  	[timem:s7], [sflag:s22] =	dma.local [hbm:s5], s20  }
0x9e: {  	_ =	swait.ge [sflag:s22], s20  }
0x9f: {  	s4 =	ssub.s32 $0x0, s20;
	[sflag:s22] =	ssyncset.done $0x0  }
0xa0: {  	[sflag:s22] =	ssyncadd.s32 s4;
	_ =	sdelay $0x1  }
0xa1: {  	s23 =	simm.s32 $0x1B8B  }
0xa2: {  	_ =	swait.ge [sflag:s23], $0x1  }
0xa3: {  	[sflag:s23] =	ssyncset.done $0x0  }
0xa4: {  	s25 =	simm.s32 $0x1B8E;
	s24 =	sld [smem:$0x3FFE];
	[sflag:s23] =	ssyncadd.s32 $0xFFFFFFFF  }
0xa5: {  	s26 =	simm.s32 $execute0_lowered;
	[smem:$0x3FD2] =	sst s25  }
0xa6: {  	s5 =	sshll.u32 s26, $0x1;
	_ =	strace $0x80000049;
	[dreg:$0x1] =	wrdreg $0xFFFFFFFF  }
0xa7: {  	s28 =	simm.s32 $_size_execute0_lowered;
	s3 =	sadd.s32 s3, s5;
	[dreg:$0x0] =	wrdreg $0x0  }
0xa8: {  	s5 =	sshll.u32 s28, $0x1;
	[dreg:$0x2] =	wrdreg s3  }
0xa9: {  	[dreg:$0x3] =	wrdreg s5  }
0xaa: {  	[dreg:$0x4] =	wrdreg $0xC0  }
0xab: {  	_ =	task [dreg:s7], $0x5FFFF  }
0xac: {  	[dreg:$0x1] =	wrdreg $0xFFFFFFFF  }
0xad: {  	[dreg:$0x0] =	wrdreg $0x60  }
0xae: {  	[dreg:$0x2] =	wrdreg s24  }
0xaf: {  	[dreg:$0x3] =	wrdreg s2  }
0xb0: {  	[dreg:$0x4] =	wrdreg $0x0  }
0xb1: {  	[dreg:$0x5] =	wrdreg $0x9  }
0xb2: {  	_ =	task.clear_ibuf [dreg:s7], $0x6FFFF;
	_ =	strace $0x90000049  }
0xb3: {  	s29 =	simm.s32 $0x9;
	_ =	strace $0x8000004B  }
0xb4: {  	_ =	swait.ge [sflag:s29], $0x1  }
0xb5: {  	[sflag:s29] =	ssyncadd.s32 $0xFFFFFFFF  }
0xb6: {  	_ =	strace $0x9000004B  }
0xb7: {  	_ =	sfence  }
0xb8: {  	s30 =	sld [smem:$0x0];
	_ =	sdelay $0x2  }
0xb9: {  	s31 =	sshll.u32 s1, $0xD;
	s1 =	sshrl.u32 s1, $0x2  }
0xba: {  	s3 =	sand.u32 $0x4000, s31;
	s1 =	sadd.s32 s1, s30  }
0xbb: {  	s0 =	sor.u32 s3, s0;
	s1 =	sshll.u32 s1, $0x11  }
0xbc: {  	s0 =	sor.u32 s1, s0  }
0xbd: {  	s0 =	sadd.s32 $0x8F2B, s0  }
0xbe: {  	[sflag:s0] =	ssyncadd.remote.s32 $0x1  }
0xbf: {  	_ =	sfence.sel $0xFFFF  }
0xc0: {  	[dreg:$0x0] =	wrdreg $0xFFFFFFFF;
	(pc) =	sbr.abs _section_cstart, $3  }
0xc1: {  	[dreg:$0x1] =	wrdreg $0xFFFFFFFF  }
0xc2: {  	_ =	task.clear_ibuf [dreg:s7], $0x2FFFF;
	_ =	strace $0x9FFFFFFF  }
0xc3: {  	(tm) =	ssettm $0x7FFFFFFF  }
tec
execute0_lowered:
.L_overlay_start_1:
0x0: {  	(tag) =	ssettag $0x1  }
0x1: {  	s0 =	rddreg [dreg:$0x0]  }
0x2: {  	s2 =	rddreg [dreg:$0x1]  }
0x3: {  	s3 =	rddreg [dreg:$0x2];
	s4 =	simm.s32 $0x0  }
0x4: {  	s14 =	stileid.u32;
	s1 =	srdreg.scid;
	s18 =	simm.s32 $0x3  }
0x5: {  	s19 =	simm.s32 $0x14000;
	s20 =	simm.s32 $0x14080;
	s28 =	simm.s32 $0x14200  }
0x6: {  	s29 =	simm.s32 $0x19280;
	s30 =	simm.s32 $0x1;
	s31 =	simm.s32 $0x2  }
0x7: {  	[smem:$0x7FF] =	sst s4;
	s9 =	smul.u32 $0x14000, s14;
	s1 =	sand.u32 $0x1, s1  }
0x8: {  	s5 =	sadd.s32 $0xFE000, s0;
	s6 =	sadd.s32 $0x103000, s0;
	s7 =	sadd.s32 $0x12B000, s0  }
0x9: {  	s22 =	sshll.u32 s14, $0x6;
	s24 =	smul.u32 $0x5000, s14;
	_ =	strace $0x8000004A  }
0xa: {  	s8 =	smul.u32 $0x140000, s1;
	s11 =	ssub.s32 $0x2, s1;
	s10 =	sshrl.u32 s9, $0x3  }
0xb: {  	p0 =	seq.s32 s1, $0x0;
	s13 =	sshrl.u32 s11, $0x1;
	s10 =	sadd.s32 s10, s0  }
0xc: {  	s8 =	sadd.s32 s9, s8;
	s16 =	ssub.s32 s11, s13;
	s9 =	sadd.s32 s9, s3  }
0xd: {  	s13 =	sadd.s32 s7, s24;
	s24 =	simm.s32 $0x15280;
	s12 =	sshrl.u32 s8, $0x3  }
0xe: {  	s8 =	smul.u32 $0x2800, s14;
	s10 =	sadd.s32 $0x2A00, s10;
	s16 =	smax.u32 s16, $0x1  }
0xf: {  	s17 =	sshrl.u32 s9, $0x3;
	s0 =	sadd.s32 s12, s0;
	[dreg:$0x4] =	wrdreg s10  }
0x10: {  	s10 =	sor.u32 $0x1C03, s22;
	s22 =	simm.s32 $0x80;
	s23 =	sshrl.u32 s8, $0x3  }
0x11: {  	s14 =	sor.u32 $0x100, s8;
	s15 =	sadd.s32 $0x17B000, s0;
	s25 =	sadd.s32 s5, s23  }
0x12: {  	s0 =	simm.s32 $0x0;
	s26 =	sadd.s32 s6, s23;
	[dreg:$0x5] =	wrdreg s25  }
0x13: {  	v0 =	vmov s1;
	[dreg:$0x6] =	wrdreg s26;
	s25 =	simm.s32 $0x14100;
	s26 =	simm.s32 $0x14A80  }
.LBB2_1:
0x14: {  	s1 =	rddreg [dreg:$0x4]  }
0x15: {  	[spmem:s17], [sflag:s10] =	dma.local [hbm:s1], $0x2800  }
0x16: {  	_ =	swait.ge [sflag:s18], $0x2800  }
0x17: {  	[sflag:s18] =	ssyncset.done $0x0  }
0x18: {  	[sflag:s18] =	ssyncadd.s32 $0xFFFFD800  }
0x19: {  	[bflag:$0x0] =	sbarrier.arrive $0xFFFF  }
0x1a: {  	s11 =	rddreg [dreg:$0x5]  }
0x1b: {  	[tilespmem:s19], [sflag:$0x3] =	stream.linear.gather [hbm4b:s11+s4], $0x80, $0x38;
	[tilespmem:$0x1D280] =	vst v63  }
0x1c: {  	_ =	swait.ge [sflag:s18], $0x80  }
0x1d: {  	[sflag:s18] =	ssyncset.done $0x0  }
0x1e: {  	s12 =	rddreg [dreg:$0x6];
	[sflag:s18] =	ssyncadd.s32 $0xFFFFFF80  }
0x1f: {  	[tilespmem:s20], [sflag:$0x3] =	stream.linear.gather [hbm4b:s12+s4], $0x80, $0x38;
	[tilespmem:$0x1D280] =	vst v63  }
0x20: {  	_ =	swait.ge [sflag:s18], $0x80  }
0x21: {  	[sflag:s18] =	ssyncset.done $0x0  }
0x22: {  	s21 =	simm.s32 $0x14280;
	[sflag:s18] =	ssyncadd.s32 $0xFFFFFF80  }
0x23: {  	[tilespmem:s21], [sflag:$0x3] =	stream.linear.gather [hbm4b:s13+s4], $0x800, $0x38;
	[tilespmem:$0x1D280] =	vst v63  }
0x24: {  	_ =	swait.ge [sflag:s18], $0x800  }
0x25: {  	[sflag:s18] =	ssyncset.done $0x0  }
0x26: {  	[sflag:s18] =	ssyncadd.s32 $0xFFFFF800  }
0x27: {  	v1 =	vld [tilespmem:$0x14000]  }
0x28: {  	v2 =	vld [tilespmem:$0x14010]  }
0x29: {  	v3 =	vld [tilespmem:$0x14020]  }
0x2a: {  	v4 =	vld [tilespmem:$0x14030]  }
0x2b: {  	v5 =	vld [tilespmem:$0x14040]  }
0x2c: {  	v6 =	vld [tilespmem:$0x14050];
	v1 =	vshll.u32 v1, $0x1  }
0x2d: {  	v7 =	vld [tilespmem:$0x14060];
	v2 =	vshll.u32 v2, $0x1;
	v1 =	vor.u32 v0, v1  }
0x2e: {  	[tilespmem:$0x14180] =	vst v1;
	v1 =	vor.u32 v0, v2;
	v2 =	vshll.u32 v3, $0x1;
	v3 =	vld [tilespmem:$0x14070]  }
0x2f: {  	[tilespmem:$0x14190] =	vst v1;
	v1 =	vor.u32 v0, v2;
	v2 =	vshll.u32 v4, $0x1  }
0x30: {  	[tilespmem:$0x141A0] =	vst v1;
	v1 =	vor.u32 v0, v2;
	v2 =	vshll.u32 v5, $0x1  }
0x31: {  	[tilespmem:$0x141B0] =	vst v1;
	v1 =	vor.u32 v0, v2;
	v2 =	vshll.u32 v6, $0x1  }
0x32: {  	[tilespmem:$0x141C0] =	vst v1;
	v1 =	vor.u32 v0, v2;
	v2 =	vshll.u32 v7, $0x1  }
0x33: {  	[tilespmem:$0x141D0] =	vst v1;
	v1 =	vor.u32 v0, v2;
	v2 =	vshll.u32 v3, $0x1  }
0x34: {  	[tilespmem:$0x141E0] =	vst v1;
	v1 =	vor.u32 v0, v2  }
0x35: {  	s23 =	simm.s32 $0x14180;
	s1 =	simm.s32 $0x0;
	[tilespmem:$0x141F0] =	vst v1  }
0x36: {  	[tilespmem:s24], [sflag:$0x1] =	stream.indirect.gather [hbm4b:s2+s22], $0x80, s23, s22, $0xb8;
	[tilespmem:$0x1D280] =	vst v63  }
.LBB2_2:
0x37: {  	s21 =	sshll.u32 s1, $0x8  }
0x38: {  	s9 =	sadd.s32 s21, s8  }
0x39: {  	s9 =	sadd.s32 $0x80, s9  }
0x3a: {  	s23 =	sshrl.u32 s9, $0x3  }
0x3b: {  	s12 =	simm.s32 $0x0;
	s11 =	sadd.s32 s5, s23  }
0x3c: {  	[tilespmem:s19], [sflag:$0x3] =	stream.linear.gather [hbm4b:s11+s12], $0x80, $0x38;
	[tilespmem:$0x1D280] =	vst v63  }
0x3d: {  	_ =	swait.ge [sflag:s18], $0x80  }
0x3e: {  	[sflag:s18] =	ssyncset.done $0x0  }
0x3f: {  	s23 =	sadd.s32 s6, s23;
	[sflag:s18] =	ssyncadd.s32 $0xFFFFFF80  }
0x40: {  	[tilespmem:s25], [sflag:$0x3] =	stream.linear.gather [hbm4b:s23+s12], $0x80, $0x38;
	[tilespmem:$0x1D280] =	vst v63  }
0x41: {  	_ =	swait.ge [sflag:s18], $0x80  }
0x42: {  	s9 =	sshll.u32 s9, $0x1;
	[sflag:s18] =	ssyncset.done $0x0  }
0x43: {  	s9 =	sadd.s32 s7, s9;
	[sflag:s18] =	ssyncadd.s32 $0xFFFFFF80  }
0x44: {  	[tilespmem:s26], [sflag:$0x3] =	stream.linear.gather [hbm4b:s9+s12], $0x800, $0x38;
	[tilespmem:$0x1D280] =	vst v63  }
0x45: {  	_ =	swait.ge [sflag:s18], $0x800  }
0x46: {  	[sflag:s18] =	ssyncset.done $0x0  }
0x47: {  	[sflag:s18] =	ssyncadd.s32 $0xFFFFF800  }
0x48: {  	v1 =	vld [tilespmem:$0x14000]  }
0x49: {  	v2 =	vld [tilespmem:$0x14010]  }
0x4a: {  	v3 =	vld [tilespmem:$0x14020]  }
0x4b: {  	v4 =	vld [tilespmem:$0x14030]  }
0x4c: {  	v5 =	vld [tilespmem:$0x14040]  }
0x4d: {  	v6 =	vld [tilespmem:$0x14050];
	v1 =	vshll.u32 v1, $0x1  }
0x4e: {  	v7 =	vld [tilespmem:$0x14060];
	v2 =	vshll.u32 v2, $0x1;
	v1 =	vor.u32 v0, v1  }
0x4f: {  	[tilespmem:$0x14200] =	vst v1;
	v1 =	vor.u32 v0, v2;
	v2 =	vshll.u32 v3, $0x1;
	v3 =	vld [tilespmem:$0x14070]  }
0x50: {  	[tilespmem:$0x14210] =	vst v1;
	v1 =	vor.u32 v0, v2;
	v2 =	vshll.u32 v4, $0x1  }
0x51: {  	[tilespmem:$0x14220] =	vst v1;
	v1 =	vor.u32 v0, v2;
	v2 =	vshll.u32 v5, $0x1  }
0x52: {  	[tilespmem:$0x14230] =	vst v1;
	v1 =	vor.u32 v0, v2;
	v2 =	vshll.u32 v6, $0x1  }
0x53: {  	[tilespmem:$0x14240] =	vst v1;
	v1 =	vor.u32 v0, v2;
	v2 =	vshll.u32 v7, $0x1  }
0x54: {  	[tilespmem:$0x14250] =	vst v1;
	v1 =	vor.u32 v0, v2;
	v2 =	vshll.u32 v3, $0x1  }
0x55: {  	[tilespmem:$0x14260] =	vst v1;
	v1 =	vor.u32 v0, v2  }
0x56: {  	[tilespmem:$0x14270] =	vst v1  }
0x57: {  	[tilespmem:s29], [sflag:$0x2] =	stream.indirect.gather [hbm4b:s2+s22], $0x80, s28, s22, $0xb8;
	[tilespmem:$0x1D280] =	vst v63  }
0x58: {  	_ =	swait.ge [sflag:s30], $0x4000  }
0x59: {  	[sflag:s30] =	ssyncset.done $0x0  }
0x5a: {  	s11 =	simm.s32 $0x0;
	[sflag:s30] =	ssyncadd.s32 $0xFFFFC000  }
0x5b: {  	v1 =	vld [tilespmem:s11+$0x14280];
	_ =	sdelay $0x4  }
0x5c: {  	(v2sf) =	vpush v1, $0x0  }
0x5d: {  	(v2sf) =	vpush v1, $0x4  }
0x5e: {  	(v2sf) =	vpush v1, $0x1  }
0x5f: {  	(v2sf) =	vpush v1, $0x5  }
0x60: {  	(v2sf) =	vpush v1, $0x2  }
0x61: {  	(v2sf) =	vpush v1, $0x6  }
0x62: {  	(v2sf) =	vpush v1, $0x3  }
0x63: {  	(v2sf) =	vpush v1, $0x7;
	_ =	sdelay $0x4  }
0x64: {  	s23 =	simm.s32 $0x152C0  }
0x65: {  	v1 =	vld [tilespmem:s23+$0xFFFFFFC0]  }
0x66: {  	v2 =	vld [tilespmem:s23+$0xFFFFFFD0]  }
0x67: {  	v3 =	vld [tilespmem:s23+$0xFFFFFFE0];
	s9 =	spop (v2sf)  }
0x68: {  	v60 =	vld [tilespmem:s23+$0xFFFFFFF0];
	s11 =	spop (v2sf)  }
0x69: {  	v61 =	vld [tilespmem:s23+$0x0];
	s11 =	smov.u32 @p0 s9;
	s9 =	spop (v2sf)  }
0x6a: {  	v62 =	vld [tilespmem:s23+$0x10];
	v1 =	vmul.f32 s11, v1;
	s12 =	spop (v2sf)  }
0x6b: {  	v63 =	vld [tilespmem:s23+$0x20];
	v2 =	vmul.f32 s11, v2;
	s12 =	smov.u32 @p0 s9;
	s9 =	spop (v2sf)  }
0x6c: {  	v8 =	vld [tilespmem:s23+$0x30];
	[tilespmem:s23+$0xFFFFFFC0] =	vst v1;
	v1 =	vmul.f32 s12, v3;
	s11 =	spop (v2sf)  }
0x6d: {  	v3 =	vmul.f32 s12, v60;
	[tilespmem:s23+$0xFFFFFFD0] =	vst v2;
	s11 =	smov.u32 @p0 s9;
	s9 =	spop (v2sf)  }
0x6e: {  	[tilespmem:s23+$0xFFFFFFE0] =	vst v1;
	v1 =	vmul.f32 s11, v61;
	s12 =	spop (v2sf)  }
0x6f: {  	v2 =	vmul.f32 s11, v62;
	[tilespmem:s23+$0xFFFFFFF0] =	vst v3;
	s12 =	smov.u32 @p0 s9  }
0x70: {  	[tilespmem:s23+$0x0] =	vst v1;
	v1 =	vmul.f32 s12, v63  }
0x71: {  	v3 =	vmul.f32 s12, v8;
	[tilespmem:s23+$0x10] =	vst v2  }
0x72: {  	[tilespmem:s23+$0x20] =	vst v1  }
0x73: {  	s12 =	simm.s32 $0x10;
	[tilespmem:s23+$0x30] =	vst v3  }
0x74: {  	s9 =	simm.s32 $0x80;
	v1 =	vld [tilespmem:s12+$0x14280]  }
.LBB2_3:
0x75: {  	p1 =	sne.s32 s9, $0x1FC0;
	_ =	sdelay $0x3  }
0x76: {  	(v2sf) =	vpush v1, $0x0  }
0x77: {  	(v2sf) =	vpush v1, $0x4  }
0x78: {  	(v2sf) =	vpush v1, $0x1  }
0x79: {  	(v2sf) =	vpush v1, $0x5  }
0x7a: {  	(v2sf) =	vpush v1, $0x2  }
0x7b: {  	(v2sf) =	vpush v1, $0x6  }
0x7c: {  	(v2sf) =	vpush v1, $0x3  }
0x7d: {  	(v2sf) =	vpush v1, $0x7;
	_ =	sdelay $0x3  }
0x7e: {  	s23 =	sadd.s32 $0x80, s23  }
0x7f: {  	v1 =	vld [tilespmem:s23+$0xFFFFFFD0]  }
0x80: {  	v2 =	vld [tilespmem:s23+$0xFFFFFFC0]  }
0x81: {  	v3 =	vld [tilespmem:s23+$0xFFFFFFF0]  }
0x82: {  	v4 =	vld [tilespmem:s23+$0xFFFFFFE0];
	s11 =	spop (v2sf)  }
0x83: {  	v5 =	vld [tilespmem:s23+$0x10];
	s12 =	spop (v2sf)  }
0x84: {  	s12 =	smov.u32 @p0 s11;
	v6 =	vld [tilespmem:s23+$0x0];
	s11 =	spop (v2sf)  }
0x85: {  	v2 =	vmul.f32 s12, v2;
	v1 =	vmul.f32 s12, v1;
	v7 =	vld [tilespmem:s23+$0x30];
	s12 =	spop (v2sf)  }
0x86: {  	s12 =	smov.u32 @p0 s11;
	v8 =	vld [tilespmem:s23+$0x20];
	s11 =	spop (v2sf)  }
0x87: {  	[tilespmem:s23+$0xFFFFFFC0] =	vst v2;
	v2 =	vmul.f32 s12, v4;
	v3 =	vmul.f32 s12, v3;
	s12 =	spop (v2sf)  }
0x88: {  	[tilespmem:s23+$0xFFFFFFD0] =	vst v1;
	s12 =	smov.u32 @p0 s11;
	s11 =	spop (v2sf)  }
0x89: {  	[tilespmem:s23+$0xFFFFFFE0] =	vst v2;
	v1 =	vmul.f32 s12, v6;
	v2 =	vmul.f32 s12, v5;
	s12 =	spop (v2sf)  }
0x8a: {  	[tilespmem:s23+$0xFFFFFFF0] =	vst v3;
	s12 =	smov.u32 @p0 s11  }
.Ltmp0:
0x8b: {  	[tilespmem:s23+$0x0] =	vst v1;
	v1 =	vmul.f32 s12, v8;
	v3 =	vmul.f32 s12, v7;
	(pc) =	sbr.rel @p1 .LBB2_3-.Ltmp0, $4  }
0x8c: {  	[tilespmem:s23+$0x10] =	vst v2  }
0x8d: {  	[tilespmem:s23+$0x20] =	vst v1  }
0x8e: {  	s11 =	sshra.s32 s9, $0x2;
	[tilespmem:s23+$0x30] =	vst v3  }
0x8f: {  	s9 =	sadd.s32 $0x40, s9;
	v1 =	vld [tilespmem:s11+$0x14280]  }
0x90: {  	_ =	sdelay $0x3  }
0x91: {  	(v2sf) =	vpush v1, $0x0  }
0x92: {  	(v2sf) =	vpush v1, $0x4  }
0x93: {  	(v2sf) =	vpush v1, $0x1  }
0x94: {  	(v2sf) =	vpush v1, $0x5  }
0x95: {  	(v2sf) =	vpush v1, $0x2  }
0x96: {  	(v2sf) =	vpush v1, $0x6  }
0x97: {  	(v2sf) =	vpush v1, $0x3  }
0x98: {  	(v2sf) =	vpush v1, $0x7;
	_ =	sdelay $0x4  }
0x99: {  	s9 =	sadd.s32 $0x80, s23  }
0x9a: {  	v1 =	vld [tilespmem:s9+$0xFFFFFFC0]  }
0x9b: {  	v2 =	vld [tilespmem:s9+$0xFFFFFFD0]  }
0x9c: {  	v3 =	vld [tilespmem:s9+$0xFFFFFFE0];
	s11 =	spop (v2sf)  }
0x9d: {  	v4 =	vld [tilespmem:s9+$0xFFFFFFF0];
	s12 =	spop (v2sf)  }
0x9e: {  	v5 =	vld [tilespmem:s9+$0x0];
	s12 =	smov.u32 @p0 s11;
	s11 =	spop (v2sf)  }
0x9f: {  	v6 =	vld [tilespmem:s9+$0x10];
	v1 =	vmul.f32 s12, v1;
	s23 =	spop (v2sf)  }
0xa0: {  	v7 =	vld [tilespmem:s9+$0x20];
	v2 =	vmul.f32 s12, v2;
	s23 =	smov.u32 @p0 s11;
	s11 =	spop (v2sf)  }
0xa1: {  	v8 =	vld [tilespmem:s9+$0x30];
	[tilespmem:s9+$0xFFFFFFC0] =	vst v1;
	v1 =	vmul.f32 s23, v3;
	s12 =	spop (v2sf)  }
0xa2: {  	v3 =	vmul.f32 s23, v4;
	[tilespmem:s9+$0xFFFFFFD0] =	vst v2;
	s12 =	smov.u32 @p0 s11;
	s11 =	spop (v2sf)  }
0xa3: {  	[tilespmem:s9+$0xFFFFFFE0] =	vst v1;
	v1 =	vmul.f32 s12, v5;
	s23 =	spop (v2sf)  }
0xa4: {  	v2 =	vmul.f32 s12, v6;
	[tilespmem:s9+$0xFFFFFFF0] =	vst v3;
	s23 =	smov.u32 @p0 s11  }
0xa5: {  	[tilespmem:s9+$0x0] =	vst v1;
	v1 =	vmul.f32 s23, v7  }
0xa6: {  	v3 =	vmul.f32 s23, v8;
	[tilespmem:s9+$0x10] =	vst v2  }
0xa7: {  	[tilespmem:s9+$0x20] =	vst v1  }
0xa8: {  	p1 =	seq.s32 s1, $0x27;
	[tilespmem:s9+$0x30] =	vst v3  }
0xa9: {  	[spmem:s3] =	stream.indirect.scatter.add.f32 [tilespmem:s24], [sflag:$0x3], $0x80, s20, s22, $0xb8;
	[tilespmem:$0x1D280] =	vst v63  }
0xaa: {  	s9 =	sadd.s32 @!p1 s21, s14;
	_ =	swait.ge [sflag:s18], $0x4000  }
0xab: {  	s23 =	simm.s32 @!p1 $0x14000;
	s11 =	sshrl.u32 @!p1 s9, $0x3;
	[sflag:s18] =	ssyncset.done $0x0  }
0xac: {  	s21 =	simm.s32 @!p1 $0x0;
	s12 =	sadd.s32 @!p1 s5, s11;
	[sflag:s18] =	ssyncadd.s32 $0xFFFFC000  }
0xad: {  	[tilespmem:s23], [sflag:$0x3] =	stream.linear.gather @!p1 [hbm4b:s12+s21], $0x80, $0x38;
	[tilespmem:$0x1D280] =	vst v63  }
0xae: {  	s12 =	simm.s32 @!p1 $0x3  }
0xaf: {  	_ =	swait.ge @!p1 [sflag:s12], $0x80  }
0xb0: {  	[sflag:s12] =	ssyncset.done @!p1 $0x0  }
0xb1: {  	s11 =	sadd.s32 @!p1 s6, s11;
	s23 =	simm.s32 @!p1 $0x14080;
	[sflag:s12] =	ssyncadd.s32 @!p1 $0xFFFFFF80  }
0xb2: {  	[tilespmem:s23], [sflag:$0x3] =	stream.linear.gather @!p1 [hbm4b:s11+s21], $0x80, $0x38;
	[tilespmem:$0x1D280] =	vst v63  }
0xb3: {  	_ =	swait.ge @!p1 [sflag:s12], $0x80  }
0xb4: {  	s9 =	sshll.u32 @!p1 s9, $0x1;
	[sflag:s12] =	ssyncset.done @!p1 $0x0  }
0xb5: {  	s9 =	sadd.s32 @!p1 s7, s9;
	s11 =	simm.s32 @!p1 $0x14280;
	[sflag:s12] =	ssyncadd.s32 @!p1 $0xFFFFFF80  }
0xb6: {  	[tilespmem:s11], [sflag:$0x3] =	stream.linear.gather @!p1 [hbm4b:s9+s21], $0x800, $0x38;
	[tilespmem:$0x1D280] =	vst v63  }
0xb7: {  	_ =	swait.ge @!p1 [sflag:s12], $0x800  }
0xb8: {  	[sflag:s12] =	ssyncset.done @!p1 $0x0  }
0xb9: {  	[sflag:s12] =	ssyncadd.s32 @!p1 $0xFFFFF800  }
0xba: {  	v1 =	vld @!p1 [tilespmem:$0x14000]  }
0xbb: {  	v2 =	vld @!p1 [tilespmem:$0x14010]  }
0xbc: {  	v3 =	vld @!p1 [tilespmem:$0x14020]  }
0xbd: {  	v4 =	vld @!p1 [tilespmem:$0x14030]  }
0xbe: {  	v5 =	vld @!p1 [tilespmem:$0x14040]  }
0xbf: {  	v6 =	vld @!p1 [tilespmem:$0x14050];
	v1 =	vshll.u32 @!p1 v1, $0x1  }
0xc0: {  	v7 =	vld @!p1 [tilespmem:$0x14060];
	v2 =	vshll.u32 @!p1 v2, $0x1;
	v1 =	vor.u32 @!p1 v0, v1  }
0xc1: {  	[tilespmem:$0x14180] =	vst @!p1 v1;
	v1 =	vor.u32 @!p1 v0, v2;
	v2 =	vshll.u32 @!p1 v3, $0x1;
	v3 =	vld @!p1 [tilespmem:$0x14070]  }
0xc2: {  	[tilespmem:$0x14190] =	vst @!p1 v1;
	v1 =	vor.u32 @!p1 v0, v2;
	v2 =	vshll.u32 @!p1 v4, $0x1  }
0xc3: {  	[tilespmem:$0x141A0] =	vst @!p1 v1;
	v1 =	vor.u32 @!p1 v0, v2;
	v2 =	vshll.u32 @!p1 v5, $0x1  }
0xc4: {  	[tilespmem:$0x141B0] =	vst @!p1 v1;
	v1 =	vor.u32 @!p1 v0, v2;
	v2 =	vshll.u32 @!p1 v6, $0x1  }
0xc5: {  	[tilespmem:$0x141C0] =	vst @!p1 v1;
	v1 =	vor.u32 @!p1 v0, v2;
	v2 =	vshll.u32 @!p1 v7, $0x1  }
0xc6: {  	[tilespmem:$0x141D0] =	vst @!p1 v1;
	v1 =	vor.u32 @!p1 v0, v2;
	v2 =	vshll.u32 @!p1 v3, $0x1  }
0xc7: {  	[tilespmem:$0x141E0] =	vst @!p1 v1;
	v1 =	vor.u32 @!p1 v0, v2  }
0xc8: {  	s9 =	simm.s32 @!p1 $0x80;
	s11 =	simm.s32 @!p1 $0x14180;
	s12 =	simm.s32 @!p1 $0x15280;
	[tilespmem:$0x141F0] =	vst @!p1 v1  }
0xc9: {  	[tilespmem:s12], [sflag:$0x1] =	stream.indirect.gather @!p1 [hbm4b:s2+s9], $0x80, s11, s9, $0xb8;
	[tilespmem:$0x1D280] =	vst v63  }
0xca: {  	_ =	swait.ge [sflag:s31], $0x4000  }
0xcb: {  	[sflag:s31] =	ssyncset.done $0x0  }
0xcc: {  	s21 =	simm.s32 $0x0;
	[sflag:s31] =	ssyncadd.s32 $0xFFFFC000  }
0xcd: {  	v1 =	vld [tilespmem:s21+$0x14A80];
	_ =	sdelay $0x4  }
0xce: {  	(v2sf) =	vpush v1, $0x0  }
0xcf: {  	(v2sf) =	vpush v1, $0x4  }
0xd0: {  	(v2sf) =	vpush v1, $0x1  }
0xd1: {  	(v2sf) =	vpush v1, $0x5  }
0xd2: {  	(v2sf) =	vpush v1, $0x2  }
0xd3: {  	(v2sf) =	vpush v1, $0x6  }
0xd4: {  	(v2sf) =	vpush v1, $0x3  }
0xd5: {  	(v2sf) =	vpush v1, $0x7;
	_ =	sdelay $0x4  }
0xd6: {  	s21 =	simm.s32 $0x192C0  }
0xd7: {  	v1 =	vld [tilespmem:s21+$0xFFFFFFC0]  }
0xd8: {  	v2 =	vld [tilespmem:s21+$0xFFFFFFD0]  }
0xd9: {  	v3 =	vld [tilespmem:s21+$0xFFFFFFE0];
	s9 =	spop (v2sf)  }
0xda: {  	v59 =	vld [tilespmem:s21+$0xFFFFFFF0];
	s11 =	spop (v2sf)  }
0xdb: {  	v60 =	vld [tilespmem:s21+$0x0];
	s11 =	smov.u32 @p0 s9;
	s9 =	spop (v2sf)  }
0xdc: {  	v61 =	vld [tilespmem:s21+$0x10];
	v1 =	vmul.f32 s11, v1;
	s12 =	spop (v2sf)  }
0xdd: {  	v62 =	vld [tilespmem:s21+$0x20];
	v2 =	vmul.f32 s11, v2;
	s12 =	smov.u32 @p0 s9;
	s9 =	spop (v2sf)  }
0xde: {  	v63 =	vld [tilespmem:s21+$0x30];
	[tilespmem:s21+$0xFFFFFFC0] =	vst v1;
	v1 =	vmul.f32 s12, v3;
	s11 =	spop (v2sf)  }
0xdf: {  	v3 =	vmul.f32 s12, v59;
	[tilespmem:s21+$0xFFFFFFD0] =	vst v2;
	s11 =	smov.u32 @p0 s9;
	s9 =	spop (v2sf)  }
0xe0: {  	[tilespmem:s21+$0xFFFFFFE0] =	vst v1;
	v1 =	vmul.f32 s11, v60;
	s12 =	spop (v2sf)  }
0xe1: {  	v2 =	vmul.f32 s11, v61;
	[tilespmem:s21+$0xFFFFFFF0] =	vst v3;
	s12 =	smov.u32 @p0 s9  }
0xe2: {  	[tilespmem:s21+$0x0] =	vst v1;
	v1 =	vmul.f32 s12, v62  }
0xe3: {  	v3 =	vmul.f32 s12, v63;
	[tilespmem:s21+$0x10] =	vst v2  }
0xe4: {  	[tilespmem:s21+$0x20] =	vst v1  }
0xe5: {  	s23 =	simm.s32 $0x10;
	[tilespmem:s21+$0x30] =	vst v3  }
0xe6: {  	s9 =	simm.s32 $0x80;
	v1 =	vld [tilespmem:s23+$0x14A80]  }
.LBB2_5:
0xe7: {  	p1 =	sne.s32 s9, $0x1FC0;
	_ =	sdelay $0x3  }
0xe8: {  	(v2sf) =	vpush v1, $0x0  }
0xe9: {  	(v2sf) =	vpush v1, $0x4  }
0xea: {  	(v2sf) =	vpush v1, $0x1  }
0xeb: {  	(v2sf) =	vpush v1, $0x5  }
0xec: {  	(v2sf) =	vpush v1, $0x2  }
0xed: {  	(v2sf) =	vpush v1, $0x6  }
0xee: {  	(v2sf) =	vpush v1, $0x3  }
0xef: {  	(v2sf) =	vpush v1, $0x7;
	_ =	sdelay $0x3  }
0xf0: {  	s21 =	sadd.s32 $0x80, s21  }
0xf1: {  	v1 =	vld [tilespmem:s21+$0xFFFFFFD0]  }
0xf2: {  	v2 =	vld [tilespmem:s21+$0xFFFFFFC0]  }
0xf3: {  	v3 =	vld [tilespmem:s21+$0xFFFFFFF0]  }
0xf4: {  	v4 =	vld [tilespmem:s21+$0xFFFFFFE0];
	s11 =	spop (v2sf)  }
0xf5: {  	v5 =	vld [tilespmem:s21+$0x10];
	s12 =	spop (v2sf)  }
0xf6: {  	s12 =	smov.u32 @p0 s11;
	v6 =	vld [tilespmem:s21+$0x0];
	s11 =	spop (v2sf)  }
0xf7: {  	v2 =	vmul.f32 s12, v2;
	v1 =	vmul.f32 s12, v1;
	v7 =	vld [tilespmem:s21+$0x30];
	s12 =	spop (v2sf)  }
0xf8: {  	s12 =	smov.u32 @p0 s11;
	v8 =	vld [tilespmem:s21+$0x20];
	s11 =	spop (v2sf)  }
0xf9: {  	[tilespmem:s21+$0xFFFFFFC0] =	vst v2;
	v2 =	vmul.f32 s12, v4;
	v3 =	vmul.f32 s12, v3;
	s12 =	spop (v2sf)  }
0xfa: {  	[tilespmem:s21+$0xFFFFFFD0] =	vst v1;
	s12 =	smov.u32 @p0 s11;
	s11 =	spop (v2sf)  }
0xfb: {  	[tilespmem:s21+$0xFFFFFFE0] =	vst v2;
	v1 =	vmul.f32 s12, v6;
	v2 =	vmul.f32 s12, v5;
	s12 =	spop (v2sf)  }
0xfc: {  	[tilespmem:s21+$0xFFFFFFF0] =	vst v3;
	s12 =	smov.u32 @p0 s11  }
.Ltmp1:
0xfd: {  	[tilespmem:s21+$0x0] =	vst v1;
	v1 =	vmul.f32 s12, v8;
	v3 =	vmul.f32 s12, v7;
	(pc) =	sbr.rel @p1 .LBB2_5-.Ltmp1, $4  }
0xfe: {  	[tilespmem:s21+$0x10] =	vst v2  }
0xff: {  	[tilespmem:s21+$0x20] =	vst v1  }
0x100: {  	s11 =	sshra.s32 s9, $0x2;
	[tilespmem:s21+$0x30] =	vst v3  }
0x101: {  	s9 =	sadd.s32 $0x40, s9;
	v1 =	vld [tilespmem:s11+$0x14A80]  }
0x102: {  	_ =	sdelay $0x3  }
0x103: {  	(v2sf) =	vpush v1, $0x0  }
0x104: {  	(v2sf) =	vpush v1, $0x4  }
0x105: {  	(v2sf) =	vpush v1, $0x1  }
0x106: {  	(v2sf) =	vpush v1, $0x5  }
0x107: {  	(v2sf) =	vpush v1, $0x2  }
0x108: {  	(v2sf) =	vpush v1, $0x6  }
0x109: {  	(v2sf) =	vpush v1, $0x3  }
0x10a: {  	(v2sf) =	vpush v1, $0x7;
	_ =	sdelay $0x4  }
0x10b: {  	s9 =	sadd.s32 $0x80, s21  }
0x10c: {  	v1 =	vld [tilespmem:s9+$0xFFFFFFC0]  }
0x10d: {  	v2 =	vld [tilespmem:s9+$0xFFFFFFD0]  }
0x10e: {  	v3 =	vld [tilespmem:s9+$0xFFFFFFE0];
	s11 =	spop (v2sf)  }
0x10f: {  	v4 =	vld [tilespmem:s9+$0xFFFFFFF0];
	s12 =	spop (v2sf)  }
0x110: {  	v5 =	vld [tilespmem:s9+$0x0];
	s12 =	smov.u32 @p0 s11;
	s11 =	spop (v2sf)  }
0x111: {  	v6 =	vld [tilespmem:s9+$0x10];
	v1 =	vmul.f32 s12, v1;
	s21 =	spop (v2sf)  }
0x112: {  	v7 =	vld [tilespmem:s9+$0x20];
	v2 =	vmul.f32 s12, v2;
	s21 =	smov.u32 @p0 s11;
	s11 =	spop (v2sf)  }
0x113: {  	v8 =	vld [tilespmem:s9+$0x30];
	[tilespmem:s9+$0xFFFFFFC0] =	vst v1;
	v1 =	vmul.f32 s21, v3;
	s12 =	spop (v2sf)  }
0x114: {  	v3 =	vmul.f32 s21, v4;
	[tilespmem:s9+$0xFFFFFFD0] =	vst v2;
	s12 =	smov.u32 @p0 s11;
	s11 =	spop (v2sf)  }
0x115: {  	[tilespmem:s9+$0xFFFFFFE0] =	vst v1;
	v1 =	vmul.f32 s12, v5;
	s21 =	spop (v2sf)  }
0x116: {  	v2 =	vmul.f32 s12, v6;
	[tilespmem:s9+$0xFFFFFFF0] =	vst v3;
	s21 =	smov.u32 @p0 s11  }
0x117: {  	[tilespmem:s9+$0x0] =	vst v1;
	v1 =	vmul.f32 s21, v7  }
0x118: {  	s1 =	sadd.s32 $0x1, s1;
	v3 =	vmul.f32 s21, v8;
	[tilespmem:s9+$0x10] =	vst v2  }
0x119: {  	p1 =	sne.s32 s1, $0x28;
	[tilespmem:s9+$0x20] =	vst v1  }
.Ltmp2:
0x11a: {  	[tilespmem:s9+$0x30] =	vst v3;
	(pc) =	sbr.rel @p1 .LBB2_2-.Ltmp2, $4  }
0x11b: {  	[spmem:s3] =	stream.indirect.scatter.add.f32 [tilespmem:s29], [sflag:$0x3], $0x80, s25, s22, $0xb8;
	[tilespmem:$0x1D280] =	vst v63  }
0x11c: {  	_ =	swait.ge [sflag:s18], $0x4000  }
0x11d: {  	[sflag:s18] =	ssyncset.done $0x0  }
0x11e: {  	[sflag:s18] =	ssyncadd.s32 $0xFFFFC000  }
0x11f: {  	s0 =	sadd.s32 $0x1, s0  }
0x120: {  	p1 =	sne.s32 s0, s16  }
.Ltmp3:
0x121: {  	[bflag:$0x0] =	sbarrier.arrive $0xFFFF;
	(pc) =	sbr.rel @p1 .LBB2_1-.Ltmp3, $4  }
0x122: {  	[hbm:s15], [sflag:s10] =	dma.local [spmem:s17], $0x2800  }
0x123: {  	_ =	swait.ge [sflag:s18], $0x2800  }
0x124: {  	[sflag:s18] =	ssyncset.done $0x0  }
0x125: {  	[sflag:s18] =	ssyncadd.s32 $0xFFFFD800  }
0x126: {  	_ =	sfence.sel $0x180000  }
0x127: {  	[bflag:$0x0] =	sbarrier.arrive $0xFFFF  }
0x128: {  	_ =	strace $0x9000004A  }
0x129: {  	s0 =	stileid.u32;
	[bflag:$0x2] =	sbarrier.arrive $0xFFFF  }
0x12a: {  	p0 =	sne.s32 s0, $0x0;
	s0 =	rddreg [dreg:$0x3]  }
0x12b: {  	s0 =	sadd.s32 @!p0 $0x100000, s0  }
0x12c: {  	[sflag:s0] =	ssyncadd.tile.s32 @!p0 $0x1;
	_ =	shalt  }
.Lfunc_end2:
_tile_overlayer_lowered:
.L_overlay_start_2:
0x12d: {  	(tag) =	ssettag $0x2  }
0x12e: {  	s0 =	rddreg [dreg:$0x0];
	s2 =	stileid.u32  }
0x12f: {  	s1 =	rddreg [dreg:$0x1];
	p0 =	sne.s32 s2, $0x0  }
0x130: {  	s3 =	rddreg [dreg:$0x2];
	[bflag:$0x3] =	sbarrier.arrive $0xFFFF;
	s2 =	simm.s32 @!p0 $0x1C03  }
0x131: {  	[timem:s3], [sflag:s2] =	dma.local @!p0 [hbm:s0], s1  }
0x132: {  	s0 =	simm.s32 @!p0 $0x3  }
0x133: {  	_ =	swait.ge @!p0 [sflag:s0], s1  }
0x134: {  	s1 =	ssub.s32 @!p0 $0x0, s1;
	[sflag:s0] =	ssyncset.done @!p0 $0x0  }
0x135: {  	[sflag:s0] =	ssyncadd.s32 @!p0 s1  }
0x136: {  	[bflag:$0x3] =	sbarrier.arrive $0xFFFF  }
0x137: {  	_ =	shalt  }

// kernel: kernel.7.cloned.1.call-start
scs
__scs_entry_jumppad:
0x0: {  	(pc) =	sbr.rel $0x88, $3  }
0x1: {  	(tag) =	ssettag $0x0;
	lr =	simm.s32 $0x1  }
0x2: {  	[smem:$0x3F98] =	sst lr;
	_ =	strace $0xD0000000  }
0x3: {  	_ = 	snop  }
0x4: {  	_ = 	snop  }
0x5: {  	_ = 	snop  }
0x6: {  	_ = 	snop  }
0x7: {  	_ = 	snop  }
__scs_overlays_trampoline_lowered:
0x8: {  	[smem:$0x3FA7] =	sst s0  }
0x9: {  	[smem:$0x3FA8] =	sst s1  }
0xa: {  	[smem:$0x3FA9] =	sst s2  }
0xb: {  	[smem:$0x3FAA] =	sst s3  }
0xc: {  	[smem:$0x3FAB] =	sst s4  }
0xd: {  	[smem:$0x3FAC] =	sst s5  }
0xe: {  	[smem:$0x3FAD] =	sst s6  }
0xf: {  	[smem:$0x3FAE] =	sst s7  }
0x10: {  	[smem:$0x3FAF] =	sst s8  }
0x11: {  	[smem:$0x3FB0] =	sst s9;
	s0 =	simm.s32 @!p0 $0x0  }
0x12: {  	s1 =	sld [smem:$0x3F96];
	s0 =	simm.s32 @p0 $0x1  }
0x13: {  	[smem:$0x3FB1] =	sst s0;
	s0 =	simm.s32 @!p1 $0x0  }
0x14: {  	s2 =	sld [smem:$0x3F95];
	s0 =	simm.s32 @p1 $0x1  }
0x15: {  	[smem:$0x3FB2] =	sst s0;
	s0 =	simm.s32 @!p2 $0x0  }
0x16: {  	s3 =	sld [smem:$0x3FDB];
	s0 =	simm.s32 @p2 $0x1  }
0x17: {  	s4 =	simm.s32 $0x1BF5;
	[smem:$0x3FB4] =	sst s0  }
0x18: {  	s0 =	sld [smem:$0x3F97];
	_ =	swait.ge [sflag:s4], $0x0  }
0x19: {  	s7 =	sld [smem:$0x3F98]  }
0x1a: {  	s8 =	sadd.s32 $0xFFFFE003, lr  }
0x1b: {  	s9 =	sadd.s32 $0xFFFFFEF7, lr;
	s5 =	simm.s32 $0xFFFFFFFF;
	p2 =	slt.u32 s8, $0xFFFFF086  }
0x1c: {  	p1 =	slt.u32 s9, $0xF7A;
	s5 =	simm.s32 @!p2 $0x0  }
0x1d: {  	s5 =	simm.s32 @p1 $0x1;
	p0 =	seq.s32 s7, s2  }
0x1e: {  	s7 =	smul.u32 @!p0 $0xF7A, s2;
	p2 =	seq.s32 @!p0 s5, $0x0  }
0x1f: {  	s9 =	smul.u32 $0xF7A, s1;
	s8 =	simm.s32 @!p0 $0x1BF5;
	p2 =	por !p2, p0  }
0x20: {  	[sflag:s8] =	ssyncset.s32 @!p0 $0xFFFFF086;
	s6 =	sadd.s32 @!p0 s3, s7;
	s7 =	simm.s32 @!p0 $0x108  }
0x21: {  	s3 =	sadd.s32 s3, s9;
	s6 =	sadd.s32 @!p0 $0x88, s6;
	s7 =	simm.s32 @p2 $0x1082  }
0x22: {  	[simem:s7], [sflag:s8] =	dma.local @!p0 [hbm:s6], $0xF7A  }
0x23: {  	s9 =	sor.u32 $0xD0000000, s2;
	s6 =	simm.s32 $0x108;
	_ =	swait.ge @!p0 [sflag:s8], $0x0  }
0x24: {  	s3 =	sadd.s32 $0x88, s3;
	s6 =	simm.s32 @!p1 $0x1082;
	[sflag:s4] =	ssyncset.s32 $0xFFFFF086  }
0x25: {  	[simem:s6], [sflag:s4] =	dma.local [hbm:s3], $0xF7A  }
0x26: {  	[smem:$0x3F98] =	sst s1;
	(tag) =	ssettag s2;
	_ =	strace s9  }
0x27: {  	s1 =	sld [smem:$0x3FA8]  }
0x28: {  	s2 =	sld [smem:$0x3FA9]  }
0x29: {  	s4 =	sld [smem:$0x3FAB]  }
0x2a: {  	p0 =	seq.s32 s5, $0x0;
	s5 =	sld [smem:$0x3FAC]  }
0x2b: {  	s6 =	sld [smem:$0x3FAD]  }
0x2c: {  	s7 =	sld [smem:$0x3FAE]  }
0x2d: {  	s3 =	simm.s32 $0x108;
	s8 =	sld [smem:$0x3FAF]  }
0x2e: {  	s3 =	simm.s32 @!p0 $0x1082;
	s9 =	sld [smem:$0x3FB0]  }
0x2f: {  	lr =	sadd.s32 s0, s3;
	s0 =	sld [smem:$0x3FA7]  }
0x30: {  	s3 =	sld [smem:$0x3FAA]  }
0x31: {  	[smem:$0x3FB3] =	sst s10  }
0x32: {  	s10 =	sld [smem:$0x3FB1];
	_ =	sdelay $0x3  }
0x33: {  	p0 =	seq.s32 s10, $0x1;
	s10 =	sld [smem:$0x3FB3];
	_ =	sdelay $0x3  }
0x34: {  	[smem:$0x3FB3] =	sst s10  }
0x35: {  	s10 =	sld [smem:$0x3FB2];
	_ =	sdelay $0x3  }
0x36: {  	p1 =	seq.s32 s10, $0x1;
	s10 =	sld [smem:$0x3FB3];
	_ =	sdelay $0x3  }
0x37: {  	[smem:$0x3FB3] =	sst s10  }
0x38: {  	s10 =	sld [smem:$0x3FB4]  }
0x39: {  	_ = 	snop;
	(pc) =	sbr.ind lr, $3  }
0x3a: {  	_ = 	snop  }
0x3b: {  	_ = 	snop  }
0x3c: {  	p2 =	seq.s32 s10, $0x1;
	s10 =	sld [smem:$0x3FB3]  }
0x3d: {  	_ =	shalt  }
0x3e: {  	_ =	shalt  }
0x3f: {  	_ =	shalt  }
0x40: {  	_ =	shalt  }
0x41: {  	_ =	shalt  }
0x42: {  	_ =	shalt  }
0x43: {  	_ =	shalt  }
0x44: {  	_ =	shalt  }
0x45: {  	_ =	shalt  }
0x46: {  	_ =	shalt  }
0x47: {  	_ =	shalt  }
0x48: {  	_ =	shalt  }
0x49: {  	_ =	shalt  }
0x4a: {  	_ =	shalt  }
0x4b: {  	_ =	shalt  }
0x4c: {  	_ =	shalt  }
0x4d: {  	_ =	shalt  }
0x4e: {  	_ =	shalt  }
0x4f: {  	_ =	shalt  }
0x50: {  	_ =	shalt  }
0x51: {  	_ =	shalt  }
0x52: {  	_ =	shalt  }
0x53: {  	_ =	shalt  }
0x54: {  	_ =	shalt  }
0x55: {  	_ =	shalt  }
0x56: {  	_ =	shalt  }
0x57: {  	_ =	shalt  }
0x58: {  	_ =	shalt  }
0x59: {  	_ =	shalt  }
0x5a: {  	_ =	shalt  }
0x5b: {  	_ =	shalt  }
0x5c: {  	_ =	shalt  }
0x5d: {  	_ =	shalt  }
0x5e: {  	_ =	shalt  }
0x5f: {  	_ =	shalt  }
0x60: {  	_ =	shalt  }
0x61: {  	_ =	shalt  }
0x62: {  	_ =	shalt  }
0x63: {  	_ =	shalt  }
0x64: {  	_ =	shalt  }
0x65: {  	_ =	shalt  }
0x66: {  	_ =	shalt  }
0x67: {  	_ =	shalt  }
0x68: {  	_ =	shalt  }
0x69: {  	_ =	shalt  }
0x6a: {  	_ =	shalt  }
0x6b: {  	_ =	shalt  }
0x6c: {  	_ =	shalt  }
0x6d: {  	_ =	shalt  }
0x6e: {  	_ =	shalt  }
0x6f: {  	_ =	shalt  }
0x70: {  	_ =	shalt  }
0x71: {  	_ =	shalt  }
0x72: {  	_ =	shalt  }
0x73: {  	_ =	shalt  }
0x74: {  	_ =	shalt  }
0x75: {  	_ =	shalt  }
0x76: {  	_ =	shalt  }
0x77: {  	_ =	shalt  }
0x78: {  	_ =	shalt  }
0x79: {  	_ =	shalt  }
0x7a: {  	_ =	shalt  }
0x7b: {  	_ =	shalt  }
0x7c: {  	_ =	shalt  }
0x7d: {  	_ =	shalt  }
0x7e: {  	_ =	shalt  }
0x7f: {  	_ =	shalt  }
0x80: {  	_ =	shalt  }
0x81: {  	_ =	shalt  }
0x82: {  	_ =	shalt  }
0x83: {  	_ =	shalt  }
0x84: {  	_ =	shalt  }
0x85: {  	_ =	shalt  }
0x86: {  	_ =	shalt  }
0x87: {  	_ =	shalt  }
.Lfunc_end0:
.L_simem_size_0:
called_computation_lowered:
.L_overlay_start_0:
0x88: {  	s2 =	sld [smem:$0x3FD9]  }
0x89: {  	s3 =	sld [smem:$0x3FFE];
	_ =	sdelay $0x1  }
0x8a: {  	s1 =	srdreg.scid  }
0x8b: {  	s0 =	sand.u32 $0x1, s1  }
0x8c: {  	s16 =	sshll.u32 s0, $0xA;
	s2 =	sadd.s32 s3, s2  }
0x8d: {  	s2 =	sadd.s32 s2, s16  }
0x8e: {  	[smem:$0x3FBF] =	sst s2  }
0x8f: {  	_ = 	snop  }
0x90: {  	(tm) =	ssettm $0x1  }
0x91: {  	s17 =	sld [smem:$0x3FFB];
	_ =	sdelay $0x3  }
0x92: {  	_ =	strace s17  }
0x93: {  	s2 =	sld [smem:$0x3FFC];
	_ =	sdelay $0x3  }
0x94: {  	_ =	strace s2  }
0x95: {  	s2 =	sld [smem:$0x3FFD];
	_ =	sdelay $0x3  }
0x96: {  	_ =	strace s2  }
0x97: {  	_ =	strace $0x8FFFFFFF  }
0x98: {  	s18 =	sld [smem:$0x3FDB];
	_ =	sdelay $0x1  }
0x99: {  	s19 =	simm.s32 $_scs_section_size  }
0x9a: {  	s4 =	simm.s32 $_size__tile_overlayer_lowered;
	s5 =	simm.s32 $_tile_overlayer_lowered  }
0x9b: {  	s22 =	simm.s32 $0x1BFF;
	s21 =	sshll.u32 s5, $0x1;
	s2 =	sadd.s32 s19, s18  }
0x9c: {  	s6 =	simm.s32 $0x0;
	s20 =	sshll.u32 s4, $0x1;
	s4 =	sadd.s32 s21, s2  }
0x9d: {  	[timem:s6], [sflag:s22] =	dma.local [hbm:s4], s20  }
0x9e: {  	_ =	swait.ge [sflag:s22], s20  }
0x9f: {  	s3 =	ssub.s32 $0x0, s20;
	[sflag:s22] =	ssyncset.done $0x0  }
0xa0: {  	[sflag:s22] =	ssyncadd.s32 s3;
	_ =	sdelay $0x1  }
0xa1: {  	s23 =	simm.s32 $0x1B8B  }
0xa2: {  	_ =	swait.ge [sflag:s23], $0x1  }
0xa3: {  	[sflag:s23] =	ssyncset.done $0x0  }
0xa4: {  	s25 =	simm.s32 $0x1B8E;
	s24 =	sld [smem:$0x3FFE];
	[sflag:s23] =	ssyncadd.s32 $0xFFFFFFFF  }
0xa5: {  	s26 =	simm.s32 $execute0_lowered;
	[smem:$0x3FD2] =	sst s25  }
0xa6: {  	s4 =	sshll.u32 s26, $0x1;
	_ =	strace $0x80000046;
	[dreg:$0x1] =	wrdreg $0xFFFFFFFF  }
0xa7: {  	s28 =	simm.s32 $_size_execute0_lowered;
	s2 =	sadd.s32 s2, s4;
	[dreg:$0x0] =	wrdreg $0x0  }
0xa8: {  	s4 =	sshll.u32 s28, $0x1;
	[dreg:$0x2] =	wrdreg s2  }
0xa9: {  	[dreg:$0x3] =	wrdreg s4  }
0xaa: {  	[dreg:$0x4] =	wrdreg $0xC0  }
0xab: {  	_ =	task [dreg:s6], $0x5FFFF  }
0xac: {  	[dreg:$0x1] =	wrdreg $0xFFFFFFFF  }
0xad: {  	[dreg:$0x0] =	wrdreg $0x60  }
0xae: {  	[dreg:$0x2] =	wrdreg s24  }
0xaf: {  	[dreg:$0x3] =	wrdreg $0x0  }
0xb0: {  	[dreg:$0x4] =	wrdreg $0x28000  }
0xb1: {  	[dreg:$0x5] =	wrdreg $0x50000  }
0xb2: {  	[dreg:$0x6] =	wrdreg $0x9  }
0xb3: {  	_ =	task.clear_ibuf [dreg:s6], $0x7FFFF;
	_ =	strace $0x90000046  }
0xb4: {  	s29 =	simm.s32 $0x9;
	_ =	strace $0x80000048  }
0xb5: {  	_ =	swait.ge [sflag:s29], $0x1  }
0xb6: {  	[sflag:s29] =	ssyncadd.s32 $0xFFFFFFFF  }
0xb7: {  	_ =	strace $0x90000048  }
0xb8: {  	_ =	sfence  }
0xb9: {  	s30 =	sld [smem:$0x0];
	_ =	sdelay $0x2  }
0xba: {  	s31 =	sshll.u32 s1, $0xD;
	s1 =	sshrl.u32 s1, $0x2  }
0xbb: {  	s3 =	sand.u32 $0x4000, s31;
	s1 =	sadd.s32 s1, s30  }
0xbc: {  	s0 =	sor.u32 s3, s0;
	s1 =	sshll.u32 s1, $0x11  }
0xbd: {  	s0 =	sor.u32 s1, s0  }
0xbe: {  	s0 =	sadd.s32 $0x8F2B, s0  }
0xbf: {  	[sflag:s0] =	ssyncadd.remote.s32 $0x1  }
0xc0: {  	_ =	sfence.sel $0xFFFF  }
0xc1: {  	[dreg:$0x0] =	wrdreg $0xFFFFFFFF;
	(pc) =	sbr.abs _section_cstart, $3  }
0xc2: {  	[dreg:$0x1] =	wrdreg $0xFFFFFFFF  }
0xc3: {  	_ =	task.clear_ibuf [dreg:s6], $0x2FFFF;
	_ =	strace $0x9FFFFFFF  }
0xc4: {  	(tm) =	ssettm $0x7FFFFFFF  }
0xc5: {  	_ =	shalt  }
tec
execute0_lowered:
.L_overlay_start_1:
0x0: {  	(tag) =	ssettag $0x1  }
0x1: {  	s0 =	rddreg [dreg:$0x0]  }
0x2: {  	s25 =	rddreg [dreg:$0x1]  }
0x3: {  	s3 =	rddreg [dreg:$0x2]  }
0x4: {  	s5 =	rddreg [dreg:$0x3]  }
0x5: {  	s1 =	simm.s32 $0x0;
	s2 =	stileid.u32;
	s4 =	srdreg.scid  }
0x6: {  	s29 =	simm.s32 $0x3;
	s30 =	simm.s32 $0xBA00;
	[smem:$0x7FF] =	sst s1  }
0x7: {  	s6 =	sadd.s32 $0xFE000, s0;
	s22 =	smul.u32 $0x2800, s2;
	s7 =	sadd.s32 $0x103000, s0  }
0x8: {  	s8 =	sadd.s32 $0x7A00, s0;
	s4 =	sand.u32 $0x1, s4;
	s9 =	sadd.s32 $0xF4000, s0  }
0x9: {  	s10 =	sadd.s32 $0xF9000, s0;
	s12 =	sadd.s32 $0x2A00, s0;
	s24 =	sshll.u32 s2, $0x6  }
0xa: {  	_ =	strace $0x80000047;
	s13 =	smul.u32 $0x28000, s4;
	[dreg:$0x5] =	wrdreg s12  }
0xb: {  	s12 =	sadd.s32 $0x12B000, s0;
	s14 =	ssub.s32 $0x2, s4;
	s4 =	sshll.u32 s4, $0x4  }
0xc: {  	s11 =	sshrl.u32 s22, $0x3;
	s4 =	sor.u32 s2, s4;
	s23 =	sadd.s32 s22, s25  }
0xd: {  	s17 =	sadd.s32 s22, s3;
	s1 =	sadd.s32 s22, s5;
	[dreg:$0x6] =	wrdreg s23  }
0xe: {  	s11 =	sadd.s32 s11, s0;
	s26 =	smul.u32 $0x1400, s4;
	[dreg:$0x9] =	wrdreg s17  }
0xf: {  	s13 =	sadd.s32 s22, s13;
	s16 =	smul.u32 $0x2800, s4;
	[dreg:$0xa] =	wrdreg s1  }
0x10: {  	s21 =	smul.u32 $0x14000, s4;
	s13 =	sshrl.u32 s13, $0x3;
	s11 =	sadd.s32 $0x108000, s11  }
0x11: {  	s15 =	sshrl.u32 s14, $0x1;
	s0 =	sadd.s32 s13, s0;
	[dreg:$0x7] =	wrdreg s11  }
0x12: {  	s18 =	sshrl.u32 s26, $0x3;
	s20 =	sadd.s32 s8, s16;
	[dreg:$0xe] =	wrdreg s21  }
0x13: {  	s28 =	smov.u32 s26;
	s26 =	sor.u32 $0x100, s26;
	[dreg:$0xd] =	wrdreg s20  }
0x14: {  	s13 =	ssub.s32 s14, s15;
	s14 =	sor.u32 $0x1C03, s24;
	[dreg:$0x13] =	wrdreg s26  }
0x15: {  	s31 =	simm.s32 $0xB200;
	s19 =	sadd.s32 s6, s18;
	[dreg:$0x8] =	wrdreg s14  }
0x16: {  	s2 =	simm.s32 $0x0;
	s1 =	sadd.s32 s7, s18;
	[dreg:$0xb] =	wrdreg s19  }
0x17: {  	s17 =	simm.s32 $0x7980;
	s22 =	sadd.s32 $0x10D000, s0;
	[dreg:$0xc] =	wrdreg s1  }
0x18: {  	s11 =	simm.s32 $0x80;
	s23 =	sadd.s32 $0x121000, s0;
	[dreg:$0xf] =	wrdreg s22  }
0x19: {  	s21 =	simm.s32 $0x1;
	s0 =	sadd.s32 $0x117000, s0;
	[dreg:$0x10] =	wrdreg s23  }
0x1a: {  	s24 =	smax.u32 s13, $0x1;
	s13 =	simm.s32 $0x7880;
	[dreg:$0x11] =	wrdreg s0  }
0x1b: {  	s18 =	simm.s32 $0xA200;
	[dreg:$0x12] =	wrdreg s24;
	s0 =	simm.s32 $0x7900  }
0x1c: {  	s23 =	simm.s32 $0xAA00;
	s24 =	simm.s32 $0x2;
	s22 =	simm.s32 $0x0  }
.LBB2_1:
0x1d: {  	[dreg:$0x14] =	wrdreg s2  }
0x1e: {  	s1 =	rddreg [dreg:$0x6]  }
0x1f: {  	s16 =	rddreg [dreg:$0x7];
	s15 =	sshrl.u32 s1, $0x3  }
0x20: {  	[dreg:$0x15] =	wrdreg s15  }
0x21: {  	[spmem:s15], [sflag:s14] =	dma.local [hbm:s16], $0x500  }
0x22: {  	_ =	swait.ge [sflag:s29], $0x500  }
0x23: {  	s19 =	rddreg [dreg:$0x9]  }
0x24: {  	[sflag:s29] =	ssyncset.done $0x0;
	s2 =	sshrl.u32 s19, $0x3  }
0x25: {  	[sflag:s29] =	ssyncadd.s32 $0xFFFFFB00;
	[dreg:$0x16] =	wrdreg s2  }
0x26: {  	[spmem:s2], [sflag:s14] =	dma.local [hbm:s16], $0x500  }
0x27: {  	_ =	swait.ge [sflag:s29], $0x500  }
0x28: {  	s20 =	rddreg [dreg:$0xa]  }
0x29: {  	[sflag:s29] =	ssyncset.done $0x0;
	s2 =	sshrl.u32 s20, $0x3  }
0x2a: {  	[sflag:s29] =	ssyncadd.s32 $0xFFFFFB00;
	[dreg:$0x17] =	wrdreg s2  }
0x2b: {  	[spmem:s2], [sflag:s14] =	dma.local [hbm:s16], $0x500  }
0x2c: {  	_ =	swait.ge [sflag:s29], $0x500  }
0x2d: {  	[sflag:s29] =	ssyncset.done $0x0  }
0x2e: {  	s26 =	simm.s32 $0x0;
	s4 =	rddreg [dreg:$0x5];
	[sflag:s29] =	ssyncadd.s32 $0xFFFFFB00  }
0x2f: {  	[tilespmem:s30], [sflag:$0x3] =	stream.linear.gather [hbm4b:s4+s26], $0x800, $0x38;
	[tilespmem:$0xC200] =	vst v63  }
0x30: {  	_ =	swait.ge [sflag:s29], $0x800  }
0x31: {  	[sflag:s29] =	ssyncset.done $0x0  }
0x32: {  	[sflag:s29] =	ssyncadd.s32 $0xFFFFF800  }
0x33: {  	[bflag:$0x0] =	sbarrier.arrive $0xFFFF  }
0x34: {  	s4 =	simm.s32 $0x7800;
	s14 =	rddreg [dreg:$0xb]  }
0x35: {  	[tilespmem:s4], [sflag:$0x3] =	stream.linear.gather [hbm4b:s14+s26], $0x80, $0x38;
	[tilespmem:$0xC200] =	vst v63  }
0x36: {  	_ =	swait.ge [sflag:s29], $0x80  }
0x37: {  	[sflag:s29] =	ssyncset.done $0x0  }
0x38: {  	s15 =	rddreg [dreg:$0xc];
	[sflag:s29] =	ssyncadd.s32 $0xFFFFFF80  }
0x39: {  	[tilespmem:s0], [sflag:$0x3] =	stream.linear.gather [hbm4b:s15+s26], $0x80, $0x38;
	[tilespmem:$0xC200] =	vst v63  }
0x3a: {  	_ =	swait.ge [sflag:s29], $0x80  }
0x3b: {  	[sflag:s29] =	ssyncset.done $0x0  }
0x3c: {  	s19 =	simm.s32 $0x9A00;
	s16 =	rddreg [dreg:$0xd];
	[sflag:s29] =	ssyncadd.s32 $0xFFFFFF80  }
0x3d: {  	[tilespmem:s19], [sflag:$0x3] =	stream.linear.gather [hbm4b:s16+s26], $0x800, $0x38;
	[tilespmem:$0xC200] =	vst v63  }
0x3e: {  	_ =	swait.ge [sflag:s29], $0x800  }
0x3f: {  	[sflag:s29] =	ssyncset.done $0x0  }
0x40: {  	s20 =	simm.s32 $0x7A00;
	[sflag:s29] =	ssyncadd.s32 $0xFFFFF800  }
0x41: {  	[tilespmem:s20], [sflag:$0x1] =	stream.indirect.gather [hbm4b:s9+s11], $0x10, s4, s11, $0xb8;
	[tilespmem:$0xC200] =	vst v63  }
0x42: {  	s15 =	simm.s32 $0x0;
	s26 =	simm.s32 $0x8A00  }
0x43: {  	[tilespmem:s26], [sflag:$0x1] =	stream.indirect.gather [hbm4b:s10+s11], $0x10, s0, s11, $0xb8;
	[tilespmem:$0xC200] =	vst v63  }
.LBB2_2:
0x44: {  	s16 =	sshll.u32 s15, $0x8  }
0x45: {  	s1 =	sadd.s32 s16, s28  }
0x46: {  	s1 =	sadd.s32 $0x80, s1  }
0x47: {  	s4 =	sshrl.u32 s1, $0x3  }
0x48: {  	s20 =	simm.s32 $0x0;
	s19 =	sadd.s32 s6, s4  }
0x49: {  	[tilespmem:s13], [sflag:$0x3] =	stream.linear.gather [hbm4b:s19+s20], $0x80, $0x38;
	[tilespmem:$0xC200] =	vst v63  }
0x4a: {  	_ =	swait.ge [sflag:s29], $0x80  }
0x4b: {  	[sflag:s29] =	ssyncset.done $0x0  }
0x4c: {  	s4 =	sadd.s32 s7, s4;
	[sflag:s29] =	ssyncadd.s32 $0xFFFFFF80  }
0x4d: {  	[tilespmem:s17], [sflag:$0x3] =	stream.linear.gather [hbm4b:s4+s20], $0x80, $0x38;
	[tilespmem:$0xC200] =	vst v63  }
0x4e: {  	s1 =	sshll.u32 s1, $0x1;
	_ =	swait.ge [sflag:s29], $0x80  }
0x4f: {  	s26 =	sand.u32 $0x1FFFFF00, s1;
	[sflag:s29] =	ssyncset.done $0x0  }
0x50: {  	s1 =	sadd.s32 s8, s26;
	[sflag:s29] =	ssyncadd.s32 $0xFFFFFF80  }
0x51: {  	[tilespmem:s18], [sflag:$0x3] =	stream.linear.gather [hbm4b:s1+s20], $0x800, $0x38;
	[tilespmem:$0xC200] =	vst v63  }
0x52: {  	_ =	swait.ge [sflag:s29], $0x800  }
0x53: {  	[sflag:s29] =	ssyncset.done $0x0  }
0x54: {  	s14 =	smov.u32 s5;
	s20 =	simm.s32 $0x8200;
	[sflag:s29] =	ssyncadd.s32 $0xFFFFF800  }
0x55: {  	[tilespmem:s20], [sflag:$0x2] =	stream.indirect.gather [hbm4b:s9+s11], $0x10, s13, s11, $0xb8;
	[tilespmem:$0xC200] =	vst v63  }
0x56: {  	s5 =	smov.u32 s3;
	s3 =	smov.u32 s25;
	s25 =	simm.s32 $0x9200  }
0x57: {  	[tilespmem:s25], [sflag:$0x2] =	stream.indirect.gather [hbm4b:s10+s11], $0x10, s17, s11, $0xb8;
	[tilespmem:$0xC200] =	vst v63  }
0x58: {  	_ =	swait.ge [sflag:s21], $0x800  }
0x59: {  	[sflag:s21] =	ssyncset.done $0x0  }
0x5a: {  	[sflag:s21] =	ssyncadd.s32 $0xFFFFF800  }
0x5b: {  	_ =	swait.ge [sflag:s21], $0x800  }
0x5c: {  	[sflag:s21] =	ssyncset.done $0x0  }
0x5d: {  	s25 =	simm.s32 $0x0;
	[sflag:s21] =	ssyncadd.s32 $0xFFFFF800  }
0x5e: {  	v0 =	vld [tilespmem:s25+$0x7A00]  }
0x5f: {  	s19 =	simm.s32 $0x10;
	v1 =	vld [tilespmem:s25+$0x8A00]  }
0x60: {  	v2 =	vld [tilespmem:s19+$0x7A00]  }
0x61: {  	v3 =	vld [tilespmem:s19+$0x8A00]  }
0x62: {  	v4 =	vld [tilespmem:s25+$0x9A00];
	_ =	sdelay $0x1  }
0x63: {  	v5 =	vld [tilespmem:s19+$0x9A00]  }
0x64: {  	s20 =	simm.s32 $0x20;
	v0 =	vadd.f32 v1, v0  }
0x65: {  	v1 =	vld [tilespmem:s20+$0x7A00]  }
0x66: {  	v2 =	vadd.f32 v3, v2;
	v3 =	vld [tilespmem:s20+$0x8A00];
	v0 =	vadd.f32 v4, v0;
	_ =	sdelay $0x1  }
0x67: {  	v2 =	vadd.f32 v5, v2;
	v5 =	vmul.f32 $2.000000030e-01, v0  }
0x68: {  	vm0 =	vgt.f32 v0, $0.0e+00  }
0x69: {  	v0 =	vsel vm0, v0, v5  }
0x6a: {  	v1 =	vadd.f32 v3, v1;
	v3 =	vmul.f32 $1.442695020e+00, v0  }
0x6b: {  	v6 =	vmul.f32 $2.000000030e-01, v2  }
0x6c: {  	v4 =	vld [tilespmem:s20+$0x9A00];
	vm15 =	vgt.f32 v2, $0.0e+00;
	(erf) = vpow2.f32 v3  }
0x6d: {  	v2 =	vsel vm15, v2, v6  }
0x6e: {  	s4 =	simm.s32 $0x30;
	v5 =	vmul.f32 $1.442695020e+00, v2  }
0x6f: {  	v0 =	vld [tilespmem:s4+$0x7A00]  }
0x70: {  	v3 =	vld [tilespmem:s4+$0x8A00];
	(erf) = vpow2.f32 v5  }
0x71: {  	v1 =	vadd.f32 v4, v1  }
0x72: {  	v2 =	vld [tilespmem:s4+$0x9A00]  }
0x73: {  	s1 =	simm.s32 $0x100;
	v4 =	vmul.f32 $2.000000030e-01, v1  }
.LBB2_3:
0x74: {  	s2 =	sshra.s32 s1, $0x2;
	vm0 =	vgt.f32 v1, $0.0e+00;
	p0 =	sne.s32 s1, $0x1FC0  }
.Ltmp0:
0x75: {  	s1 =	sadd.s32 $0x40, s1;
	v5 =	vadd.f32 v3, v0;
	v0 =	vld [tilespmem:s2+$0x7A00];
	v1 =	vsel vm0, v1, v4;
	v4 =	vpop (erf);
	(pc) =	sbr.rel @p0 .LBB2_3-.Ltmp0, $4  }
0x76: {  	v3 =	vld [tilespmem:s2+$0x8A00];
	v6 =	vmul.f32 $1.442695020e+00, v1;
	[tilespmem:s25+$0xAA00] =	vst v4;
	s25 =	smov.u32 s19;
	s19 =	smov.u32 s20;
	s20 =	smov.u32 s4  }
0x77: {  	s4 =	smov.u32 s2;
	v1 =	vadd.f32 v2, v5  }
0x78: {  	v2 =	vld [tilespmem:s4+$0x9A00];
	(erf) = vpow2.f32 v6  }
0x79: {  	v4 =	vmul.f32 $2.000000030e-01, v1  }
0x7a: {  	_ = 	snop  }
0x7b: {  	v0 =	vadd.f32 v3, v0;
	_ =	sdelay $0x1  }
0x7c: {  	v0 =	vadd.f32 v2, v0;
	_ =	sdelay $0x1  }
0x7d: {  	vm0 =	vgt.f32 v1, $0.0e+00;
	v2 =	vmul.f32 $2.000000030e-01, v0  }
0x7e: {  	v1 =	vsel vm0, v1, v4;
	vm13 =	vgt.f32 v0, $0.0e+00  }
0x7f: {  	v1 =	vmul.f32 $1.442695020e+00, v1;
	v0 =	vsel vm13, v0, v2  }
0x80: {  	v0 =	vmul.f32 $1.442695020e+00, v0  }
0x81: {  	(erf) = vpow2.f32 v1  }
0x82: {  	(erf) = vpow2.f32 v0;
	_ =	sdelay $0x5  }
0x83: {  	v0 =	vpop (erf)  }
0x84: {  	s1 =	sshll.u32 s15, $0xC;
	s2 =	rddreg [dreg:$0xe];
	v1 =	vpop (erf);
	[tilespmem:s25+$0xAA00] =	vst v0  }
0x85: {  	s1 =	sadd.s32 s2, s1;
	[tilespmem:s19+$0xAA00] =	vst v1;
	v0 =	vpop (erf)  }
0x86: {  	s1 =	sshrl.u32 s1, $0x3;
	[tilespmem:s20+$0xAA00] =	vst v0;
	v0 =	vpop (erf)  }
0x87: {  	s1 =	sadd.s32 s12, s1;
	[tilespmem:s4+$0xAA00] =	vst v0  }
0x88: {  	[hbm4b:s1+s22] =	stream.linear.scatter [tilespmem:s23], [sflag:$0x3], $0x800, $0x38;
	[tilespmem:$0xC200] =	vst v63  }
0x89: {  	_ =	swait.ge [sflag:s29], $0x800  }
0x8a: {  	[sflag:s29] =	ssyncset.done $0x0  }
0x8b: {  	[sflag:s29] =	ssyncadd.s32 $0xFFFFF800  }
0x8c: {  	[spmem:s3] =	stream.indirect.scatter.add.f32 [tilespmem:s23], [sflag:$0x3], $0x10, s0, s11, $0xb8;
	[tilespmem:$0xC200] =	vst v63  }
0x8d: {  	_ =	swait.ge [sflag:s29], $0x800  }
0x8e: {  	[sflag:s29] =	ssyncset.done $0x0  }
0x8f: {  	s20 =	simm.s32 $0x9A00;
	[sflag:s29] =	ssyncadd.s32 $0xFFFFF800  }
0x90: {  	[spmem:s5] =	stream.indirect.scatter.add.f32 [tilespmem:s20], [sflag:$0x3], $0x10, s0, s11, $0xb8;
	[tilespmem:$0xC200] =	vst v63  }
0x91: {  	_ =	swait.ge [sflag:s29], $0x800  }
0x92: {  	[sflag:s29] =	ssyncset.done $0x0  }
0x93: {  	[sflag:s29] =	ssyncadd.s32 $0xFFFFF800  }
0x94: {  	[spmem:s14] =	stream.indirect.scatter.add.f32 [tilespmem:s30], [sflag:$0x3], $0x10, s0, s11, $0xb8;
	[tilespmem:$0xC200] =	vst v63  }
0x95: {  	_ =	swait.ge [sflag:s29], $0x800  }
0x96: {  	p0 =	seq.s32 s15, $0x13;
	s1 =	rddreg [dreg:$0x13]  }
0x97: {  	s1 =	sadd.s32 @!p0 s16, s1  }
0x98: {  	s19 =	simm.s32 @!p0 $0x7800;
	[sflag:s29] =	ssyncset.done $0x0;
	s2 =	sshrl.u32 @!p0 s1, $0x3  }
0x99: {  	[sflag:s29] =	ssyncadd.s32 $0xFFFFF800;
	s16 =	simm.s32 @!p0 $0x0;
	s4 =	sadd.s32 @!p0 s6, s2  }
0x9a: {  	[tilespmem:s19], [sflag:$0x3] =	stream.linear.gather @!p0 [hbm4b:s4+s16], $0x80, $0x38;
	[tilespmem:$0xC200] =	vst v63  }
0x9b: {  	s4 =	simm.s32 @!p0 $0x3  }
0x9c: {  	_ =	swait.ge @!p0 [sflag:s4], $0x80  }
0x9d: {  	[sflag:s4] =	ssyncset.done @!p0 $0x0  }
0x9e: {  	s20 =	simm.s32 @!p0 $0x7900;
	s2 =	sadd.s32 @!p0 s7, s2;
	[sflag:s4] =	ssyncadd.s32 @!p0 $0xFFFFFF80  }
0x9f: {  	[tilespmem:s20], [sflag:$0x3] =	stream.linear.gather @!p0 [hbm4b:s2+s16], $0x80, $0x38;
	[tilespmem:$0xC200] =	vst v63  }
0xa0: {  	s1 =	sshll.u32 @!p0 s1, $0x1;
	_ =	swait.ge @!p0 [sflag:s4], $0x80  }
0xa1: {  	s1 =	sand.u32 @!p0 $0x1FFFFE00, s1;
	[sflag:s4] =	ssyncset.done @!p0 $0x0  }
0xa2: {  	s1 =	sadd.s32 @!p0 s8, s1;
	s2 =	simm.s32 @!p0 $0x9A00;
	[sflag:s4] =	ssyncadd.s32 @!p0 $0xFFFFFF80  }
0xa3: {  	[tilespmem:s2], [sflag:$0x3] =	stream.linear.gather @!p0 [hbm4b:s1+s16], $0x800, $0x38;
	[tilespmem:$0xC200] =	vst v63  }
0xa4: {  	_ =	swait.ge @!p0 [sflag:s4], $0x800  }
0xa5: {  	[sflag:s4] =	ssyncset.done @!p0 $0x0  }
0xa6: {  	s1 =	simm.s32 @!p0 $0x80;
	s2 =	simm.s32 @!p0 $0x7A00;
	[sflag:s4] =	ssyncadd.s32 @!p0 $0xFFFFF800  }
0xa7: {  	[tilespmem:s2], [sflag:$0x1] =	stream.indirect.gather @!p0 [hbm4b:s9+s1], $0x10, s19, s1, $0xb8;
	[tilespmem:$0xC200] =	vst v63  }
0xa8: {  	s2 =	simm.s32 @!p0 $0x8A00  }
0xa9: {  	[tilespmem:s2], [sflag:$0x1] =	stream.indirect.gather @!p0 [hbm4b:s10+s1], $0x10, s20, s1, $0xb8;
	[tilespmem:$0xC200] =	vst v63  }
0xaa: {  	_ =	swait.ge [sflag:s24], $0x800  }
0xab: {  	[sflag:s24] =	ssyncset.done $0x0  }
0xac: {  	[sflag:s24] =	ssyncadd.s32 $0xFFFFF800  }
0xad: {  	_ =	swait.ge [sflag:s24], $0x800  }
0xae: {  	[sflag:s24] =	ssyncset.done $0x0  }
0xaf: {  	s16 =	simm.s32 $0x0;
	[sflag:s24] =	ssyncadd.s32 $0xFFFFF800  }
0xb0: {  	v0 =	vld [tilespmem:s16+$0x8200]  }
0xb1: {  	s19 =	simm.s32 $0x10;
	v1 =	vld [tilespmem:s16+$0x9200]  }
0xb2: {  	v2 =	vld [tilespmem:s19+$0x8200]  }
0xb3: {  	v3 =	vld [tilespmem:s19+$0x9200]  }
0xb4: {  	v4 =	vld [tilespmem:s16+$0xA200];
	_ =	sdelay $0x1  }
0xb5: {  	v5 =	vld [tilespmem:s19+$0xA200]  }
0xb6: {  	s20 =	simm.s32 $0x20;
	v0 =	vadd.f32 v1, v0  }
0xb7: {  	v1 =	vld [tilespmem:s20+$0x8200]  }
0xb8: {  	v2 =	vadd.f32 v3, v2;
	v3 =	vld [tilespmem:s20+$0x9200];
	v0 =	vadd.f32 v4, v0;
	_ =	sdelay $0x1  }
0xb9: {  	v2 =	vadd.f32 v5, v2;
	v5 =	vmul.f32 $2.000000030e-01, v0  }
0xba: {  	vm14 =	vgt.f32 v0, $0.0e+00  }
0xbb: {  	v0 =	vsel vm14, v0, v5  }
0xbc: {  	v1 =	vadd.f32 v3, v1;
	v3 =	vmul.f32 $1.442695020e+00, v0  }
0xbd: {  	v6 =	vmul.f32 $2.000000030e-01, v2  }
0xbe: {  	v4 =	vld [tilespmem:s20+$0xA200];
	vm15 =	vgt.f32 v2, $0.0e+00;
	(erf) = vpow2.f32 v3  }
0xbf: {  	v2 =	vsel vm15, v2, v6  }
0xc0: {  	s4 =	simm.s32 $0x30;
	v5 =	vmul.f32 $1.442695020e+00, v2  }
0xc1: {  	v0 =	vld [tilespmem:s4+$0x8200]  }
0xc2: {  	v3 =	vld [tilespmem:s4+$0x9200];
	(erf) = vpow2.f32 v5  }
0xc3: {  	v1 =	vadd.f32 v4, v1  }
0xc4: {  	s25 =	smov.u32 s3;
	v2 =	vld [tilespmem:s4+$0xA200]  }
0xc5: {  	s3 =	smov.u32 s5;
	s5 =	smov.u32 s14;
	s1 =	simm.s32 $0x100;
	v4 =	vmul.f32 $2.000000030e-01, v1  }
.LBB2_5:
0xc6: {  	s2 =	sshra.s32 s1, $0x2;
	vm0 =	vgt.f32 v1, $0.0e+00;
	p0 =	sne.s32 s1, $0x1FC0  }
.Ltmp1:
0xc7: {  	s1 =	sadd.s32 $0x40, s1;
	v5 =	vadd.f32 v3, v0;
	v0 =	vld [tilespmem:s2+$0x8200];
	v1 =	vsel vm0, v1, v4;
	v4 =	vpop (erf);
	(pc) =	sbr.rel @p0 .LBB2_5-.Ltmp1, $4  }
0xc8: {  	v3 =	vld [tilespmem:s2+$0x9200];
	v6 =	vmul.f32 $1.442695020e+00, v1;
	[tilespmem:s16+$0xB200] =	vst v4;
	s16 =	smov.u32 s19;
	s19 =	smov.u32 s20;
	s20 =	smov.u32 s4  }
0xc9: {  	s4 =	smov.u32 s2;
	v1 =	vadd.f32 v2, v5  }
0xca: {  	v2 =	vld [tilespmem:s4+$0xA200];
	(erf) = vpow2.f32 v6  }
0xcb: {  	v4 =	vmul.f32 $2.000000030e-01, v1  }
0xcc: {  	_ = 	snop  }
0xcd: {  	v0 =	vadd.f32 v3, v0;
	_ =	sdelay $0x1  }
0xce: {  	v0 =	vadd.f32 v2, v0;
	_ =	sdelay $0x1  }
0xcf: {  	vm0 =	vgt.f32 v1, $0.0e+00;
	v2 =	vmul.f32 $2.000000030e-01, v0  }
0xd0: {  	v1 =	vsel vm0, v1, v4;
	vm15 =	vgt.f32 v0, $0.0e+00  }
0xd1: {  	v1 =	vmul.f32 $1.442695020e+00, v1;
	v0 =	vsel vm15, v0, v2  }
0xd2: {  	v0 =	vmul.f32 $1.442695020e+00, v0  }
0xd3: {  	(erf) = vpow2.f32 v1  }
0xd4: {  	(erf) = vpow2.f32 v0;
	_ =	sdelay $0x5  }
0xd5: {  	v60 =	vpop (erf)  }
0xd6: {  	[tilespmem:s16+$0xB200] =	vst v60;
	v61 =	vpop (erf)  }
0xd7: {  	[tilespmem:s19+$0xB200] =	vst v61;
	v62 =	vpop (erf)  }
0xd8: {  	[tilespmem:s20+$0xB200] =	vst v62;
	v63 =	vpop (erf)  }
0xd9: {  	s1 =	sadd.s32 s12, s26;
	[tilespmem:s4+$0xB200] =	vst v63  }
0xda: {  	[hbm4b:s1+s22] =	stream.linear.scatter [tilespmem:s31], [sflag:$0x3], $0x800, $0x38;
	[tilespmem:$0xC200] =	vst v63  }
0xdb: {  	_ =	swait.ge [sflag:s29], $0x800  }
0xdc: {  	[sflag:s29] =	ssyncset.done $0x0  }
0xdd: {  	[sflag:s29] =	ssyncadd.s32 $0xFFFFF800  }
0xde: {  	[spmem:s25] =	stream.indirect.scatter.add.f32 [tilespmem:s31], [sflag:$0x3], $0x10, s17, s11, $0xb8;
	[tilespmem:$0xC200] =	vst v63  }
0xdf: {  	_ =	swait.ge [sflag:s29], $0x800  }
0xe0: {  	[sflag:s29] =	ssyncset.done $0x0  }
0xe1: {  	[sflag:s29] =	ssyncadd.s32 $0xFFFFF800  }
0xe2: {  	[spmem:s3] =	stream.indirect.scatter.add.f32 [tilespmem:s18], [sflag:$0x3], $0x10, s17, s11, $0xb8;
	[tilespmem:$0xC200] =	vst v63  }
0xe3: {  	s15 =	sadd.s32 $0x1, s15;
	_ =	swait.ge [sflag:s29], $0x800  }
0xe4: {  	p0 =	sne.s32 s15, $0x14;
	[sflag:s29] =	ssyncset.done $0x0  }
.Ltmp2:
0xe5: {  	[sflag:s29] =	ssyncadd.s32 $0xFFFFF800;
	(pc) =	sbr.rel @p0 .LBB2_2-.Ltmp2, $4  }
0xe6: {  	[spmem:s5] =	stream.indirect.scatter.add.f32 [tilespmem:s30], [sflag:$0x3], $0x10, s17, s11, $0xb8;
	[tilespmem:$0xC200] =	vst v63  }
0xe7: {  	_ =	swait.ge [sflag:s29], $0x800  }
0xe8: {  	[sflag:s29] =	ssyncset.done $0x0  }
0xe9: {  	[sflag:s29] =	ssyncadd.s32 $0xFFFFF800  }
0xea: {  	[bflag:$0x0] =	sbarrier.arrive $0xFFFF  }
0xeb: {  	s14 =	rddreg [dreg:$0x8]  }
0xec: {  	s1 =	rddreg [dreg:$0xf]  }
0xed: {  	s2 =	rddreg [dreg:$0x15]  }
0xee: {  	[hbm:s1], [sflag:s14] =	dma.local [spmem:s2], $0x500  }
0xef: {  	_ =	swait.ge [sflag:s29], $0x500  }
0xf0: {  	[sflag:s29] =	ssyncset.done $0x0;
	s4 =	rddreg [dreg:$0x10]  }
0xf1: {  	s15 =	rddreg [dreg:$0x16];
	[sflag:s29] =	ssyncadd.s32 $0xFFFFFB00  }
0xf2: {  	[hbm:s4], [sflag:s14] =	dma.local [spmem:s15], $0x500  }
0xf3: {  	_ =	swait.ge [sflag:s29], $0x500  }
0xf4: {  	[sflag:s29] =	ssyncset.done $0x0;
	s16 =	rddreg [dreg:$0x11]  }
0xf5: {  	s19 =	rddreg [dreg:$0x17];
	[sflag:s29] =	ssyncadd.s32 $0xFFFFFB00  }
0xf6: {  	[hbm:s16], [sflag:s14] =	dma.local [spmem:s19], $0x500  }
0xf7: {  	_ =	swait.ge [sflag:s29], $0x500  }
0xf8: {  	s20 =	rddreg [dreg:$0x14]  }
0xf9: {  	s26 =	rddreg [dreg:$0x12];
	s2 =	sadd.s32 $0x1, s20  }
0xfa: {  	p0 =	sne.s32 s2, s26  }
.Ltmp3:
0xfb: {  	_ = 	snop;
	(pc) =	sbr.rel @p0 .LBB2_1-.Ltmp3, $3  }
0xfc: {  	_ =	sdelay $0x1  }
0xfd: {  	[sflag:s29] =	ssyncset.done $0x0  }
0xfe: {  	[sflag:s29] =	ssyncadd.s32 $0xFFFFFB00  }
0xff: {  	_ =	sfence.sel $0x180000  }
0x100: {  	[bflag:$0x0] =	sbarrier.arrive $0xFFFF  }
0x101: {  	_ =	strace $0x90000047  }
0x102: {  	s0 =	stileid.u32;
	[bflag:$0x2] =	sbarrier.arrive $0xFFFF  }
0x103: {  	p0 =	sne.s32 s0, $0x0;
	s0 =	rddreg [dreg:$0x4]  }
0x104: {  	s0 =	sadd.s32 @!p0 $0x100000, s0  }
0x105: {  	[sflag:s0] =	ssyncadd.tile.s32 @!p0 $0x1;
	_ =	shalt  }
.Lfunc_end2:
_tile_overlayer_lowered:
.L_overlay_start_2:
0x106: {  	(tag) =	ssettag $0x2  }
0x107: {  	s0 =	rddreg [dreg:$0x0];
	s2 =	stileid.u32  }
0x108: {  	s1 =	rddreg [dreg:$0x1];
	p0 =	sne.s32 s2, $0x0  }
0x109: {  	s3 =	rddreg [dreg:$0x2];
	[bflag:$0x3] =	sbarrier.arrive $0xFFFF;
	s2 =	simm.s32 @!p0 $0x1C03  }
0x10a: {  	[timem:s3], [sflag:s2] =	dma.local @!p0 [hbm:s0], s1  }
0x10b: {  	s0 =	simm.s32 @!p0 $0x3  }
0x10c: {  	_ =	swait.ge @!p0 [sflag:s0], s1  }
0x10d: {  	s1 =	ssub.s32 @!p0 $0x0, s1;
	[sflag:s0] =	ssyncset.done @!p0 $0x0  }
0x10e: {  	[sflag:s0] =	ssyncadd.s32 @!p0 s1  }
0x10f: {  	[bflag:$0x3] =	sbarrier.arrive $0xFFFF  }
0x110: {  	_ =	shalt  }

</sc_bundles>
